<compile_context>
chip_gen: v7x
topology: tpu7x:2x2x1
jax: 0.10.2.dev20260603
libtpu: 0.0.44.dev20260713+nightly
codegen_flags: <defaults>
</compile_context>

<pallas_src>
import functools

import jax
import jax.numpy as jnp
from jax import lax
from jax.experimental import pallas as pl
from jax.experimental.pallas import tpu as pltpu
from jax.experimental.pallas import tpu_sc as plsc

_NUM_CORES = 2
_NUM_SUBCORES = 16
_NW = _NUM_CORES * _NUM_SUBCORES
_NBUF = 16
_GD = 8


@functools.lru_cache(maxsize=None)
def _make_gather(V, D, Bt, H, Hp, Dp):
    rows_per_w = Bt // _NW
    mesh = plsc.VectorSubcoreMesh(core_axis_name="c", subcore_axis_name="s")

    @functools.partial(
        pl.kernel,
        out_type=jax.ShapeDtypeStruct((Bt, Hp, Dp), jnp.float32),
        mesh=mesh,
        scratch_types=[
            pltpu.VMEM((rows_per_w, H), jnp.int32),
            pltpu.VMEM((_NBUF, H, D), jnp.float32),
            pltpu.SemaphoreType.DMA,
            pltpu.SemaphoreType.DMA,
        ],
        compiler_params=pltpu.CompilerParams(use_tc_tiling_on_sc=False),
    )
    def k(table_hbm, idx_hbm, out_hbm, idx_v, rows_v, gsem, wsem):
        wid = lax.axis_index("s") * _NUM_CORES + lax.axis_index("c")
        rbase = wid * rows_per_w
        pltpu.sync_copy(idx_hbm.at[pl.ds(rbase, rows_per_w)], idx_v)

        def g_start(m, s):
            pltpu.async_copy(table_hbm.at[idx_v.at[m]], rows_v.at[s], gsem)

        def g_wait(m, s):
            pltpu.make_async_copy(table_hbm.at[idx_v.at[m]], rows_v.at[s], gsem).wait()

        def w_start(m, s):
            pltpu.async_copy(
                rows_v.at[s],
                out_hbm.at[rbase + m, pl.ds(0, H), pl.ds(0, D)], wsem)

        def w_wait(m, s):
            pltpu.make_async_copy(
                rows_v.at[s],
                out_hbm.at[rbase + m, pl.ds(0, H), pl.ds(0, D)], wsem).wait()

        for m in range(_GD):
            g_start(m, m)
        for m in range(_NBUF - _GD):
            g_wait(m, m % _NBUF)
            w_start(m, m % _NBUF)
            g_start(m + _GD, (m + _GD) % _NBUF)

        n_main = (rows_per_w - _NBUF) // _NBUF

        def body(g, carry):
            m0 = (_NBUF - _GD) + g * _NBUF
            for b in range(_NBUF):
                m = m0 + b
                s = (_NBUF - _GD + b) % _NBUF
                sn = b
                g_wait(m, s)
                w_start(m, s)
                w_wait(m + _GD - _NBUF, sn)
                g_start(m + _GD, sn)
            return carry

        lax.fori_loop(0, n_main, body, 0)

        for i in range(_GD):
            m = rows_per_w - _GD + i
            g_wait(m, m % _NBUF)
            w_start(m, m % _NBUF)
        for i in range(_NBUF):
            m = rows_per_w - _NBUF + i
            w_wait(m, m % _NBUF)

    return k


def kernel(token_ids, embedding):
    Bt, H = token_ids.shape
    V, D = embedding.shape
    Hp = (H + 7) // 8 * 8
    Dp = 128
    out = _make_gather(V, D, Bt, H, Hp, Dp)(embedding, token_ids.astype(jnp.int32))
    return out[:, :H, :D]

# --- scband reference (transcript-rebuilt; emitter-appended) ---
"""Pipeline reference for scband-embedding-13795434955419 (READ-ONLY COPY).

The authoritative reference and input builder live on the scoring server;
editing this copy changes nothing except your own understanding.
"""

import jax, jax.numpy as jnp
import numpy as np

NUM_EMBEDDINGS = 1000000
EMBEDDING_DIM = 64
BATCH = 16384
HIST = 50

def setup_inputs(seed: int = 0) -> dict:
    key = jax.random.key(seed)
    k1, k2 = jax.random.split(key)
    token_ids = jax.random.randint(k1, (BATCH, HIST), 0, NUM_EMBEDDINGS, dtype=jnp.int64 if jax.config.read('jax_enable_x64') else jnp.int32)
    # truncated-normal initialized embedding table (matches torch trunc_normal_ default [-2, 2])
    embedding = jax.random.truncated_normal(k2, -2.0, 2.0, (NUM_EMBEDDINGS, EMBEDDING_DIM), dtype=jnp.float32)
    return {"token_ids": token_ids, "embedding": embedding}

def reference(token_ids, embedding):
    # Faithful translation of: return self.embedding[token_ids]
    return jnp.take(embedding, token_ids, axis=0)

if __name__ == "__main__":
    import jax
    _d = setup_inputs()
    print(jax.jit(kernel)(*tuple(_d.values())))

</pallas_src>

<mosaic_0001>
#map = affine_map<(d0, d1) -> (0, 0)>
#map1 = affine_map<(d0, d1) -> (0, 0, 0)>
module attributes {stable_mosaic.version = 14 : i64} {
  func.func @k(%arg0: i32, %arg1: i32, %arg2: memref<1000000x64xf32, #tpu.memory_space<hbm>>, %arg3: memref<16384x50xi32, #tpu.memory_space<hbm>>, %arg4: memref<16384x56x128xf32, #tpu.memory_space<hbm>>, %arg5: memref<512x50xi32, #tpu.memory_space<vmem>>, %arg6: memref<16x50x64xf32, #tpu.memory_space<vmem>>, %arg7: memref<!tpu.dma_semaphore, #tpu.memory_space<semaphore_mem>>, %arg8: memref<!tpu.dma_semaphore, #tpu.memory_space<semaphore_mem>>) attributes {dimension_semantics = [#tpu.dimension_semantics<core_parallel>, #tpu.dimension_semantics<subcore_parallel>], iteration_bounds = array<i64: 2, 16>, scalar_prefetch = 0 : i64, scratch_operands = 4 : i64, tpu.core_type = #tpu.core_type<sc_vector_subcore>, window_params = [{transform_indices = #map}, {transform_indices = #map}, {transform_indices = #map1}]} {
    %mul3A = arith.constant 2 : i32
    %mul3A_0 = arith.muli %arg1, %mul3A : i32
    %add3A = arith.addi %mul3A_0, %arg0 : i32
    %mul3A_1 = arith.constant 512 : i32
    %mul3A_2 = arith.muli %add3A, %mul3A_1 : i32
    "tpu.region"() ({
      %run_scoped3A = tpu.sem_alloc : memref<!tpu.dma_semaphore, #tpu.memory_space<semaphore_mem>>
      %dma_start3A_998 = arith.constant 0 : i32
      %dma_start3A_999 = tpu.memref_slice %arg3[%mul3A_2, %dma_start3A_998] : memref<16384x50xi32, #tpu.memory_space<hbm>> -> memref<512x50xi32, #tpu.memory_space<hbm>>
      %dma_start3A_1000 = arith.constant 0 : i32
      %dma_start3A_1001 = tpu.memref_slice %arg3[%mul3A_2, %dma_start3A_1000] : memref<16384x50xi32, #tpu.memory_space<hbm>> -> memref<512x50xi32, #tpu.memory_space<hbm>>
      tpu.enqueue_dma source(%dma_start3A_1001 : memref<512x50xi32, #tpu.memory_space<hbm>>) target(%arg5 : memref<512x50xi32, #tpu.memory_space<vmem>>) target_semaphore(%run_scoped3A : memref<!tpu.dma_semaphore, #tpu.memory_space<semaphore_mem>>)
      %dma_wait3A_1002 = arith.constant 0 : i32
      %dma_wait3A_1003 = tpu.memref_slice %arg3[%mul3A_2, %dma_wait3A_1002] : memref<16384x50xi32, #tpu.memory_space<hbm>> -> memref<512x50xi32, #tpu.memory_space<hbm>>
      %dma_wait3A_1004 = arith.constant 0 : i32
      %dma_wait3A_1005 = tpu.memref_slice %arg3[%mul3A_2, %dma_wait3A_1004] : memref<16384x50xi32, #tpu.memory_space<hbm>> -> memref<512x50xi32, #tpu.memory_space<hbm>>
      tpu.wait_dma2 semaphore(%run_scoped3A : memref<!tpu.dma_semaphore, #tpu.memory_space<semaphore_mem>>) src(%dma_wait3A_1005 : memref<512x50xi32, #tpu.memory_space<hbm>>) dst(%arg5 : memref<512x50xi32, #tpu.memory_space<vmem>>)
      tpu.yield
    }) : () -> ()
    %dma_start3A = arith.constant 0 : i32
    %dma_start3A_3 = arith.constant 0 : i32
    %dma_start3A_4 = arith.constant 0 : i32
    %dma_start3A_5 = arith.constant 0 : i32
    %dma_start3A_6 = tpu.memref_slice %arg6[%dma_start3A_3, %dma_start3A_4, %dma_start3A_5] : memref<16x50x64xf32, #tpu.memory_space<vmem>> -> memref<1x50x64xf32, #tpu.memory_space<vmem>>
    %dma_start3A_7 = tpu.memref_squeeze %dma_start3A_6 : memref<1x50x64xf32, #tpu.memory_space<vmem>> -> memref<50x64xf32, #tpu.memory_space<vmem>>
    %dma_start3A_8 = arith.constant 0 : i32
    %dma_start3A_9 = tpu.memref_slice %arg5[%dma_start3A, %dma_start3A_8] : memref<512x50xi32, #tpu.memory_space<vmem>> -> memref<1x50xi32, #tpu.memory_space<vmem>>
    %dma_start3A_10 = tpu.memref_squeeze %dma_start3A_9 : memref<1x50xi32, #tpu.memory_space<vmem>> -> memref<50xi32, #tpu.memory_space<vmem>>
    %dma_start3A_11 = arith.constant 0 : i32
    %dma_start3A_12 = arith.constant 0 : i32
    %dma_start3A_13 = tpu.memref_slice %arg2[%dma_start3A_11, %dma_start3A_12] : memref<1000000x64xf32, #tpu.memory_space<hbm>> -> memref<1000000x64xf32, #tpu.memory_space<hbm>>
    tpu.enqueue_indirect_dma source(%dma_start3A_13 : memref<1000000x64xf32, #tpu.memory_space<hbm>>) target(%dma_start3A_7 : memref<50x64xf32, #tpu.memory_space<vmem>>) offsets(%dma_start3A_10 : memref<50xi32, #tpu.memory_space<vmem>>) semaphore(%arg7 : memref<!tpu.dma_semaphore, #tpu.memory_space<semaphore_mem>>)
    %dma_start3A_14 = arith.constant 1 : i32
    %dma_start3A_15 = arith.constant 1 : i32
    %dma_start3A_16 = arith.constant 0 : i32
    %dma_start3A_17 = arith.constant 0 : i32
    %dma_start3A_18 = tpu.memref_slice %arg6[%dma_start3A_15, %dma_start3A_16, %dma_start3A_17] : memref<16x50x64xf32, #tpu.memory_space<vmem>> -> memref<1x50x64xf32, #tpu.memory_space<vmem>>
    %dma_start3A_19 = tpu.memref_squeeze %dma_start3A_18 : memref<1x50x64xf32, #tpu.memory_space<vmem>> -> memref<50x64xf32, #tpu.memory_space<vmem>>
    %dma_start3A_20 = arith.constant 0 : i32
    %dma_start3A_21 = tpu.memref_slice %arg5[%dma_start3A_14, %dma_start3A_20] : memref<512x50xi32, #tpu.memory_space<vmem>> -> memref<1x50xi32, #tpu.memory_space<vmem>>
    %dma_start3A_22 = tpu.memref_squeeze %dma_start3A_21 : memref<1x50xi32, #tpu.memory_space<vmem>> -> memref<50xi32, #tpu.memory_space<vmem>>
    %dma_start3A_23 = arith.constant 0 : i32
    %dma_start3A_24 = arith.constant 0 : i32
    %dma_start3A_25 = tpu.memref_slice %arg2[%dma_start3A_23, %dma_start3A_24] : memref<1000000x64xf32, #tpu.memory_space<hbm>> -> memref<1000000x64xf32, #tpu.memory_space<hbm>>
    tpu.enqueue_indirect_dma source(%dma_start3A_25 : memref<1000000x64xf32, #tpu.memory_space<hbm>>) target(%dma_start3A_19 : memref<50x64xf32, #tpu.memory_space<vmem>>) offsets(%dma_start3A_22 : memref<50xi32, #tpu.memory_space<vmem>>) semaphore(%arg7 : memref<!tpu.dma_semaphore, #tpu.memory_space<semaphore_mem>>)
    %dma_start3A_26 = arith.constant 2 : i32
    %dma_start3A_27 = arith.constant 2 : i32
    %dma_start3A_28 = arith.constant 0 : i32
    %dma_start3A_29 = arith.constant 0 : i32
    %dma_start3A_30 = tpu.memref_slice %arg6[%dma_start3A_27, %dma_start3A_28, %dma_start3A_29] : memref<16x50x64xf32, #tpu.memory_space<vmem>> -> memref<1x50x64xf32, #tpu.memory_space<vmem>>
    %dma_start3A_31 = tpu.memref_squeeze %dma_start3A_30 : memref<1x50x64xf32, #tpu.memory_space<vmem>> -> memref<50x64xf32, #tpu.memory_space<vmem>>
    %dma_start3A_32 = arith.constant 0 : i32
    %dma_start3A_33 = tpu.memref_slice %arg5[%dma_start3A_26, %dma_start3A_32] : memref<512x50xi32, #tpu.memory_space<vmem>> -> memref<1x50xi32, #tpu.memory_space<vmem>>
    %dma_start3A_34 = tpu.memref_squeeze %dma_start3A_33 : memref<1x50xi32, #tpu.memory_space<vmem>> -> memref<50xi32, #tpu.memory_space<vmem>>
    %dma_start3A_35 = arith.constant 0 : i32
    %dma_start3A_36 = arith.constant 0 : i32
    %dma_start3A_37 = tpu.memref_slice %arg2[%dma_start3A_35, %dma_start3A_36] : memref<1000000x64xf32, #tpu.memory_space<hbm>> -> memref<1000000x64xf32, #tpu.memory_space<hbm>>
    tpu.enqueue_indirect_dma source(%dma_start3A_37 : memref<1000000x64xf32, #tpu.memory_space<hbm>>) target(%dma_start3A_31 : memref<50x64xf32, #tpu.memory_space<vmem>>) offsets(%dma_start3A_34 : memref<50xi32, #tpu.memory_space<vmem>>) semaphore(%arg7 : memref<!tpu.dma_semaphore, #tpu.memory_space<semaphore_mem>>)
    %dma_start3A_38 = arith.constant 3 : i32
    %dma_start3A_39 = arith.constant 3 : i32
    %dma_start3A_40 = arith.constant 0 : i32
    %dma_start3A_41 = arith.constant 0 : i32
    %dma_start3A_42 = tpu.memref_slice %arg6[%dma_start3A_39, %dma_start3A_40, %dma_start3A_41] : memref<16x50x64xf32, #tpu.memory_space<vmem>> -> memref<1x50x64xf32, #tpu.memory_space<vmem>>
    %dma_start3A_43 = tpu.memref_squeeze %dma_start3A_42 : memref<1x50x64xf32, #tpu.memory_space<vmem>> -> memref<50x64xf32, #tpu.memory_space<vmem>>
    %dma_start3A_44 = arith.constant 0 : i32
    %dma_start3A_45 = tpu.memref_slice %arg5[%dma_start3A_38, %dma_start3A_44] : memref<512x50xi32, #tpu.memory_space<vmem>> -> memref<1x50xi32, #tpu.memory_space<vmem>>
    %dma_start3A_46 = tpu.memref_squeeze %dma_start3A_45 : memref<1x50xi32, #tpu.memory_space<vmem>> -> memref<50xi32, #tpu.memory_space<vmem>>
    %dma_start3A_47 = arith.constant 0 : i32
    %dma_start3A_48 = arith.constant 0 : i32
    %dma_start3A_49 = tpu.memref_slice %arg2[%dma_start3A_47, %dma_start3A_48] : memref<1000000x64xf32, #tpu.memory_space<hbm>> -> memref<1000000x64xf32, #tpu.memory_space<hbm>>
    tpu.enqueue_indirect_dma source(%dma_start3A_49 : memref<1000000x64xf32, #tpu.memory_space<hbm>>) target(%dma_start3A_43 : memref<50x64xf32, #tpu.memory_space<vmem>>) offsets(%dma_start3A_46 : memref<50xi32, #tpu.memory_space<vmem>>) semaphore(%arg7 : memref<!tpu.dma_semaphore, #tpu.memory_space<semaphore_mem>>)
    %dma_start3A_50 = arith.constant 4 : i32
    %dma_start3A_51 = arith.constant 4 : i32
    %dma_start3A_52 = arith.constant 0 : i32
    %dma_start3A_53 = arith.constant 0 : i32
    %dma_start3A_54 = tpu.memref_slice %arg6[%dma_start3A_51, %dma_start3A_52, %dma_start3A_53] : memref<16x50x64xf32, #tpu.memory_space<vmem>> -> memref<1x50x64xf32, #tpu.memory_space<vmem>>
    %dma_start3A_55 = tpu.memref_squeeze %dma_start3A_54 : memref<1x50x64xf32, #tpu.memory_space<vmem>> -> memref<50x64xf32, #tpu.memory_space<vmem>>
    %dma_start3A_56 = arith.constant 0 : i32
    %dma_start3A_57 = tpu.memref_slice %arg5[%dma_start3A_50, %dma_start3A_56] : memref<512x50xi32, #tpu.memory_space<vmem>> -> memref<1x50xi32, #tpu.memory_space<vmem>>
    %dma_start3A_58 = tpu.memref_squeeze %dma_start3A_57 : memref<1x50xi32, #tpu.memory_space<vmem>> -> memref<50xi32, #tpu.memory_space<vmem>>
    %dma_start3A_59 = arith.constant 0 : i32
    %dma_start3A_60 = arith.constant 0 : i32
    %dma_start3A_61 = tpu.memref_slice %arg2[%dma_start3A_59, %dma_start3A_60] : memref<1000000x64xf32, #tpu.memory_space<hbm>> -> memref<1000000x64xf32, #tpu.memory_space<hbm>>
    tpu.enqueue_indirect_dma source(%dma_start3A_61 : memref<1000000x64xf32, #tpu.memory_space<hbm>>) target(%dma_start3A_55 : memref<50x64xf32, #tpu.memory_space<vmem>>) offsets(%dma_start3A_58 : memref<50xi32, #tpu.memory_space<vmem>>) semaphore(%arg7 : memref<!tpu.dma_semaphore, #tpu.memory_space<semaphore_mem>>)
    %dma_start3A_62 = arith.constant 5 : i32
    %dma_start3A_63 = arith.constant 5 : i32
    %dma_start3A_64 = arith.constant 0 : i32
    %dma_start3A_65 = arith.constant 0 : i32
    %dma_start3A_66 = tpu.memref_slice %arg6[%dma_start3A_63, %dma_start3A_64, %dma_start3A_65] : memref<16x50x64xf32, #tpu.memory_space<vmem>> -> memref<1x50x64xf32, #tpu.memory_space<vmem>>
    %dma_start3A_67 = tpu.memref_squeeze %dma_start3A_66 : memref<1x50x64xf32, #tpu.memory_space<vmem>> -> memref<50x64xf32, #tpu.memory_space<vmem>>
    %dma_start3A_68 = arith.constant 0 : i32
    %dma_start3A_69 = tpu.memref_slice %arg5[%dma_start3A_62, %dma_start3A_68] : memref<512x50xi32, #tpu.memory_space<vmem>> -> memref<1x50xi32, #tpu.memory_space<vmem>>
    %dma_start3A_70 = tpu.memref_squeeze %dma_start3A_69 : memref<1x50xi32, #tpu.memory_space<vmem>> -> memref<50xi32, #tpu.memory_space<vmem>>
    %dma_start3A_71 = arith.constant 0 : i32
    %dma_start3A_72 = arith.constant 0 : i32
    %dma_start3A_73 = tpu.memref_slice %arg2[%dma_start3A_71, %dma_start3A_72] : memref<1000000x64xf32, #tpu.memory_space<hbm>> -> memref<1000000x64xf32, #tpu.memory_space<hbm>>
    tpu.enqueue_indirect_dma source(%dma_start3A_73 : memref<1000000x64xf32, #tpu.memory_space<hbm>>) target(%dma_start3A_67 : memref<50x64xf32, #tpu.memory_space<vmem>>) offsets(%dma_start3A_70 : memref<50xi32, #tpu.memory_space<vmem>>) semaphore(%arg7 : memref<!tpu.dma_semaphore, #tpu.memory_space<semaphore_mem>>)
    %dma_start3A_74 = arith.constant 6 : i32
    %dma_start3A_75 = arith.constant 6 : i32
    %dma_start3A_76 = arith.constant 0 : i32
    %dma_start3A_77 = arith.constant 0 : i32
    %dma_start3A_78 = tpu.memref_slice %arg6[%dma_start3A_75, %dma_start3A_76, %dma_start3A_77] : memref<16x50x64xf32, #tpu.memory_space<vmem>> -> memref<1x50x64xf32, #tpu.memory_space<vmem>>
    %dma_start3A_79 = tpu.memref_squeeze %dma_start3A_78 : memref<1x50x64xf32, #tpu.memory_space<vmem>> -> memref<50x64xf32, #tpu.memory_space<vmem>>
    %dma_start3A_80 = arith.constant 0 : i32
    %dma_start3A_81 = tpu.memref_slice %arg5[%dma_start3A_74, %dma_start3A_80] : memref<512x50xi32, #tpu.memory_space<vmem>> -> memref<1x50xi32, #tpu.memory_space<vmem>>
    %dma_start3A_82 = tpu.memref_squeeze %dma_start3A_81 : memref<1x50xi32, #tpu.memory_space<vmem>> -> memref<50xi32, #tpu.memory_space<vmem>>
    %dma_start3A_83 = arith.constant 0 : i32
    %dma_start3A_84 = arith.constant 0 : i32
    %dma_start3A_85 = tpu.memref_slice %arg2[%dma_start3A_83, %dma_start3A_84] : memref<1000000x64xf32, #tpu.memory_space<hbm>> -> memref<1000000x64xf32, #tpu.memory_space<hbm>>
    tpu.enqueue_indirect_dma source(%dma_start3A_85 : memref<1000000x64xf32, #tpu.memory_space<hbm>>) target(%dma_start3A_79 : memref<50x64xf32, #tpu.memory_space<vmem>>) offsets(%dma_start3A_82 : memref<50xi32, #tpu.memory_space<vmem>>) semaphore(%arg7 : memref<!tpu.dma_semaphore, #tpu.memory_space<semaphore_mem>>)
    %dma_start3A_86 = arith.constant 7 : i32
    %dma_start3A_87 = arith.constant 7 : i32
    %dma_start3A_88 = arith.constant 0 : i32
    %dma_start3A_89 = arith.constant 0 : i32
    %dma_start3A_90 = tpu.memref_slice %arg6[%dma_start3A_87, %dma_start3A_88, %dma_start3A_89] : memref<16x50x64xf32, #tpu.memory_space<vmem>> -> memref<1x50x64xf32, #tpu.memory_space<vmem>>
    %dma_start3A_91 = tpu.memref_squeeze %dma_start3A_90 : memref<1x50x64xf32, #tpu.memory_space<vmem>> -> memref<50x64xf32, #tpu.memory_space<vmem>>
    %dma_start3A_92 = arith.constant 0 : i32
    %dma_start3A_93 = tpu.memref_slice %arg5[%dma_start3A_86, %dma_start3A_92] : memref<512x50xi32, #tpu.memory_space<vmem>> -> memref<1x50xi32, #tpu.memory_space<vmem>>
    %dma_start3A_94 = tpu.memref_squeeze %dma_start3A_93 : memref<1x50xi32, #tpu.memory_space<vmem>> -> memref<50xi32, #tpu.memory_space<vmem>>
    %dma_start3A_95 = arith.constant 0 : i32
    %dma_start3A_96 = arith.constant 0 : i32
    %dma_start3A_97 = tpu.memref_slice %arg2[%dma_start3A_95, %dma_start3A_96] : memref<1000000x64xf32, #tpu.memory_space<hbm>> -> memref<1000000x64xf32, #tpu.memory_space<hbm>>
    tpu.enqueue_indirect_dma source(%dma_start3A_97 : memref<1000000x64xf32, #tpu.memory_space<hbm>>) target(%dma_start3A_91 : memref<50x64xf32, #tpu.memory_space<vmem>>) offsets(%dma_start3A_94 : memref<50xi32, #tpu.memory_space<vmem>>) semaphore(%arg7 : memref<!tpu.dma_semaphore, #tpu.memory_space<semaphore_mem>>)
    %dma_wait3A = arith.constant 0 : i32
    %dma_wait3A_98 = arith.constant 0 : i32
    %dma_wait3A_99 = arith.constant 0 : i32
    %dma_wait3A_100 = arith.constant 0 : i32
    %dma_wait3A_101 = tpu.memref_slice %arg6[%dma_wait3A_98, %dma_wait3A_99, %dma_wait3A_100] : memref<16x50x64xf32, #tpu.memory_space<vmem>> -> memref<1x50x64xf32, #tpu.memory_space<vmem>>
    %dma_wait3A_102 = tpu.memref_squeeze %dma_wait3A_101 : memref<1x50x64xf32, #tpu.memory_space<vmem>> -> memref<50x64xf32, #tpu.memory_space<vmem>>
    %dma_wait3A_103 = arith.constant 0 : i32
    %dma_wait3A_104 = tpu.memref_slice %arg5[%dma_wait3A, %dma_wait3A_103] : memref<512x50xi32, #tpu.memory_space<vmem>> -> memref<1x50xi32, #tpu.memory_space<vmem>>
    %dma_wait3A_105 = tpu.memref_squeeze %dma_wait3A_104 : memref<1x50xi32, #tpu.memory_space<vmem>> -> memref<50xi32, #tpu.memory_space<vmem>>
    %dma_wait3A_106 = arith.constant 0 : i32
    %dma_wait3A_107 = arith.constant 0 : i32
    %dma_wait3A_108 = tpu.memref_slice %arg2[%dma_wait3A_106, %dma_wait3A_107] : memref<1000000x64xf32, #tpu.memory_space<hbm>> -> memref<1000000x64xf32, #tpu.memory_space<hbm>>
    tpu.wait_indirect_dma semaphore(%arg7 : memref<!tpu.dma_semaphore, #tpu.memory_space<semaphore_mem>>) src(%dma_wait3A_108 : memref<1000000x64xf32, #tpu.memory_space<hbm>>) dst(%dma_wait3A_102 : memref<50x64xf32, #tpu.memory_space<vmem>>)
    %add3A_109 = arith.constant 0 : i32
    %add3A_110 = arith.addi %mul3A_2, %add3A_109 : i32
    %dma_start3A_111 = arith.constant 0 : i32
    %dma_start3A_112 = arith.constant 0 : i32
    %dma_start3A_113 = arith.constant 0 : i32
    %dma_start3A_114 = tpu.memref_slice %arg6[%dma_start3A_111, %dma_start3A_112, %dma_start3A_113] : memref<16x50x64xf32, #tpu.memory_space<vmem>> -> memref<1x50x64xf32, #tpu.memory_space<vmem>>
    %dma_start3A_115 = tpu.memref_squeeze %dma_start3A_114 : memref<1x50x64xf32, #tpu.memory_space<vmem>> -> memref<50x64xf32, #tpu.memory_space<vmem>>
    %dma_start3A_116 = arith.constant 0 : i32
    %dma_start3A_117 = arith.constant 0 : i32
    %dma_start3A_118 = tpu.memref_slice %arg4[%add3A_110, %dma_start3A_116, %dma_start3A_117] : memref<16384x56x128xf32, #tpu.memory_space<hbm>> -> memref<1x50x64xf32, #tpu.memory_space<hbm>>
    %dma_start3A_119 = tpu.memref_squeeze %dma_start3A_118 : memref<1x50x64xf32, #tpu.memory_space<hbm>> -> memref<50x64xf32, #tpu.memory_space<hbm>>
    %dma_start3A_120 = arith.constant 0 : i32
    %dma_start3A_121 = arith.constant 0 : i32
    %dma_start3A_122 = tpu.memref_slice %arg4[%add3A_110, %dma_start3A_120, %dma_start3A_121] : memref<16384x56x128xf32, #tpu.memory_space<hbm>> -> memref<1x50x64xf32, #tpu.memory_space<hbm>>
    %dma_start3A_123 = tpu.memref_squeeze %dma_start3A_122 : memref<1x50x64xf32, #tpu.memory_space<hbm>> -> memref<50x64xf32, #tpu.memory_space<hbm>>
    %dma_start3A_124 = arith.constant 0 : i32
    %dma_start3A_125 = arith.constant 0 : i32
    %dma_start3A_126 = tpu.memref_slice %arg6[%dma_start3A_111, %dma_start3A_124, %dma_start3A_125] : memref<16x50x64xf32, #tpu.memory_space<vmem>> -> memref<1x50x64xf32, #tpu.memory_space<vmem>>
    %dma_start3A_127 = tpu.memref_squeeze %dma_start3A_126 : memref<1x50x64xf32, #tpu.memory_space<vmem>> -> memref<50x64xf32, #tpu.memory_space<vmem>>
    tpu.enqueue_dma source(%dma_start3A_127 : memref<50x64xf32, #tpu.memory_space<vmem>>) target(%dma_start3A_123 : memref<50x64xf32, #tpu.memory_space<hbm>>) target_semaphore(%arg8 : memref<!tpu.dma_semaphore, #tpu.memory_space<semaphore_mem>>)
    %dma_start3A_128 = arith.constant 8 : i32
    %dma_start3A_129 = arith.constant 8 : i32
    %dma_start3A_130 = arith.constant 0 : i32
    %dma_start3A_131 = arith.constant 0 : i32
    %dma_start3A_132 = tpu.memref_slice %arg6[%dma_start3A_129, %dma_start3A_130, %dma_start3A_131] : memref<16x50x64xf32, #tpu.memory_space<vmem>> -> memref<1x50x64xf32, #tpu.memory_space<vmem>>
    %dma_start3A_133 = tpu.memref_squeeze %dma_start3A_132 : memref<1x50x64xf32, #tpu.memory_space<vmem>> -> memref<50x64xf32, #tpu.memory_space<vmem>>
    %dma_start3A_134 = arith.constant 0 : i32
    %dma_start3A_135 = tpu.memref_slice %arg5[%dma_start3A_128, %dma_start3A_134] : memref<512x50xi32, #tpu.memory_space<vmem>> -> memref<1x50xi32, #tpu.memory_space<vmem>>
    %dma_start3A_136 = tpu.memref_squeeze %dma_start3A_135 : memref<1x50xi32, #tpu.memory_space<vmem>> -> memref<50xi32, #tpu.memory_space<vmem>>
    %dma_start3A_137 = arith.constant 0 : i32
    %dma_start3A_138 = arith.constant 0 : i32
    %dma_start3A_139 = tpu.memref_slice %arg2[%dma_start3A_137, %dma_start3A_138] : memref<1000000x64xf32, #tpu.memory_space<hbm>> -> memref<1000000x64xf32, #tpu.memory_space<hbm>>
    tpu.enqueue_indirect_dma source(%dma_start3A_139 : memref<1000000x64xf32, #tpu.memory_space<hbm>>) target(%dma_start3A_133 : memref<50x64xf32, #tpu.memory_space<vmem>>) offsets(%dma_start3A_136 : memref<50xi32, #tpu.memory_space<vmem>>) semaphore(%arg7 : memref<!tpu.dma_semaphore, #tpu.memory_space<semaphore_mem>>)
    %dma_wait3A_140 = arith.constant 1 : i32
    %dma_wait3A_141 = arith.constant 1 : i32
    %dma_wait3A_142 = arith.constant 0 : i32
    %dma_wait3A_143 = arith.constant 0 : i32
    %dma_wait3A_144 = tpu.memref_slice %arg6[%dma_wait3A_141, %dma_wait3A_142, %dma_wait3A_143] : memref<16x50x64xf32, #tpu.memory_space<vmem>> -> memref<1x50x64xf32, #tpu.memory_space<vmem>>
    %dma_wait3A_145 = tpu.memref_squeeze %dma_wait3A_144 : memref<1x50x64xf32, #tpu.memory_space<vmem>> -> memref<50x64xf32, #tpu.memory_space<vmem>>
    %dma_wait3A_146 = arith.constant 0 : i32
    %dma_wait3A_147 = tpu.memref_slice %arg5[%dma_wait3A_140, %dma_wait3A_146] : memref<512x50xi32, #tpu.memory_space<vmem>> -> memref<1x50xi32, #tpu.memory_space<vmem>>
    %dma_wait3A_148 = tpu.memref_squeeze %dma_wait3A_147 : memref<1x50xi32, #tpu.memory_space<vmem>> -> memref<50xi32, #tpu.memory_space<vmem>>
    %dma_wait3A_149 = arith.constant 0 : i32
    %dma_wait3A_150 = arith.constant 0 : i32
    %dma_wait3A_151 = tpu.memref_slice %arg2[%dma_wait3A_149, %dma_wait3A_150] : memref<1000000x64xf32, #tpu.memory_space<hbm>> -> memref<1000000x64xf32, #tpu.memory_space<hbm>>
    tpu.wait_indirect_dma semaphore(%arg7 : memref<!tpu.dma_semaphore, #tpu.memory_space<semaphore_mem>>) src(%dma_wait3A_151 : memref<1000000x64xf32, #tpu.memory_space<hbm>>) dst(%dma_wait3A_145 : memref<50x64xf32, #tpu.memory_space<vmem>>)
    %add3A_152 = arith.constant 1 : i32
    %add3A_153 = arith.addi %mul3A_2, %add3A_152 : i32
    %dma_start3A_154 = arith.constant 1 : i32
    %dma_start3A_155 = arith.constant 0 : i32
    %dma_start3A_156 = arith.constant 0 : i32
    %dma_start3A_157 = tpu.memref_slice %arg6[%dma_start3A_154, %dma_start3A_155, %dma_start3A_156] : memref<16x50x64xf32, #tpu.memory_space<vmem>> -> memref<1x50x64xf32, #tpu.memory_space<vmem>>
    %dma_start3A_158 = tpu.memref_squeeze %dma_start3A_157 : memref<1x50x64xf32, #tpu.memory_space<vmem>> -> memref<50x64xf32, #tpu.memory_space<vmem>>
    %dma_start3A_159 = arith.constant 0 : i32
    %dma_start3A_160 = arith.constant 0 : i32
    %dma_start3A_161 = tpu.memref_slice %arg4[%add3A_153, %dma_start3A_159, %dma_start3A_160] : memref<16384x56x128xf32, #tpu.memory_space<hbm>> -> memref<1x50x64xf32, #tpu.memory_space<hbm>>
    %dma_start3A_162 = tpu.memref_squeeze %dma_start3A_161 : memref<1x50x64xf32, #tpu.memory_space<hbm>> -> memref<50x64xf32, #tpu.memory_space<hbm>>
    %dma_start3A_163 = arith.constant 0 : i32
    %dma_start3A_164 = arith.constant 0 : i32
    %dma_start3A_165 = tpu.memref_slice %arg4[%add3A_153, %dma_start3A_163, %dma_start3A_164] : memref<16384x56x128xf32, #tpu.memory_space<hbm>> -> memref<1x50x64xf32, #tpu.memory_space<hbm>>
    %dma_start3A_166 = tpu.memref_squeeze %dma_start3A_165 : memref<1x50x64xf32, #tpu.memory_space<hbm>> -> memref<50x64xf32, #tpu.memory_space<hbm>>
    %dma_start3A_167 = arith.constant 0 : i32
    %dma_start3A_168 = arith.constant 0 : i32
    %dma_start3A_169 = tpu.memref_slice %arg6[%dma_start3A_154, %dma_start3A_167, %dma_start3A_168] : memref<16x50x64xf32, #tpu.memory_space<vmem>> -> memref<1x50x64xf32, #tpu.memory_space<vmem>>
    %dma_start3A_170 = tpu.memref_squeeze %dma_start3A_169 : memref<1x50x64xf32, #tpu.memory_space<vmem>> -> memref<50x64xf32, #tpu.memory_space<vmem>>
    tpu.enqueue_dma source(%dma_start3A_170 : memref<50x64xf32, #tpu.memory_space<vmem>>) target(%dma_start3A_166 : memref<50x64xf32, #tpu.memory_space<hbm>>) target_semaphore(%arg8 : memref<!tpu.dma_semaphore, #tpu.memory_space<semaphore_mem>>)
    %dma_start3A_171 = arith.constant 9 : i32
    %dma_start3A_172 = arith.constant 9 : i32
    %dma_start3A_173 = arith.constant 0 : i32
    %dma_start3A_174 = arith.constant 0 : i32
    %dma_start3A_175 = tpu.memref_slice %arg6[%dma_start3A_172, %dma_start3A_173, %dma_start3A_174] : memref<16x50x64xf32, #tpu.memory_space<vmem>> -> memref<1x50x64xf32, #tpu.memory_space<vmem>>
    %dma_start3A_176 = tpu.memref_squeeze %dma_start3A_175 : memref<1x50x64xf32, #tpu.memory_space<vmem>> -> memref<50x64xf32, #tpu.memory_space<vmem>>
    %dma_start3A_177 = arith.constant 0 : i32
    %dma_start3A_178 = tpu.memref_slice %arg5[%dma_start3A_171, %dma_start3A_177] : memref<512x50xi32, #tpu.memory_space<vmem>> -> memref<1x50xi32, #tpu.memory_space<vmem>>
    %dma_start3A_179 = tpu.memref_squeeze %dma_start3A_178 : memref<1x50xi32, #tpu.memory_space<vmem>> -> memref<50xi32, #tpu.memory_space<vmem>>
    %dma_start3A_180 = arith.constant 0 : i32
    %dma_start3A_181 = arith.constant 0 : i32
    %dma_start3A_182 = tpu.memref_slice %arg2[%dma_start3A_180, %dma_start3A_181] : memref<1000000x64xf32, #tpu.memory_space<hbm>> -> memref<1000000x64xf32, #tpu.memory_space<hbm>>
    tpu.enqueue_indirect_dma source(%dma_start3A_182 : memref<1000000x64xf32, #tpu.memory_space<hbm>>) target(%dma_start3A_176 : memref<50x64xf32, #tpu.memory_space<vmem>>) offsets(%dma_start3A_179 : memref<50xi32, #tpu.memory_space<vmem>>) semaphore(%arg7 : memref<!tpu.dma_semaphore, #tpu.memory_space<semaphore_mem>>)
    %dma_wait3A_183 = arith.constant 2 : i32
    %dma_wait3A_184 = arith.constant 2 : i32
    %dma_wait3A_185 = arith.constant 0 : i32
    %dma_wait3A_186 = arith.constant 0 : i32
    %dma_wait3A_187 = tpu.memref_slice %arg6[%dma_wait3A_184, %dma_wait3A_185, %dma_wait3A_186] : memref<16x50x64xf32, #tpu.memory_space<vmem>> -> memref<1x50x64xf32, #tpu.memory_space<vmem>>
    %dma_wait3A_188 = tpu.memref_squeeze %dma_wait3A_187 : memref<1x50x64xf32, #tpu.memory_space<vmem>> -> memref<50x64xf32, #tpu.memory_space<vmem>>
    %dma_wait3A_189 = arith.constant 0 : i32
    %dma_wait3A_190 = tpu.memref_slice %arg5[%dma_wait3A_183, %dma_wait3A_189] : memref<512x50xi32, #tpu.memory_space<vmem>> -> memref<1x50xi32, #tpu.memory_space<vmem>>
    %dma_wait3A_191 = tpu.memref_squeeze %dma_wait3A_190 : memref<1x50xi32, #tpu.memory_space<vmem>> -> memref<50xi32, #tpu.memory_space<vmem>>
    %dma_wait3A_192 = arith.constant 0 : i32
    %dma_wait3A_193 = arith.constant 0 : i32
    %dma_wait3A_194 = tpu.memref_slice %arg2[%dma_wait3A_192, %dma_wait3A_193] : memref<1000000x64xf32, #tpu.memory_space<hbm>> -> memref<1000000x64xf32, #tpu.memory_space<hbm>>
    tpu.wait_indirect_dma semaphore(%arg7 : memref<!tpu.dma_semaphore, #tpu.memory_space<semaphore_mem>>) src(%dma_wait3A_194 : memref<1000000x64xf32, #tpu.memory_space<hbm>>) dst(%dma_wait3A_188 : memref<50x64xf32, #tpu.memory_space<vmem>>)
    %add3A_195 = arith.constant 2 : i32
    %add3A_196 = arith.addi %mul3A_2, %add3A_195 : i32
    %dma_start3A_197 = arith.constant 2 : i32
    %dma_start3A_198 = arith.constant 0 : i32
    %dma_start3A_199 = arith.constant 0 : i32
    %dma_start3A_200 = tpu.memref_slice %arg6[%dma_start3A_197, %dma_start3A_198, %dma_start3A_199] : memref<16x50x64xf32, #tpu.memory_space<vmem>> -> memref<1x50x64xf32, #tpu.memory_space<vmem>>
    %dma_start3A_201 = tpu.memref_squeeze %dma_start3A_200 : memref<1x50x64xf32, #tpu.memory_space<vmem>> -> memref<50x64xf32, #tpu.memory_space<vmem>>
    %dma_start3A_202 = arith.constant 0 : i32
    %dma_start3A_203 = arith.constant 0 : i32
    %dma_start3A_204 = tpu.memref_slice %arg4[%add3A_196, %dma_start3A_202, %dma_start3A_203] : memref<16384x56x128xf32, #tpu.memory_space<hbm>> -> memref<1x50x64xf32, #tpu.memory_space<hbm>>
    %dma_start3A_205 = tpu.memref_squeeze %dma_start3A_204 : memref<1x50x64xf32, #tpu.memory_space<hbm>> -> memref<50x64xf32, #tpu.memory_space<hbm>>
    %dma_start3A_206 = arith.constant 0 : i32
    %dma_start3A_207 = arith.constant 0 : i32
    %dma_start3A_208 = tpu.memref_slice %arg4[%add3A_196, %dma_start3A_206, %dma_start3A_207] : memref<16384x56x128xf32, #tpu.memory_space<hbm>> -> memref<1x50x64xf32, #tpu.memory_space<hbm>>
    %dma_start3A_209 = tpu.memref_squeeze %dma_start3A_208 : memref<1x50x64xf32, #tpu.memory_space<hbm>> -> memref<50x64xf32, #tpu.memory_space<hbm>>
    %dma_start3A_210 = arith.constant 0 : i32
    %dma_start3A_211 = arith.constant 0 : i32
    %dma_start3A_212 = tpu.memref_slice %arg6[%dma_start3A_197, %dma_start3A_210, %dma_start3A_211] : memref<16x50x64xf32, #tpu.memory_space<vmem>> -> memref<1x50x64xf32, #tpu.memory_space<vmem>>
    %dma_start3A_213 = tpu.memref_squeeze %dma_start3A_212 : memref<1x50x64xf32, #tpu.memory_space<vmem>> -> memref<50x64xf32, #tpu.memory_space<vmem>>
    tpu.enqueue_dma source(%dma_start3A_213 : memref<50x64xf32, #tpu.memory_space<vmem>>) target(%dma_start3A_209 : memref<50x64xf32, #tpu.memory_space<hbm>>) target_semaphore(%arg8 : memref<!tpu.dma_semaphore, #tpu.memory_space<semaphore_mem>>)
    %dma_start3A_214 = arith.constant 10 : i32
    %dma_start3A_215 = arith.constant 10 : i32
    %dma_start3A_216 = arith.constant 0 : i32
    %dma_start3A_217 = arith.constant 0 : i32
    %dma_start3A_218 = tpu.memref_slice %arg6[%dma_start3A_215, %dma_start3A_216, %dma_start3A_217] : memref<16x50x64xf32, #tpu.memory_space<vmem>> -> memref<1x50x64xf32, #tpu.memory_space<vmem>>
    %dma_start3A_219 = tpu.memref_squeeze %dma_start3A_218 : memref<1x50x64xf32, #tpu.memory_space<vmem>> -> memref<50x64xf32, #tpu.memory_space<vmem>>
    %dma_start3A_220 = arith.constant 0 : i32
    %dma_start3A_221 = tpu.memref_slice %arg5[%dma_start3A_214, %dma_start3A_220] : memref<512x50xi32, #tpu.memory_space<vmem>> -> memref<1x50xi32, #tpu.memory_space<vmem>>
    %dma_start3A_222 = tpu.memref_squeeze %dma_start3A_221 : memref<1x50xi32, #tpu.memory_space<vmem>> -> memref<50xi32, #tpu.memory_space<vmem>>
    %dma_start3A_223 = arith.constant 0 : i32
    %dma_start3A_224 = arith.constant 0 : i32
    %dma_start3A_225 = tpu.memref_slice %arg2[%dma_start3A_223, %dma_start3A_224] : memref<1000000x64xf32, #tpu.memory_space<hbm>> -> memref<1000000x64xf32, #tpu.memory_space<hbm>>
    tpu.enqueue_indirect_dma source(%dma_start3A_225 : memref<1000000x64xf32, #tpu.memory_space<hbm>>) target(%dma_start3A_219 : memref<50x64xf32, #tpu.memory_space<vmem>>) offsets(%dma_start3A_222 : memref<50xi32, #tpu.memory_space<vmem>>) semaphore(%arg7 : memref<!tpu.dma_semaphore, #tpu.memory_space<semaphore_mem>>)
    %dma_wait3A_226 = arith.constant 3 : i32
    %dma_wait3A_227 = arith.constant 3 : i32
    %dma_wait3A_228 = arith.constant 0 : i32
    %dma_wait3A_229 = arith.constant 0 : i32
    %dma_wait3A_230 = tpu.memref_slice %arg6[%dma_wait3A_227, %dma_wait3A_228, %dma_wait3A_229] : memref<16x50x64xf32, #tpu.memory_space<vmem>> -> memref<1x50x64xf32, #tpu.memory_space<vmem>>
    %dma_wait3A_231 = tpu.memref_squeeze %dma_wait3A_230 : memref<1x50x64xf32, #tpu.memory_space<vmem>> -> memref<50x64xf32, #tpu.memory_space<vmem>>
    %dma_wait3A_232 = arith.constant 0 : i32
    %dma_wait3A_233 = tpu.memref_slice %arg5[%dma_wait3A_226, %dma_wait3A_232] : memref<512x50xi32, #tpu.memory_space<vmem>> -> memref<1x50xi32, #tpu.memory_space<vmem>>
    %dma_wait3A_234 = tpu.memref_squeeze %dma_wait3A_233 : memref<1x50xi32, #tpu.memory_space<vmem>> -> memref<50xi32, #tpu.memory_space<vmem>>
    %dma_wait3A_235 = arith.constant 0 : i32
    %dma_wait3A_236 = arith.constant 0 : i32
    %dma_wait3A_237 = tpu.memref_slice %arg2[%dma_wait3A_235, %dma_wait3A_236] : memref<1000000x64xf32, #tpu.memory_space<hbm>> -> memref<1000000x64xf32, #tpu.memory_space<hbm>>
    tpu.wait_indirect_dma semaphore(%arg7 : memref<!tpu.dma_semaphore, #tpu.memory_space<semaphore_mem>>) src(%dma_wait3A_237 : memref<1000000x64xf32, #tpu.memory_space<hbm>>) dst(%dma_wait3A_231 : memref<50x64xf32, #tpu.memory_space<vmem>>)
    %add3A_238 = arith.constant 3 : i32
    %add3A_239 = arith.addi %mul3A_2, %add3A_238 : i32
    %dma_start3A_240 = arith.constant 3 : i32
    %dma_start3A_241 = arith.constant 0 : i32
    %dma_start3A_242 = arith.constant 0 : i32
    %dma_start3A_243 = tpu.memref_slice %arg6[%dma_start3A_240, %dma_start3A_241, %dma_start3A_242] : memref<16x50x64xf32, #tpu.memory_space<vmem>> -> memref<1x50x64xf32, #tpu.memory_space<vmem>>
    %dma_start3A_244 = tpu.memref_squeeze %dma_start3A_243 : memref<1x50x64xf32, #tpu.memory_space<vmem>> -> memref<50x64xf32, #tpu.memory_space<vmem>>
    %dma_start3A_245 = arith.constant 0 : i32
    %dma_start3A_246 = arith.constant 0 : i32
    %dma_start3A_247 = tpu.memref_slice %arg4[%add3A_239, %dma_start3A_245, %dma_start3A_246] : memref<16384x56x128xf32, #tpu.memory_space<hbm>> -> memref<1x50x64xf32, #tpu.memory_space<hbm>>
    %dma_start3A_248 = tpu.memref_squeeze %dma_start3A_247 : memref<1x50x64xf32, #tpu.memory_space<hbm>> -> memref<50x64xf32, #tpu.memory_space<hbm>>
    %dma_start3A_249 = arith.constant 0 : i32
    %dma_start3A_250 = arith.constant 0 : i32
    %dma_start3A_251 = tpu.memref_slice %arg4[%add3A_239, %dma_start3A_249, %dma_start3A_250] : memref<16384x56x128xf32, #tpu.memory_space<hbm>> -> memref<1x50x64xf32, #tpu.memory_space<hbm>>
    %dma_start3A_252 = tpu.memref_squeeze %dma_start3A_251 : memref<1x50x64xf32, #tpu.memory_space<hbm>> -> memref<50x64xf32, #tpu.memory_space<hbm>>
    %dma_start3A_253 = arith.constant 0 : i32
    %dma_start3A_254 = arith.constant 0 : i32
    %dma_start3A_255 = tpu.memref_slice %arg6[%dma_start3A_240, %dma_start3A_253, %dma_start3A_254] : memref<16x50x64xf32, #tpu.memory_space<vmem>> -> memref<1x50x64xf32, #tpu.memory_space<vmem>>
    %dma_start3A_256 = tpu.memref_squeeze %dma_start3A_255 : memref<1x50x64xf32, #tpu.memory_space<vmem>> -> memref<50x64xf32, #tpu.memory_space<vmem>>
    tpu.enqueue_dma source(%dma_start3A_256 : memref<50x64xf32, #tpu.memory_space<vmem>>) target(%dma_start3A_252 : memref<50x64xf32, #tpu.memory_space<hbm>>) target_semaphore(%arg8 : memref<!tpu.dma_semaphore, #tpu.memory_space<semaphore_mem>>)
    %dma_start3A_257 = arith.constant 11 : i32
    %dma_start3A_258 = arith.constant 11 : i32
    %dma_start3A_259 = arith.constant 0 : i32
    %dma_start3A_260 = arith.constant 0 : i32
    %dma_start3A_261 = tpu.memref_slice %arg6[%dma_start3A_258, %dma_start3A_259, %dma_start3A_260] : memref<16x50x64xf32, #tpu.memory_space<vmem>> -> memref<1x50x64xf32, #tpu.memory_space<vmem>>
    %dma_start3A_262 = tpu.memref_squeeze %dma_start3A_261 : memref<1x50x64xf32, #tpu.memory_space<vmem>> -> memref<50x64xf32, #tpu.memory_space<vmem>>
    %dma_start3A_263 = arith.constant 0 : i32
    %dma_start3A_264 = tpu.memref_slice %arg5[%dma_start3A_257, %dma_start3A_263] : memref<512x50xi32, #tpu.memory_space<vmem>> -> memref<1x50xi32, #tpu.memory_space<vmem>>
    %dma_start3A_265 = tpu.memref_squeeze %dma_start3A_264 : memref<1x50xi32, #tpu.memory_space<vmem>> -> memref<50xi32, #tpu.memory_space<vmem>>
    %dma_start3A_266 = arith.constant 0 : i32
    %dma_start3A_267 = arith.constant 0 : i32
    %dma_start3A_268 = tpu.memref_slice %arg2[%dma_start3A_266, %dma_start3A_267] : memref<1000000x64xf32, #tpu.memory_space<hbm>> -> memref<1000000x64xf32, #tpu.memory_space<hbm>>
    tpu.enqueue_indirect_dma source(%dma_start3A_268 : memref<1000000x64xf32, #tpu.memory_space<hbm>>) target(%dma_start3A_262 : memref<50x64xf32, #tpu.memory_space<vmem>>) offsets(%dma_start3A_265 : memref<50xi32, #tpu.memory_space<vmem>>) semaphore(%arg7 : memref<!tpu.dma_semaphore, #tpu.memory_space<semaphore_mem>>)
    %dma_wait3A_269 = arith.constant 4 : i32
    %dma_wait3A_270 = arith.constant 4 : i32
    %dma_wait3A_271 = arith.constant 0 : i32
    %dma_wait3A_272 = arith.constant 0 : i32
    %dma_wait3A_273 = tpu.memref_slice %arg6[%dma_wait3A_270, %dma_wait3A_271, %dma_wait3A_272] : memref<16x50x64xf32, #tpu.memory_space<vmem>> -> memref<1x50x64xf32, #tpu.memory_space<vmem>>
    %dma_wait3A_274 = tpu.memref_squeeze %dma_wait3A_273 : memref<1x50x64xf32, #tpu.memory_space<vmem>> -> memref<50x64xf32, #tpu.memory_space<vmem>>
    %dma_wait3A_275 = arith.constant 0 : i32
    %dma_wait3A_276 = tpu.memref_slice %arg5[%dma_wait3A_269, %dma_wait3A_275] : memref<512x50xi32, #tpu.memory_space<vmem>> -> memref<1x50xi32, #tpu.memory_space<vmem>>
    %dma_wait3A_277 = tpu.memref_squeeze %dma_wait3A_276 : memref<1x50xi32, #tpu.memory_space<vmem>> -> memref<50xi32, #tpu.memory_space<vmem>>
    %dma_wait3A_278 = arith.constant 0 : i32
    %dma_wait3A_279 = arith.constant 0 : i32
    %dma_wait3A_280 = tpu.memref_slice %arg2[%dma_wait3A_278, %dma_wait3A_279] : memref<1000000x64xf32, #tpu.memory_space<hbm>> -> memref<1000000x64xf32, #tpu.memory_space<hbm>>
    tpu.wait_indirect_dma semaphore(%arg7 : memref<!tpu.dma_semaphore, #tpu.memory_space<semaphore_mem>>) src(%dma_wait3A_280 : memref<1000000x64xf32, #tpu.memory_space<hbm>>) dst(%dma_wait3A_274 : memref<50x64xf32, #tpu.memory_space<vmem>>)
    %add3A_281 = arith.constant 4 : i32
    %add3A_282 = arith.addi %mul3A_2, %add3A_281 : i32
    %dma_start3A_283 = arith.constant 4 : i32
    %dma_start3A_284 = arith.constant 0 : i32
    %dma_start3A_285 = arith.constant 0 : i32
    %dma_start3A_286 = tpu.memref_slice %arg6[%dma_start3A_283, %dma_start3A_284, %dma_start3A_285] : memref<16x50x64xf32, #tpu.memory_space<vmem>> -> memref<1x50x64xf32, #tpu.memory_space<vmem>>
    %dma_start3A_287 = tpu.memref_squeeze %dma_start3A_286 : memref<1x50x64xf32, #tpu.memory_space<vmem>> -> memref<50x64xf32, #tpu.memory_space<vmem>>
    %dma_start3A_288 = arith.constant 0 : i32
    %dma_start3A_289 = arith.constant 0 : i32
    %dma_start3A_290 = tpu.memref_slice %arg4[%add3A_282, %dma_start3A_288, %dma_start3A_289] : memref<16384x56x128xf32, #tpu.memory_space<hbm>> -> memref<1x50x64xf32, #tpu.memory_space<hbm>>
    %dma_start3A_291 = tpu.memref_squeeze %dma_start3A_290 : memref<1x50x64xf32, #tpu.memory_space<hbm>> -> memref<50x64xf32, #tpu.memory_space<hbm>>
    %dma_start3A_292 = arith.constant 0 : i32
    %dma_start3A_293 = arith.constant 0 : i32
    %dma_start3A_294 = tpu.memref_slice %arg4[%add3A_282, %dma_start3A_292, %dma_start3A_293] : memref<16384x56x128xf32, #tpu.memory_space<hbm>> -> memref<1x50x64xf32, #tpu.memory_space<hbm>>
    %dma_start3A_295 = tpu.memref_squeeze %dma_start3A_294 : memref<1x50x64xf32, #tpu.memory_space<hbm>> -> memref<50x64xf32, #tpu.memory_space<hbm>>
    %dma_start3A_296 = arith.constant 0 : i32
    %dma_start3A_297 = arith.constant 0 : i32
    %dma_start3A_298 = tpu.memref_slice %arg6[%dma_start3A_283, %dma_start3A_296, %dma_start3A_297] : memref<16x50x64xf32, #tpu.memory_space<vmem>> -> memref<1x50x64xf32, #tpu.memory_space<vmem>>
    %dma_start3A_299 = tpu.memref_squeeze %dma_start3A_298 : memref<1x50x64xf32, #tpu.memory_space<vmem>> -> memref<50x64xf32, #tpu.memory_space<vmem>>
    tpu.enqueue_dma source(%dma_start3A_299 : memref<50x64xf32, #tpu.memory_space<vmem>>) target(%dma_start3A_295 : memref<50x64xf32, #tpu.memory_space<hbm>>) target_semaphore(%arg8 : memref<!tpu.dma_semaphore, #tpu.memory_space<semaphore_mem>>)
    %dma_start3A_300 = arith.constant 12 : i32
    %dma_start3A_301 = arith.constant 12 : i32
    %dma_start3A_302 = arith.constant 0 : i32
    %dma_start3A_303 = arith.constant 0 : i32
    %dma_start3A_304 = tpu.memref_slice %arg6[%dma_start3A_301, %dma_start3A_302, %dma_start3A_303] : memref<16x50x64xf32, #tpu.memory_space<vmem>> -> memref<1x50x64xf32, #tpu.memory_space<vmem>>
    %dma_start3A_305 = tpu.memref_squeeze %dma_start3A_304 : memref<1x50x64xf32, #tpu.memory_space<vmem>> -> memref<50x64xf32, #tpu.memory_space<vmem>>
    %dma_start3A_306 = arith.constant 0 : i32
    %dma_start3A_307 = tpu.memref_slice %arg5[%dma_start3A_300, %dma_start3A_306] : memref<512x50xi32, #tpu.memory_space<vmem>> -> memref<1x50xi32, #tpu.memory_space<vmem>>
    %dma_start3A_308 = tpu.memref_squeeze %dma_start3A_307 : memref<1x50xi32, #tpu.memory_space<vmem>> -> memref<50xi32, #tpu.memory_space<vmem>>
    %dma_start3A_309 = arith.constant 0 : i32
    %dma_start3A_310 = arith.constant 0 : i32
    %dma_start3A_311 = tpu.memref_slice %arg2[%dma_start3A_309, %dma_start3A_310] : memref<1000000x64xf32, #tpu.memory_space<hbm>> -> memref<1000000x64xf32, #tpu.memory_space<hbm>>
    tpu.enqueue_indirect_dma source(%dma_start3A_311 : memref<1000000x64xf32, #tpu.memory_space<hbm>>) target(%dma_start3A_305 : memref<50x64xf32, #tpu.memory_space<vmem>>) offsets(%dma_start3A_308 : memref<50xi32, #tpu.memory_space<vmem>>) semaphore(%arg7 : memref<!tpu.dma_semaphore, #tpu.memory_space<semaphore_mem>>)
    %dma_wait3A_312 = arith.constant 5 : i32
    %dma_wait3A_313 = arith.constant 5 : i32
    %dma_wait3A_314 = arith.constant 0 : i32
    %dma_wait3A_315 = arith.constant 0 : i32
    %dma_wait3A_316 = tpu.memref_slice %arg6[%dma_wait3A_313, %dma_wait3A_314, %dma_wait3A_315] : memref<16x50x64xf32, #tpu.memory_space<vmem>> -> memref<1x50x64xf32, #tpu.memory_space<vmem>>
    %dma_wait3A_317 = tpu.memref_squeeze %dma_wait3A_316 : memref<1x50x64xf32, #tpu.memory_space<vmem>> -> memref<50x64xf32, #tpu.memory_space<vmem>>
    %dma_wait3A_318 = arith.constant 0 : i32
    %dma_wait3A_319 = tpu.memref_slice %arg5[%dma_wait3A_312, %dma_wait3A_318] : memref<512x50xi32, #tpu.memory_space<vmem>> -> memref<1x50xi32, #tpu.memory_space<vmem>>
    %dma_wait3A_320 = tpu.memref_squeeze %dma_wait3A_319 : memref<1x50xi32, #tpu.memory_space<vmem>> -> memref<50xi32, #tpu.memory_space<vmem>>
    %dma_wait3A_321 = arith.constant 0 : i32
    %dma_wait3A_322 = arith.constant 0 : i32
    %dma_wait3A_323 = tpu.memref_slice %arg2[%dma_wait3A_321, %dma_wait3A_322] : memref<1000000x64xf32, #tpu.memory_space<hbm>> -> memref<1000000x64xf32, #tpu.memory_space<hbm>>
    tpu.wait_indirect_dma semaphore(%arg7 : memref<!tpu.dma_semaphore, #tpu.memory_space<semaphore_mem>>) src(%dma_wait3A_323 : memref<1000000x64xf32, #tpu.memory_space<hbm>>) dst(%dma_wait3A_317 : memref<50x64xf32, #tpu.memory_space<vmem>>)
    %add3A_324 = arith.constant 5 : i32
    %add3A_325 = arith.addi %mul3A_2, %add3A_324 : i32
    %dma_start3A_326 = arith.constant 5 : i32
    %dma_start3A_327 = arith.constant 0 : i32
    %dma_start3A_328 = arith.constant 0 : i32
    %dma_start3A_329 = tpu.memref_slice %arg6[%dma_start3A_326, %dma_start3A_327, %dma_start3A_328] : memref<16x50x64xf32, #tpu.memory_space<vmem>> -> memref<1x50x64xf32, #tpu.memory_space<vmem>>
    %dma_start3A_330 = tpu.memref_squeeze %dma_start3A_329 : memref<1x50x64xf32, #tpu.memory_space<vmem>> -> memref<50x64xf32, #tpu.memory_space<vmem>>
    %dma_start3A_331 = arith.constant 0 : i32
    %dma_start3A_332 = arith.constant 0 : i32
    %dma_start3A_333 = tpu.memref_slice %arg4[%add3A_325, %dma_start3A_331, %dma_start3A_332] : memref<16384x56x128xf32, #tpu.memory_space<hbm>> -> memref<1x50x64xf32, #tpu.memory_space<hbm>>
    %dma_start3A_334 = tpu.memref_squeeze %dma_start3A_333 : memref<1x50x64xf32, #tpu.memory_space<hbm>> -> memref<50x64xf32, #tpu.memory_space<hbm>>
    %dma_start3A_335 = arith.constant 0 : i32
    %dma_start3A_336 = arith.constant 0 : i32
    %dma_start3A_337 = tpu.memref_slice %arg4[%add3A_325, %dma_start3A_335, %dma_start3A_336] : memref<16384x56x128xf32, #tpu.memory_space<hbm>> -> memref<1x50x64xf32, #tpu.memory_space<hbm>>
    %dma_start3A_338 = tpu.memref_squeeze %dma_start3A_337 : memref<1x50x64xf32, #tpu.memory_space<hbm>> -> memref<50x64xf32, #tpu.memory_space<hbm>>
    %dma_start3A_339 = arith.constant 0 : i32
    %dma_start3A_340 = arith.constant 0 : i32
    %dma_start3A_341 = tpu.memref_slice %arg6[%dma_start3A_326, %dma_start3A_339, %dma_start3A_340] : memref<16x50x64xf32, #tpu.memory_space<vmem>> -> memref<1x50x64xf32, #tpu.memory_space<vmem>>
    %dma_start3A_342 = tpu.memref_squeeze %dma_start3A_341 : memref<1x50x64xf32, #tpu.memory_space<vmem>> -> memref<50x64xf32, #tpu.memory_space<vmem>>
    tpu.enqueue_dma source(%dma_start3A_342 : memref<50x64xf32, #tpu.memory_space<vmem>>) target(%dma_start3A_338 : memref<50x64xf32, #tpu.memory_space<hbm>>) target_semaphore(%arg8 : memref<!tpu.dma_semaphore, #tpu.memory_space<semaphore_mem>>)
    %dma_start3A_343 = arith.constant 13 : i32
    %dma_start3A_344 = arith.constant 13 : i32
    %dma_start3A_345 = arith.constant 0 : i32
    %dma_start3A_346 = arith.constant 0 : i32
    %dma_start3A_347 = tpu.memref_slice %arg6[%dma_start3A_344, %dma_start3A_345, %dma_start3A_346] : memref<16x50x64xf32, #tpu.memory_space<vmem>> -> memref<1x50x64xf32, #tpu.memory_space<vmem>>
    %dma_start3A_348 = tpu.memref_squeeze %dma_start3A_347 : memref<1x50x64xf32, #tpu.memory_space<vmem>> -> memref<50x64xf32, #tpu.memory_space<vmem>>
    %dma_start3A_349 = arith.constant 0 : i32
    %dma_start3A_350 = tpu.memref_slice %arg5[%dma_start3A_343, %dma_start3A_349] : memref<512x50xi32, #tpu.memory_space<vmem>> -> memref<1x50xi32, #tpu.memory_space<vmem>>
    %dma_start3A_351 = tpu.memref_squeeze %dma_start3A_350 : memref<1x50xi32, #tpu.memory_space<vmem>> -> memref<50xi32, #tpu.memory_space<vmem>>
    %dma_start3A_352 = arith.constant 0 : i32
    %dma_start3A_353 = arith.constant 0 : i32
    %dma_start3A_354 = tpu.memref_slice %arg2[%dma_start3A_352, %dma_start3A_353] : memref<1000000x64xf32, #tpu.memory_space<hbm>> -> memref<1000000x64xf32, #tpu.memory_space<hbm>>
    tpu.enqueue_indirect_dma source(%dma_start3A_354 : memref<1000000x64xf32, #tpu.memory_space<hbm>>) target(%dma_start3A_348 : memref<50x64xf32, #tpu.memory_space<vmem>>) offsets(%dma_start3A_351 : memref<50xi32, #tpu.memory_space<vmem>>) semaphore(%arg7 : memref<!tpu.dma_semaphore, #tpu.memory_space<semaphore_mem>>)
    %dma_wait3A_355 = arith.constant 6 : i32
    %dma_wait3A_356 = arith.constant 6 : i32
    %dma_wait3A_357 = arith.constant 0 : i32
    %dma_wait3A_358 = arith.constant 0 : i32
    %dma_wait3A_359 = tpu.memref_slice %arg6[%dma_wait3A_356, %dma_wait3A_357, %dma_wait3A_358] : memref<16x50x64xf32, #tpu.memory_space<vmem>> -> memref<1x50x64xf32, #tpu.memory_space<vmem>>
    %dma_wait3A_360 = tpu.memref_squeeze %dma_wait3A_359 : memref<1x50x64xf32, #tpu.memory_space<vmem>> -> memref<50x64xf32, #tpu.memory_space<vmem>>
    %dma_wait3A_361 = arith.constant 0 : i32
    %dma_wait3A_362 = tpu.memref_slice %arg5[%dma_wait3A_355, %dma_wait3A_361] : memref<512x50xi32, #tpu.memory_space<vmem>> -> memref<1x50xi32, #tpu.memory_space<vmem>>
    %dma_wait3A_363 = tpu.memref_squeeze %dma_wait3A_362 : memref<1x50xi32, #tpu.memory_space<vmem>> -> memref<50xi32, #tpu.memory_space<vmem>>
    %dma_wait3A_364 = arith.constant 0 : i32
    %dma_wait3A_365 = arith.constant 0 : i32
    %dma_wait3A_366 = tpu.memref_slice %arg2[%dma_wait3A_364, %dma_wait3A_365] : memref<1000000x64xf32, #tpu.memory_space<hbm>> -> memref<1000000x64xf32, #tpu.memory_space<hbm>>
    tpu.wait_indirect_dma semaphore(%arg7 : memref<!tpu.dma_semaphore, #tpu.memory_space<semaphore_mem>>) src(%dma_wait3A_366 : memref<1000000x64xf32, #tpu.memory_space<hbm>>) dst(%dma_wait3A_360 : memref<50x64xf32, #tpu.memory_space<vmem>>)
    %add3A_367 = arith.constant 6 : i32
    %add3A_368 = arith.addi %mul3A_2, %add3A_367 : i32
    %dma_start3A_369 = arith.constant 6 : i32
    %dma_start3A_370 = arith.constant 0 : i32
    %dma_start3A_371 = arith.constant 0 : i32
    %dma_start3A_372 = tpu.memref_slice %arg6[%dma_start3A_369, %dma_start3A_370, %dma_start3A_371] : memref<16x50x64xf32, #tpu.memory_space<vmem>> -> memref<1x50x64xf32, #tpu.memory_space<vmem>>
    %dma_start3A_373 = tpu.memref_squeeze %dma_start3A_372 : memref<1x50x64xf32, #tpu.memory_space<vmem>> -> memref<50x64xf32, #tpu.memory_space<vmem>>
    %dma_start3A_374 = arith.constant 0 : i32
    %dma_start3A_375 = arith.constant 0 : i32
    %dma_start3A_376 = tpu.memref_slice %arg4[%add3A_368, %dma_start3A_374, %dma_start3A_375] : memref<16384x56x128xf32, #tpu.memory_space<hbm>> -> memref<1x50x64xf32, #tpu.memory_space<hbm>>
    %dma_start3A_377 = tpu.memref_squeeze %dma_start3A_376 : memref<1x50x64xf32, #tpu.memory_space<hbm>> -> memref<50x64xf32, #tpu.memory_space<hbm>>
    %dma_start3A_378 = arith.constant 0 : i32
    %dma_start3A_379 = arith.constant 0 : i32
    %dma_start3A_380 = tpu.memref_slice %arg4[%add3A_368, %dma_start3A_378, %dma_start3A_379] : memref<16384x56x128xf32, #tpu.memory_space<hbm>> -> memref<1x50x64xf32, #tpu.memory_space<hbm>>
    %dma_start3A_381 = tpu.memref_squeeze %dma_start3A_380 : memref<1x50x64xf32, #tpu.memory_space<hbm>> -> memref<50x64xf32, #tpu.memory_space<hbm>>
    %dma_start3A_382 = arith.constant 0 : i32
    %dma_start3A_383 = arith.constant 0 : i32
    %dma_start3A_384 = tpu.memref_slice %arg6[%dma_start3A_369, %dma_start3A_382, %dma_start3A_383] : memref<16x50x64xf32, #tpu.memory_space<vmem>> -> memref<1x50x64xf32, #tpu.memory_space<vmem>>
    %dma_start3A_385 = tpu.memref_squeeze %dma_start3A_384 : memref<1x50x64xf32, #tpu.memory_space<vmem>> -> memref<50x64xf32, #tpu.memory_space<vmem>>
    tpu.enqueue_dma source(%dma_start3A_385 : memref<50x64xf32, #tpu.memory_space<vmem>>) target(%dma_start3A_381 : memref<50x64xf32, #tpu.memory_space<hbm>>) target_semaphore(%arg8 : memref<!tpu.dma_semaphore, #tpu.memory_space<semaphore_mem>>)
    %dma_start3A_386 = arith.constant 14 : i32
    %dma_start3A_387 = arith.constant 14 : i32
    %dma_start3A_388 = arith.constant 0 : i32
    %dma_start3A_389 = arith.constant 0 : i32
    %dma_start3A_390 = tpu.memref_slice %arg6[%dma_start3A_387, %dma_start3A_388, %dma_start3A_389] : memref<16x50x64xf32, #tpu.memory_space<vmem>> -> memref<1x50x64xf32, #tpu.memory_space<vmem>>
    %dma_start3A_391 = tpu.memref_squeeze %dma_start3A_390 : memref<1x50x64xf32, #tpu.memory_space<vmem>> -> memref<50x64xf32, #tpu.memory_space<vmem>>
    %dma_start3A_392 = arith.constant 0 : i32
    %dma_start3A_393 = tpu.memref_slice %arg5[%dma_start3A_386, %dma_start3A_392] : memref<512x50xi32, #tpu.memory_space<vmem>> -> memref<1x50xi32, #tpu.memory_space<vmem>>
    %dma_start3A_394 = tpu.memref_squeeze %dma_start3A_393 : memref<1x50xi32, #tpu.memory_space<vmem>> -> memref<50xi32, #tpu.memory_space<vmem>>
    %dma_start3A_395 = arith.constant 0 : i32
    %dma_start3A_396 = arith.constant 0 : i32
    %dma_start3A_397 = tpu.memref_slice %arg2[%dma_start3A_395, %dma_start3A_396] : memref<1000000x64xf32, #tpu.memory_space<hbm>> -> memref<1000000x64xf32, #tpu.memory_space<hbm>>
    tpu.enqueue_indirect_dma source(%dma_start3A_397 : memref<1000000x64xf32, #tpu.memory_space<hbm>>) target(%dma_start3A_391 : memref<50x64xf32, #tpu.memory_space<vmem>>) offsets(%dma_start3A_394 : memref<50xi32, #tpu.memory_space<vmem>>) semaphore(%arg7 : memref<!tpu.dma_semaphore, #tpu.memory_space<semaphore_mem>>)
    %dma_wait3A_398 = arith.constant 7 : i32
    %dma_wait3A_399 = arith.constant 7 : i32
    %dma_wait3A_400 = arith.constant 0 : i32
    %dma_wait3A_401 = arith.constant 0 : i32
    %dma_wait3A_402 = tpu.memref_slice %arg6[%dma_wait3A_399, %dma_wait3A_400, %dma_wait3A_401] : memref<16x50x64xf32, #tpu.memory_space<vmem>> -> memref<1x50x64xf32, #tpu.memory_space<vmem>>
    %dma_wait3A_403 = tpu.memref_squeeze %dma_wait3A_402 : memref<1x50x64xf32, #tpu.memory_space<vmem>> -> memref<50x64xf32, #tpu.memory_space<vmem>>
    %dma_wait3A_404 = arith.constant 0 : i32
    %dma_wait3A_405 = tpu.memref_slice %arg5[%dma_wait3A_398, %dma_wait3A_404] : memref<512x50xi32, #tpu.memory_space<vmem>> -> memref<1x50xi32, #tpu.memory_space<vmem>>
    %dma_wait3A_406 = tpu.memref_squeeze %dma_wait3A_405 : memref<1x50xi32, #tpu.memory_space<vmem>> -> memref<50xi32, #tpu.memory_space<vmem>>
    %dma_wait3A_407 = arith.constant 0 : i32
    %dma_wait3A_408 = arith.constant 0 : i32
    %dma_wait3A_409 = tpu.memref_slice %arg2[%dma_wait3A_407, %dma_wait3A_408] : memref<1000000x64xf32, #tpu.memory_space<hbm>> -> memref<1000000x64xf32, #tpu.memory_space<hbm>>
    tpu.wait_indirect_dma semaphore(%arg7 : memref<!tpu.dma_semaphore, #tpu.memory_space<semaphore_mem>>) src(%dma_wait3A_409 : memref<1000000x64xf32, #tpu.memory_space<hbm>>) dst(%dma_wait3A_403 : memref<50x64xf32, #tpu.memory_space<vmem>>)
    %add3A_410 = arith.constant 7 : i32
    %add3A_411 = arith.addi %mul3A_2, %add3A_410 : i32
    %dma_start3A_412 = arith.constant 7 : i32
    %dma_start3A_413 = arith.constant 0 : i32
    %dma_start3A_414 = arith.constant 0 : i32
    %dma_start3A_415 = tpu.memref_slice %arg6[%dma_start3A_412, %dma_start3A_413, %dma_start3A_414] : memref<16x50x64xf32, #tpu.memory_space<vmem>> -> memref<1x50x64xf32, #tpu.memory_space<vmem>>
    %dma_start3A_416 = tpu.memref_squeeze %dma_start3A_415 : memref<1x50x64xf32, #tpu.memory_space<vmem>> -> memref<50x64xf32, #tpu.memory_space<vmem>>
    %dma_start3A_417 = arith.constant 0 : i32
    %dma_start3A_418 = arith.constant 0 : i32
    %dma_start3A_419 = tpu.memref_slice %arg4[%add3A_411, %dma_start3A_417, %dma_start3A_418] : memref<16384x56x128xf32, #tpu.memory_space<hbm>> -> memref<1x50x64xf32, #tpu.memory_space<hbm>>
    %dma_start3A_420 = tpu.memref_squeeze %dma_start3A_419 : memref<1x50x64xf32, #tpu.memory_space<hbm>> -> memref<50x64xf32, #tpu.memory_space<hbm>>
    %dma_start3A_421 = arith.constant 0 : i32
    %dma_start3A_422 = arith.constant 0 : i32
    %dma_start3A_423 = tpu.memref_slice %arg4[%add3A_411, %dma_start3A_421, %dma_start3A_422] : memref<16384x56x128xf32, #tpu.memory_space<hbm>> -> memref<1x50x64xf32, #tpu.memory_space<hbm>>
    %dma_start3A_424 = tpu.memref_squeeze %dma_start3A_423 : memref<1x50x64xf32, #tpu.memory_space<hbm>> -> memref<50x64xf32, #tpu.memory_space<hbm>>
    %dma_start3A_425 = arith.constant 0 : i32
    %dma_start3A_426 = arith.constant 0 : i32
    %dma_start3A_427 = tpu.memref_slice %arg6[%dma_start3A_412, %dma_start3A_425, %dma_start3A_426] : memref<16x50x64xf32, #tpu.memory_space<vmem>> -> memref<1x50x64xf32, #tpu.memory_space<vmem>>
    %dma_start3A_428 = tpu.memref_squeeze %dma_start3A_427 : memref<1x50x64xf32, #tpu.memory_space<vmem>> -> memref<50x64xf32, #tpu.memory_space<vmem>>
    tpu.enqueue_dma source(%dma_start3A_428 : memref<50x64xf32, #tpu.memory_space<vmem>>) target(%dma_start3A_424 : memref<50x64xf32, #tpu.memory_space<hbm>>) target_semaphore(%arg8 : memref<!tpu.dma_semaphore, #tpu.memory_space<semaphore_mem>>)
    %dma_start3A_429 = arith.constant 15 : i32
    %dma_start3A_430 = arith.constant 15 : i32
    %dma_start3A_431 = arith.constant 0 : i32
    %dma_start3A_432 = arith.constant 0 : i32
    %dma_start3A_433 = tpu.memref_slice %arg6[%dma_start3A_430, %dma_start3A_431, %dma_start3A_432] : memref<16x50x64xf32, #tpu.memory_space<vmem>> -> memref<1x50x64xf32, #tpu.memory_space<vmem>>
    %dma_start3A_434 = tpu.memref_squeeze %dma_start3A_433 : memref<1x50x64xf32, #tpu.memory_space<vmem>> -> memref<50x64xf32, #tpu.memory_space<vmem>>
    %dma_start3A_435 = arith.constant 0 : i32
    %dma_start3A_436 = tpu.memref_slice %arg5[%dma_start3A_429, %dma_start3A_435] : memref<512x50xi32, #tpu.memory_space<vmem>> -> memref<1x50xi32, #tpu.memory_space<vmem>>
    %dma_start3A_437 = tpu.memref_squeeze %dma_start3A_436 : memref<1x50xi32, #tpu.memory_space<vmem>> -> memref<50xi32, #tpu.memory_space<vmem>>
    %dma_start3A_438 = arith.constant 0 : i32
    %dma_start3A_439 = arith.constant 0 : i32
    %dma_start3A_440 = tpu.memref_slice %arg2[%dma_start3A_438, %dma_start3A_439] : memref<1000000x64xf32, #tpu.memory_space<hbm>> -> memref<1000000x64xf32, #tpu.memory_space<hbm>>
    tpu.enqueue_indirect_dma source(%dma_start3A_440 : memref<1000000x64xf32, #tpu.memory_space<hbm>>) target(%dma_start3A_434 : memref<50x64xf32, #tpu.memory_space<vmem>>) offsets(%dma_start3A_437 : memref<50xi32, #tpu.memory_space<vmem>>) semaphore(%arg7 : memref<!tpu.dma_semaphore, #tpu.memory_space<semaphore_mem>>)
    %scan3A = arith.constant 0 : i32
    %scan3A_441 = arith.constant 0 : i32
    %scan3A_442 = arith.constant 31 : i32
    %scan3A_443 = arith.addi %scan3A_441, %scan3A_442 : i32
    %scan3A_444 = arith.constant 1 : i32
    scf.for %scan3A_998 = %scan3A_441 to %scan3A_443 step %scan3A_444  : i32 {
      %mul3A_999 = arith.constant 16 : i32
      %mul3A_1000 = arith.muli %scan3A_998, %mul3A_999 : i32
      %add3A_1001 = arith.constant 8 : i32
      %add3A_1002 = arith.addi %add3A_1001, %mul3A_1000 : i32
      %add3A_1003 = arith.constant 0 : i32
      %add3A_1004 = arith.addi %add3A_1002, %add3A_1003 : i32
      %dma_wait3A_1005 = arith.constant 8 : i32
      %dma_wait3A_1006 = arith.constant 0 : i32
      %dma_wait3A_1007 = arith.constant 0 : i32
      %dma_wait3A_1008 = tpu.memref_slice %arg6[%dma_wait3A_1005, %dma_wait3A_1006, %dma_wait3A_1007] : memref<16x50x64xf32, #tpu.memory_space<vmem>> -> memref<1x50x64xf32, #tpu.memory_space<vmem>>
      %dma_wait3A_1009 = tpu.memref_squeeze %dma_wait3A_1008 : memref<1x50x64xf32, #tpu.memory_space<vmem>> -> memref<50x64xf32, #tpu.memory_space<vmem>>
      %dma_wait3A_1010 = arith.constant 0 : i32
      %dma_wait3A_1011 = tpu.memref_slice %arg5[%add3A_1004, %dma_wait3A_1010] : memref<512x50xi32, #tpu.memory_space<vmem>> -> memref<1x50xi32, #tpu.memory_space<vmem>>
      %dma_wait3A_1012 = tpu.memref_squeeze %dma_wait3A_1011 : memref<1x50xi32, #tpu.memory_space<vmem>> -> memref<50xi32, #tpu.memory_space<vmem>>
      %dma_wait3A_1013 = arith.constant 0 : i32
      %dma_wait3A_1014 = arith.constant 0 : i32
      %dma_wait3A_1015 = tpu.memref_slice %arg2[%dma_wait3A_1013, %dma_wait3A_1014] : memref<1000000x64xf32, #tpu.memory_space<hbm>> -> memref<1000000x64xf32, #tpu.memory_space<hbm>>
      tpu.wait_indirect_dma semaphore(%arg7 : memref<!tpu.dma_semaphore, #tpu.memory_space<semaphore_mem>>) src(%dma_wait3A_1015 : memref<1000000x64xf32, #tpu.memory_space<hbm>>) dst(%dma_wait3A_1009 : memref<50x64xf32, #tpu.memory_space<vmem>>)
      %add3A_1016 = arith.addi %mul3A_2, %add3A_1004 : i32
      %dma_start3A_1017 = arith.constant 8 : i32
      %dma_start3A_1018 = arith.constant 0 : i32
      %dma_start3A_1019 = arith.constant 0 : i32
      %dma_start3A_1020 = tpu.memref_slice %arg6[%dma_start3A_1017, %dma_start3A_1018, %dma_start3A_1019] : memref<16x50x64xf32, #tpu.memory_space<vmem>> -> memref<1x50x64xf32, #tpu.memory_space<vmem>>
      %dma_start3A_1021 = tpu.memref_squeeze %dma_start3A_1020 : memref<1x50x64xf32, #tpu.memory_space<vmem>> -> memref<50x64xf32, #tpu.memory_space<vmem>>
      %dma_start3A_1022 = arith.constant 0 : i32
      %dma_start3A_1023 = arith.constant 0 : i32
      %dma_start3A_1024 = tpu.memref_slice %arg4[%add3A_1016, %dma_start3A_1022, %dma_start3A_1023] : memref<16384x56x128xf32, #tpu.memory_space<hbm>> -> memref<1x50x64xf32, #tpu.memory_space<hbm>>
      %dma_start3A_1025 = tpu.memref_squeeze %dma_start3A_1024 : memref<1x50x64xf32, #tpu.memory_space<hbm>> -> memref<50x64xf32, #tpu.memory_space<hbm>>
      %dma_start3A_1026 = arith.constant 0 : i32
      %dma_start3A_1027 = arith.constant 0 : i32
      %dma_start3A_1028 = tpu.memref_slice %arg4[%add3A_1016, %dma_start3A_1026, %dma_start3A_1027] : memref<16384x56x128xf32, #tpu.memory_space<hbm>> -> memref<1x50x64xf32, #tpu.memory_space<hbm>>
      %dma_start3A_1029 = tpu.memref_squeeze %dma_start3A_1028 : memref<1x50x64xf32, #tpu.memory_space<hbm>> -> memref<50x64xf32, #tpu.memory_space<hbm>>
      %dma_start3A_1030 = arith.constant 0 : i32
      %dma_start3A_1031 = arith.constant 0 : i32
      %dma_start3A_1032 = tpu.memref_slice %arg6[%dma_start3A_1017, %dma_start3A_1030, %dma_start3A_1031] : memref<16x50x64xf32, #tpu.memory_space<vmem>> -> memref<1x50x64xf32, #tpu.memory_space<vmem>>
      %dma_start3A_1033 = tpu.memref_squeeze %dma_start3A_1032 : memref<1x50x64xf32, #tpu.memory_space<vmem>> -> memref<50x64xf32, #tpu.memory_space<vmem>>
      tpu.enqueue_dma source(%dma_start3A_1033 : memref<50x64xf32, #tpu.memory_space<vmem>>) target(%dma_start3A_1029 : memref<50x64xf32, #tpu.memory_space<hbm>>) target_semaphore(%arg8 : memref<!tpu.dma_semaphore, #tpu.memory_space<semaphore_mem>>)
      %add3A_1034 = arith.constant 8 : i32
      %add3A_1035 = arith.addi %add3A_1004, %add3A_1034 : i32
      %sub3A = arith.constant 16 : i32
      %sub3A_1036 = arith.subi %add3A_1035, %sub3A : i32
      %add3A_1037 = arith.addi %mul3A_2, %sub3A_1036 : i32
      %dma_wait3A_1038 = arith.constant 0 : i32
      %dma_wait3A_1039 = arith.constant 0 : i32
      %dma_wait3A_1040 = arith.constant 0 : i32
      %dma_wait3A_1041 = tpu.memref_slice %arg6[%dma_wait3A_1038, %dma_wait3A_1039, %dma_wait3A_1040] : memref<16x50x64xf32, #tpu.memory_space<vmem>> -> memref<1x50x64xf32, #tpu.memory_space<vmem>>
      %dma_wait3A_1042 = tpu.memref_squeeze %dma_wait3A_1041 : memref<1x50x64xf32, #tpu.memory_space<vmem>> -> memref<50x64xf32, #tpu.memory_space<vmem>>
      %dma_wait3A_1043 = arith.constant 0 : i32
      %dma_wait3A_1044 = arith.constant 0 : i32
      %dma_wait3A_1045 = tpu.memref_slice %arg4[%add3A_1037, %dma_wait3A_1043, %dma_wait3A_1044] : memref<16384x56x128xf32, #tpu.memory_space<hbm>> -> memref<1x50x64xf32, #tpu.memory_space<hbm>>
      %dma_wait3A_1046 = tpu.memref_squeeze %dma_wait3A_1045 : memref<1x50x64xf32, #tpu.memory_space<hbm>> -> memref<50x64xf32, #tpu.memory_space<hbm>>
      %dma_wait3A_1047 = arith.constant 0 : i32
      %dma_wait3A_1048 = arith.constant 0 : i32
      %dma_wait3A_1049 = tpu.memref_slice %arg4[%add3A_1037, %dma_wait3A_1047, %dma_wait3A_1048] : memref<16384x56x128xf32, #tpu.memory_space<hbm>> -> memref<1x50x64xf32, #tpu.memory_space<hbm>>
      %dma_wait3A_1050 = tpu.memref_squeeze %dma_wait3A_1049 : memref<1x50x64xf32, #tpu.memory_space<hbm>> -> memref<50x64xf32, #tpu.memory_space<hbm>>
      %dma_wait3A_1051 = arith.constant 0 : i32
      %dma_wait3A_1052 = arith.constant 0 : i32
      %dma_wait3A_1053 = tpu.memref_slice %arg6[%dma_wait3A_1038, %dma_wait3A_1051, %dma_wait3A_1052] : memref<16x50x64xf32, #tpu.memory_space<vmem>> -> memref<1x50x64xf32, #tpu.memory_space<vmem>>
      %dma_wait3A_1054 = tpu.memref_squeeze %dma_wait3A_1053 : memref<1x50x64xf32, #tpu.memory_space<vmem>> -> memref<50x64xf32, #tpu.memory_space<vmem>>
      tpu.wait_dma2 semaphore(%arg8 : memref<!tpu.dma_semaphore, #tpu.memory_space<semaphore_mem>>) src(%dma_wait3A_1054 : memref<50x64xf32, #tpu.memory_space<vmem>>) dst(%dma_wait3A_1050 : memref<50x64xf32, #tpu.memory_space<hbm>>)
      %add3A_1055 = arith.constant 8 : i32
      %add3A_1056 = arith.addi %add3A_1004, %add3A_1055 : i32
      %dma_start3A_1057 = arith.constant 0 : i32
      %dma_start3A_1058 = arith.constant 0 : i32
      %dma_start3A_1059 = arith.constant 0 : i32
      %dma_start3A_1060 = tpu.memref_slice %arg6[%dma_start3A_1057, %dma_start3A_1058, %dma_start3A_1059] : memref<16x50x64xf32, #tpu.memory_space<vmem>> -> memref<1x50x64xf32, #tpu.memory_space<vmem>>
      %dma_start3A_1061 = tpu.memref_squeeze %dma_start3A_1060 : memref<1x50x64xf32, #tpu.memory_space<vmem>> -> memref<50x64xf32, #tpu.memory_space<vmem>>
      %dma_start3A_1062 = arith.constant 0 : i32
      %dma_start3A_1063 = tpu.memref_slice %arg5[%add3A_1056, %dma_start3A_1062] : memref<512x50xi32, #tpu.memory_space<vmem>> -> memref<1x50xi32, #tpu.memory_space<vmem>>
      %dma_start3A_1064 = tpu.memref_squeeze %dma_start3A_1063 : memref<1x50xi32, #tpu.memory_space<vmem>> -> memref<50xi32, #tpu.memory_space<vmem>>
      %dma_start3A_1065 = arith.constant 0 : i32
      %dma_start3A_1066 = arith.constant 0 : i32
      %dma_start3A_1067 = tpu.memref_slice %arg2[%dma_start3A_1065, %dma_start3A_1066] : memref<1000000x64xf32, #tpu.memory_space<hbm>> -> memref<1000000x64xf32, #tpu.memory_space<hbm>>
      tpu.enqueue_indirect_dma source(%dma_start3A_1067 : memref<1000000x64xf32, #tpu.memory_space<hbm>>) target(%dma_start3A_1061 : memref<50x64xf32, #tpu.memory_space<vmem>>) offsets(%dma_start3A_1064 : memref<50xi32, #tpu.memory_space<vmem>>) semaphore(%arg7 : memref<!tpu.dma_semaphore, #tpu.memory_space<semaphore_mem>>)
      %add3A_1068 = arith.constant 1 : i32
      %add3A_1069 = arith.addi %add3A_1002, %add3A_1068 : i32
      %dma_wait3A_1070 = arith.constant 9 : i32
      %dma_wait3A_1071 = arith.constant 0 : i32
      %dma_wait3A_1072 = arith.constant 0 : i32
      %dma_wait3A_1073 = tpu.memref_slice %arg6[%dma_wait3A_1070, %dma_wait3A_1071, %dma_wait3A_1072] : memref<16x50x64xf32, #tpu.memory_space<vmem>> -> memref<1x50x64xf32, #tpu.memory_space<vmem>>
      %dma_wait3A_1074 = tpu.memref_squeeze %dma_wait3A_1073 : memref<1x50x64xf32, #tpu.memory_space<vmem>> -> memref<50x64xf32, #tpu.memory_space<vmem>>
      %dma_wait3A_1075 = arith.constant 0 : i32
      %dma_wait3A_1076 = tpu.memref_slice %arg5[%add3A_1069, %dma_wait3A_1075] : memref<512x50xi32, #tpu.memory_space<vmem>> -> memref<1x50xi32, #tpu.memory_space<vmem>>
      %dma_wait3A_1077 = tpu.memref_squeeze %dma_wait3A_1076 : memref<1x50xi32, #tpu.memory_space<vmem>> -> memref<50xi32, #tpu.memory_space<vmem>>
      %dma_wait3A_1078 = arith.constant 0 : i32
      %dma_wait3A_1079 = arith.constant 0 : i32
      %dma_wait3A_1080 = tpu.memref_slice %arg2[%dma_wait3A_1078, %dma_wait3A_1079] : memref<1000000x64xf32, #tpu.memory_space<hbm>> -> memref<1000000x64xf32, #tpu.memory_space<hbm>>
      tpu.wait_indirect_dma semaphore(%arg7 : memref<!tpu.dma_semaphore, #tpu.memory_space<semaphore_mem>>) src(%dma_wait3A_1080 : memref<1000000x64xf32, #tpu.memory_space<hbm>>) dst(%dma_wait3A_1074 : memref<50x64xf32, #tpu.memory_space<vmem>>)
      %add3A_1081 = arith.addi %mul3A_2, %add3A_1069 : i32
      %dma_start3A_1082 = arith.constant 9 : i32
      %dma_start3A_1083 = arith.constant 0 : i32
      %dma_start3A_1084 = arith.constant 0 : i32
      %dma_start3A_1085 = tpu.memref_slice %arg6[%dma_start3A_1082, %dma_start3A_1083, %dma_start3A_1084] : memref<16x50x64xf32, #tpu.memory_space<vmem>> -> memref<1x50x64xf32, #tpu.memory_space<vmem>>
      %dma_start3A_1086 = tpu.memref_squeeze %dma_start3A_1085 : memref<1x50x64xf32, #tpu.memory_space<vmem>> -> memref<50x64xf32, #tpu.memory_space<vmem>>
      %dma_start3A_1087 = arith.constant 0 : i32
      %dma_start3A_1088 = arith.constant 0 : i32
      %dma_start3A_1089 = tpu.memref_slice %arg4[%add3A_1081, %dma_start3A_1087, %dma_start3A_1088] : memref<16384x56x128xf32, #tpu.memory_space<hbm>> -> memref<1x50x64xf32, #tpu.memory_space<hbm>>
      %dma_start3A_1090 = tpu.memref_squeeze %dma_start3A_1089 : memref<1x50x64xf32, #tpu.memory_space<hbm>> -> memref<50x64xf32, #tpu.memory_space<hbm>>
      %dma_start3A_1091 = arith.constant 0 : i32
      %dma_start3A_1092 = arith.constant 0 : i32
      %dma_start3A_1093 = tpu.memref_slice %arg4[%add3A_1081, %dma_start3A_1091, %dma_start3A_1092] : memref<16384x56x128xf32, #tpu.memory_space<hbm>> -> memref<1x50x64xf32, #tpu.memory_space<hbm>>
      %dma_start3A_1094 = tpu.memref_squeeze %dma_start3A_1093 : memref<1x50x64xf32, #tpu.memory_space<hbm>> -> memref<50x64xf32, #tpu.memory_space<hbm>>
      %dma_start3A_1095 = arith.constant 0 : i32
      %dma_start3A_1096 = arith.constant 0 : i32
      %dma_start3A_1097 = tpu.memref_slice %arg6[%dma_start3A_1082, %dma_start3A_1095, %dma_start3A_1096] : memref<16x50x64xf32, #tpu.memory_space<vmem>> -> memref<1x50x64xf32, #tpu.memory_space<vmem>>
      %dma_start3A_1098 = tpu.memref_squeeze %dma_start3A_1097 : memref<1x50x64xf32, #tpu.memory_space<vmem>> -> memref<50x64xf32, #tpu.memory_space<vmem>>
      tpu.enqueue_dma source(%dma_start3A_1098 : memref<50x64xf32, #tpu.memory_space<vmem>>) target(%dma_start3A_1094 : memref<50x64xf32, #tpu.memory_space<hbm>>) target_semaphore(%arg8 : memref<!tpu.dma_semaphore, #tpu.memory_space<semaphore_mem>>)
      %add3A_1099 = arith.constant 8 : i32
      %add3A_1100 = arith.addi %add3A_1069, %add3A_1099 : i32
      %sub3A_1101 = arith.constant 16 : i32
      %sub3A_1102 = arith.subi %add3A_1100, %sub3A_1101 : i32
      %add3A_1103 = arith.addi %mul3A_2, %sub3A_1102 : i32
      %dma_wait3A_1104 = arith.constant 1 : i32
      %dma_wait3A_1105 = arith.constant 0 : i32
      %dma_wait3A_1106 = arith.constant 0 : i32
      %dma_wait3A_1107 = tpu.memref_slice %arg6[%dma_wait3A_1104, %dma_wait3A_1105, %dma_wait3A_1106] : memref<16x50x64xf32, #tpu.memory_space<vmem>> -> memref<1x50x64xf32, #tpu.memory_space<vmem>>
      %dma_wait3A_1108 = tpu.memref_squeeze %dma_wait3A_1107 : memref<1x50x64xf32, #tpu.memory_space<vmem>> -> memref<50x64xf32, #tpu.memory_space<vmem>>
      %dma_wait3A_1109 = arith.constant 0 : i32
      %dma_wait3A_1110 = arith.constant 0 : i32
      %dma_wait3A_1111 = tpu.memref_slice %arg4[%add3A_1103, %dma_wait3A_1109, %dma_wait3A_1110] : memref<16384x56x128xf32, #tpu.memory_space<hbm>> -> memref<1x50x64xf32, #tpu.memory_space<hbm>>
      %dma_wait3A_1112 = tpu.memref_squeeze %dma_wait3A_1111 : memref<1x50x64xf32, #tpu.memory_space<hbm>> -> memref<50x64xf32, #tpu.memory_space<hbm>>
      %dma_wait3A_1113 = arith.constant 0 : i32
      %dma_wait3A_1114 = arith.constant 0 : i32
      %dma_wait3A_1115 = tpu.memref_slice %arg4[%add3A_1103, %dma_wait3A_1113, %dma_wait3A_1114] : memref<16384x56x128xf32, #tpu.memory_space<hbm>> -> memref<1x50x64xf32, #tpu.memory_space<hbm>>
      %dma_wait3A_1116 = tpu.memref_squeeze %dma_wait3A_1115 : memref<1x50x64xf32, #tpu.memory_space<hbm>> -> memref<50x64xf32, #tpu.memory_space<hbm>>
      %dma_wait3A_1117 = arith.constant 0 : i32
      %dma_wait3A_1118 = arith.constant 0 : i32
      %dma_wait3A_1119 = tpu.memref_slice %arg6[%dma_wait3A_1104, %dma_wait3A_1117, %dma_wait3A_1118] : memref<16x50x64xf32, #tpu.memory_space<vmem>> -> memref<1x50x64xf32, #tpu.memory_space<vmem>>
      %dma_wait3A_1120 = tpu.memref_squeeze %dma_wait3A_1119 : memref<1x50x64xf32, #tpu.memory_space<vmem>> -> memref<50x64xf32, #tpu.memory_space<vmem>>
      tpu.wait_dma2 semaphore(%arg8 : memref<!tpu.dma_semaphore, #tpu.memory_space<semaphore_mem>>) src(%dma_wait3A_1120 : memref<50x64xf32, #tpu.memory_space<vmem>>) dst(%dma_wait3A_1116 : memref<50x64xf32, #tpu.memory_space<hbm>>)
      %add3A_1121 = arith.constant 8 : i32
      %add3A_1122 = arith.addi %add3A_1069, %add3A_1121 : i32
      %dma_start3A_1123 = arith.constant 1 : i32
      %dma_start3A_1124 = arith.constant 0 : i32
      %dma_start3A_1125 = arith.constant 0 : i32
      %dma_start3A_1126 = tpu.memref_slice %arg6[%dma_start3A_1123, %dma_start3A_1124, %dma_start3A_1125] : memref<16x50x64xf32, #tpu.memory_space<vmem>> -> memref<1x50x64xf32, #tpu.memory_space<vmem>>
      %dma_start3A_1127 = tpu.memref_squeeze %dma_start3A_1126 : memref<1x50x64xf32, #tpu.memory_space<vmem>> -> memref<50x64xf32, #tpu.memory_space<vmem>>
      %dma_start3A_1128 = arith.constant 0 : i32
      %dma_start3A_1129 = tpu.memref_slice %arg5[%add3A_1122, %dma_start3A_1128] : memref<512x50xi32, #tpu.memory_space<vmem>> -> memref<1x50xi32, #tpu.memory_space<vmem>>
      %dma_start3A_1130 = tpu.memref_squeeze %dma_start3A_1129 : memref<1x50xi32, #tpu.memory_space<vmem>> -> memref<50xi32, #tpu.memory_space<vmem>>
      %dma_start3A_1131 = arith.constant 0 : i32
      %dma_start3A_1132 = arith.constant 0 : i32
      %dma_start3A_1133 = tpu.memref_slice %arg2[%dma_start3A_1131, %dma_start3A_1132] : memref<1000000x64xf32, #tpu.memory_space<hbm>> -> memref<1000000x64xf32, #tpu.memory_space<hbm>>
      tpu.enqueue_indirect_dma source(%dma_start3A_1133 : memref<1000000x64xf32, #tpu.memory_space<hbm>>) target(%dma_start3A_1127 : memref<50x64xf32, #tpu.memory_space<vmem>>) offsets(%dma_start3A_1130 : memref<50xi32, #tpu.memory_space<vmem>>) semaphore(%arg7 : memref<!tpu.dma_semaphore, #tpu.memory_space<semaphore_mem>>)
      %add3A_1134 = arith.constant 2 : i32
      %add3A_1135 = arith.addi %add3A_1002, %add3A_1134 : i32
      %dma_wait3A_1136 = arith.constant 10 : i32
      %dma_wait3A_1137 = arith.constant 0 : i32
      %dma_wait3A_1138 = arith.constant 0 : i32
      %dma_wait3A_1139 = tpu.memref_slice %arg6[%dma_wait3A_1136, %dma_wait3A_1137, %dma_wait3A_1138] : memref<16x50x64xf32, #tpu.memory_space<vmem>> -> memref<1x50x64xf32, #tpu.memory_space<vmem>>
      %dma_wait3A_1140 = tpu.memref_squeeze %dma_wait3A_1139 : memref<1x50x64xf32, #tpu.memory_space<vmem>> -> memref<50x64xf32, #tpu.memory_space<vmem>>
      %dma_wait3A_1141 = arith.constant 0 : i32
      %dma_wait3A_1142 = tpu.memref_slice %arg5[%add3A_1135, %dma_wait3A_1141] : memref<512x50xi32, #tpu.memory_space<vmem>> -> memref<1x50xi32, #tpu.memory_space<vmem>>
      %dma_wait3A_1143 = tpu.memref_squeeze %dma_wait3A_1142 : memref<1x50xi32, #tpu.memory_space<vmem>> -> memref<50xi32, #tpu.memory_space<vmem>>
      %dma_wait3A_1144 = arith.constant 0 : i32
      %dma_wait3A_1145 = arith.constant 0 : i32
      %dma_wait3A_1146 = tpu.memref_slice %arg2[%dma_wait3A_1144, %dma_wait3A_1145] : memref<1000000x64xf32, #tpu.memory_space<hbm>> -> memref<1000000x64xf32, #tpu.memory_space<hbm>>
      tpu.wait_indirect_dma semaphore(%arg7 : memref<!tpu.dma_semaphore, #tpu.memory_space<semaphore_mem>>) src(%dma_wait3A_1146 : memref<1000000x64xf32, #tpu.memory_space<hbm>>) dst(%dma_wait3A_1140 : memref<50x64xf32, #tpu.memory_space<vmem>>)
      %add3A_1147 = arith.addi %mul3A_2, %add3A_1135 : i32
      %dma_start3A_1148 = arith.constant 10 : i32
      %dma_start3A_1149 = arith.constant 0 : i32
      %dma_start3A_1150 = arith.constant 0 : i32
      %dma_start3A_1151 = tpu.memref_slice %arg6[%dma_start3A_1148, %dma_start3A_1149, %dma_start3A_1150] : memref<16x50x64xf32, #tpu.memory_space<vmem>> -> memref<1x50x64xf32, #tpu.memory_space<vmem>>
      %dma_start3A_1152 = tpu.memref_squeeze %dma_start3A_1151 : memref<1x50x64xf32, #tpu.memory_space<vmem>> -> memref<50x64xf32, #tpu.memory_space<vmem>>
      %dma_start3A_1153 = arith.constant 0 : i32
      %dma_start3A_1154 = arith.constant 0 : i32
      %dma_start3A_1155 = tpu.memref_slice %arg4[%add3A_1147, %dma_start3A_1153, %dma_start3A_1154] : memref<16384x56x128xf32, #tpu.memory_space<hbm>> -> memref<1x50x64xf32, #tpu.memory_space<hbm>>
      %dma_start3A_1156 = tpu.memref_squeeze %dma_start3A_1155 : memref<1x50x64xf32, #tpu.memory_space<hbm>> -> memref<50x64xf32, #tpu.memory_space<hbm>>
      %dma_start3A_1157 = arith.constant 0 : i32
      %dma_start3A_1158 = arith.constant 0 : i32
      %dma_start3A_1159 = tpu.memref_slice %arg4[%add3A_1147, %dma_start3A_1157, %dma_start3A_1158] : memref<16384x56x128xf32, #tpu.memory_space<hbm>> -> memref<1x50x64xf32, #tpu.memory_space<hbm>>
      %dma_start3A_1160 = tpu.memref_squeeze %dma_start3A_1159 : memref<1x50x64xf32, #tpu.memory_space<hbm>> -> memref<50x64xf32, #tpu.memory_space<hbm>>
      %dma_start3A_1161 = arith.constant 0 : i32
      %dma_start3A_1162 = arith.constant 0 : i32
      %dma_start3A_1163 = tpu.memref_slice %arg6[%dma_start3A_1148, %dma_start3A_1161, %dma_start3A_1162] : memref<16x50x64xf32, #tpu.memory_space<vmem>> -> memref<1x50x64xf32, #tpu.memory_space<vmem>>
      %dma_start3A_1164 = tpu.memref_squeeze %dma_start3A_1163 : memref<1x50x64xf32, #tpu.memory_space<vmem>> -> memref<50x64xf32, #tpu.memory_space<vmem>>
      tpu.enqueue_dma source(%dma_start3A_1164 : memref<50x64xf32, #tpu.memory_space<vmem>>) target(%dma_start3A_1160 : memref<50x64xf32, #tpu.memory_space<hbm>>) target_semaphore(%arg8 : memref<!tpu.dma_semaphore, #tpu.memory_space<semaphore_mem>>)
      %add3A_1165 = arith.constant 8 : i32
      %add3A_1166 = arith.addi %add3A_1135, %add3A_1165 : i32
      %sub3A_1167 = arith.constant 16 : i32
      %sub3A_1168 = arith.subi %add3A_1166, %sub3A_1167 : i32
      %add3A_1169 = arith.addi %mul3A_2, %sub3A_1168 : i32
      %dma_wait3A_1170 = arith.constant 2 : i32
      %dma_wait3A_1171 = arith.constant 0 : i32
      %dma_wait3A_1172 = arith.constant 0 : i32
      %dma_wait3A_1173 = tpu.memref_slice %arg6[%dma_wait3A_1170, %dma_wait3A_1171, %dma_wait3A_1172] : memref<16x50x64xf32, #tpu.memory_space<vmem>> -> memref<1x50x64xf32, #tpu.memory_space<vmem>>
      %dma_wait3A_1174 = tpu.memref_squeeze %dma_wait3A_1173 : memref<1x50x64xf32, #tpu.memory_space<vmem>> -> memref<50x64xf32, #tpu.memory_space<vmem>>
      %dma_wait3A_1175 = arith.constant 0 : i32
      %dma_wait3A_1176 = arith.constant 0 : i32
      %dma_wait3A_1177 = tpu.memref_slice %arg4[%add3A_1169, %dma_wait3A_1175, %dma_wait3A_1176] : memref<16384x56x128xf32, #tpu.memory_space<hbm>> -> memref<1x50x64xf32, #tpu.memory_space<hbm>>
      %dma_wait3A_1178 = tpu.memref_squeeze %dma_wait3A_1177 : memref<1x50x64xf32, #tpu.memory_space<hbm>> -> memref<50x64xf32, #tpu.memory_space<hbm>>
      %dma_wait3A_1179 = arith.constant 0 : i32
      %dma_wait3A_1180 = arith.constant 0 : i32
      %dma_wait3A_1181 = tpu.memref_slice %arg4[%add3A_1169, %dma_wait3A_1179, %dma_wait3A_1180] : memref<16384x56x128xf32, #tpu.memory_space<hbm>> -> memref<1x50x64xf32, #tpu.memory_space<hbm>>
      %dma_wait3A_1182 = tpu.memref_squeeze %dma_wait3A_1181 : memref<1x50x64xf32, #tpu.memory_space<hbm>> -> memref<50x64xf32, #tpu.memory_space<hbm>>
      %dma_wait3A_1183 = arith.constant 0 : i32
      %dma_wait3A_1184 = arith.constant 0 : i32
      %dma_wait3A_1185 = tpu.memref_slice %arg6[%dma_wait3A_1170, %dma_wait3A_1183, %dma_wait3A_1184] : memref<16x50x64xf32, #tpu.memory_space<vmem>> -> memref<1x50x64xf32, #tpu.memory_space<vmem>>
      %dma_wait3A_1186 = tpu.memref_squeeze %dma_wait3A_1185 : memref<1x50x64xf32, #tpu.memory_space<vmem>> -> memref<50x64xf32, #tpu.memory_space<vmem>>
      tpu.wait_dma2 semaphore(%arg8 : memref<!tpu.dma_semaphore, #tpu.memory_space<semaphore_mem>>) src(%dma_wait3A_1186 : memref<50x64xf32, #tpu.memory_space<vmem>>) dst(%dma_wait3A_1182 : memref<50x64xf32, #tpu.memory_space<hbm>>)
      %add3A_1187 = arith.constant 8 : i32
      %add3A_1188 = arith.addi %add3A_1135, %add3A_1187 : i32
      %dma_start3A_1189 = arith.constant 2 : i32
      %dma_start3A_1190 = arith.constant 0 : i32
      %dma_start3A_1191 = arith.constant 0 : i32
      %dma_start3A_1192 = tpu.memref_slice %arg6[%dma_start3A_1189, %dma_start3A_1190, %dma_start3A_1191] : memref<16x50x64xf32, #tpu.memory_space<vmem>> -> memref<1x50x64xf32, #tpu.memory_space<vmem>>
      %dma_start3A_1193 = tpu.memref_squeeze %dma_start3A_1192 : memref<1x50x64xf32, #tpu.memory_space<vmem>> -> memref<50x64xf32, #tpu.memory_space<vmem>>
      %dma_start3A_1194 = arith.constant 0 : i32
      %dma_start3A_1195 = tpu.memref_slice %arg5[%add3A_1188, %dma_start3A_1194] : memref<512x50xi32, #tpu.memory_space<vmem>> -> memref<1x50xi32, #tpu.memory_space<vmem>>
      %dma_start3A_1196 = tpu.memref_squeeze %dma_start3A_1195 : memref<1x50xi32, #tpu.memory_space<vmem>> -> memref<50xi32, #tpu.memory_space<vmem>>
      %dma_start3A_1197 = arith.constant 0 : i32
      %dma_start3A_1198 = arith.constant 0 : i32
      %dma_start3A_1199 = tpu.memref_slice %arg2[%dma_start3A_1197, %dma_start3A_1198] : memref<1000000x64xf32, #tpu.memory_space<hbm>> -> memref<1000000x64xf32, #tpu.memory_space<hbm>>
      tpu.enqueue_indirect_dma source(%dma_start3A_1199 : memref<1000000x64xf32, #tpu.memory_space<hbm>>) target(%dma_start3A_1193 : memref<50x64xf32, #tpu.memory_space<vmem>>) offsets(%dma_start3A_1196 : memref<50xi32, #tpu.memory_space<vmem>>) semaphore(%arg7 : memref<!tpu.dma_semaphore, #tpu.memory_space<semaphore_mem>>)
      %add3A_1200 = arith.constant 3 : i32
      %add3A_1201 = arith.addi %add3A_1002, %add3A_1200 : i32
      %dma_wait3A_1202 = arith.constant 11 : i32
      %dma_wait3A_1203 = arith.constant 0 : i32
      %dma_wait3A_1204 = arith.constant 0 : i32
      %dma_wait3A_1205 = tpu.memref_slice %arg6[%dma_wait3A_1202, %dma_wait3A_1203, %dma_wait3A_1204] : memref<16x50x64xf32, #tpu.memory_space<vmem>> -> memref<1x50x64xf32, #tpu.memory_space<vmem>>
      %dma_wait3A_1206 = tpu.memref_squeeze %dma_wait3A_1205 : memref<1x50x64xf32, #tpu.memory_space<vmem>> -> memref<50x64xf32, #tpu.memory_space<vmem>>
      %dma_wait3A_1207 = arith.constant 0 : i32
      %dma_wait3A_1208 = tpu.memref_slice %arg5[%add3A_1201, %dma_wait3A_1207] : memref<512x50xi32, #tpu.memory_space<vmem>> -> memref<1x50xi32, #tpu.memory_space<vmem>>
      %dma_wait3A_1209 = tpu.memref_squeeze %dma_wait3A_1208 : memref<1x50xi32, #tpu.memory_space<vmem>> -> memref<50xi32, #tpu.memory_space<vmem>>
      %dma_wait3A_1210 = arith.constant 0 : i32
      %dma_wait3A_1211 = arith.constant 0 : i32
      %dma_wait3A_1212 = tpu.memref_slice %arg2[%dma_wait3A_1210, %dma_wait3A_1211] : memref<1000000x64xf32, #tpu.memory_space<hbm>> -> memref<1000000x64xf32, #tpu.memory_space<hbm>>
      tpu.wait_indirect_dma semaphore(%arg7 : memref<!tpu.dma_semaphore, #tpu.memory_space<semaphore_mem>>) src(%dma_wait3A_1212 : memref<1000000x64xf32, #tpu.memory_space<hbm>>) dst(%dma_wait3A_1206 : memref<50x64xf32, #tpu.memory_space<vmem>>)
      %add3A_1213 = arith.addi %mul3A_2, %add3A_1201 : i32
      %dma_start3A_1214 = arith.constant 11 : i32
      %dma_start3A_1215 = arith.constant 0 : i32
      %dma_start3A_1216 = arith.constant 0 : i32
      %dma_start3A_1217 = tpu.memref_slice %arg6[%dma_start3A_1214, %dma_start3A_1215, %dma_start3A_1216] : memref<16x50x64xf32, #tpu.memory_space<vmem>> -> memref<1x50x64xf32, #tpu.memory_space<vmem>>
      %dma_start3A_1218 = tpu.memref_squeeze %dma_start3A_1217 : memref<1x50x64xf32, #tpu.memory_space<vmem>> -> memref<50x64xf32, #tpu.memory_space<vmem>>
      %dma_start3A_1219 = arith.constant 0 : i32
      %dma_start3A_1220 = arith.constant 0 : i32
      %dma_start3A_1221 = tpu.memref_slice %arg4[%add3A_1213, %dma_start3A_1219, %dma_start3A_1220] : memref<16384x56x128xf32, #tpu.memory_space<hbm>> -> memref<1x50x64xf32, #tpu.memory_space<hbm>>
      %dma_start3A_1222 = tpu.memref_squeeze %dma_start3A_1221 : memref<1x50x64xf32, #tpu.memory_space<hbm>> -> memref<50x64xf32, #tpu.memory_space<hbm>>
      %dma_start3A_1223 = arith.constant 0 : i32
      %dma_start3A_1224 = arith.constant 0 : i32
      %dma_start3A_1225 = tpu.memref_slice %arg4[%add3A_1213, %dma_start3A_1223, %dma_start3A_1224] : memref<16384x56x128xf32, #tpu.memory_space<hbm>> -> memref<1x50x64xf32, #tpu.memory_space<hbm>>
      %dma_start3A_1226 = tpu.memref_squeeze %dma_start3A_1225 : memref<1x50x64xf32, #tpu.memory_space<hbm>> -> memref<50x64xf32, #tpu.memory_space<hbm>>
      %dma_start3A_1227 = arith.constant 0 : i32
      %dma_start3A_1228 = arith.constant 0 : i32
      %dma_start3A_1229 = tpu.memref_slice %arg6[%dma_start3A_1214, %dma_start3A_1227, %dma_start3A_1228] : memref<16x50x64xf32, #tpu.memory_space<vmem>> -> memref<1x50x64xf32, #tpu.memory_space<vmem>>
      %dma_start3A_1230 = tpu.memref_squeeze %dma_start3A_1229 : memref<1x50x64xf32, #tpu.memory_space<vmem>> -> memref<50x64xf32, #tpu.memory_space<vmem>>
      tpu.enqueue_dma source(%dma_start3A_1230 : memref<50x64xf32, #tpu.memory_space<vmem>>) target(%dma_start3A_1226 : memref<50x64xf32, #tpu.memory_space<hbm>>) target_semaphore(%arg8 : memref<!tpu.dma_semaphore, #tpu.memory_space<semaphore_mem>>)
      %add3A_1231 = arith.constant 8 : i32
      %add3A_1232 = arith.addi %add3A_1201, %add3A_1231 : i32
      %sub3A_1233 = arith.constant 16 : i32
      %sub3A_1234 = arith.subi %add3A_1232, %sub3A_1233 : i32
      %add3A_1235 = arith.addi %mul3A_2, %sub3A_1234 : i32
      %dma_wait3A_1236 = arith.constant 3 : i32
      %dma_wait3A_1237 = arith.constant 0 : i32
      %dma_wait3A_1238 = arith.constant 0 : i32
      %dma_wait3A_1239 = tpu.memref_slice %arg6[%dma_wait3A_1236, %dma_wait3A_1237, %dma_wait3A_1238] : memref<16x50x64xf32, #tpu.memory_space<vmem>> -> memref<1x50x64xf32, #tpu.memory_space<vmem>>
      %dma_wait3A_1240 = tpu.memref_squeeze %dma_wait3A_1239 : memref<1x50x64xf32, #tpu.memory_space<vmem>> -> memref<50x64xf32, #tpu.memory_space<vmem>>
      %dma_wait3A_1241 = arith.constant 0 : i32
      %dma_wait3A_1242 = arith.constant 0 : i32
      %dma_wait3A_1243 = tpu.memref_slice %arg4[%add3A_1235, %dma_wait3A_1241, %dma_wait3A_1242] : memref<16384x56x128xf32, #tpu.memory_space<hbm>> -> memref<1x50x64xf32, #tpu.memory_space<hbm>>
      %dma_wait3A_1244 = tpu.memref_squeeze %dma_wait3A_1243 : memref<1x50x64xf32, #tpu.memory_space<hbm>> -> memref<50x64xf32, #tpu.memory_space<hbm>>
      %dma_wait3A_1245 = arith.constant 0 : i32
      %dma_wait3A_1246 = arith.constant 0 : i32
      %dma_wait3A_1247 = tpu.memref_slice %arg4[%add3A_1235, %dma_wait3A_1245, %dma_wait3A_1246] : memref<16384x56x128xf32, #tpu.memory_space<hbm>> -> memref<1x50x64xf32, #tpu.memory_space<hbm>>
      %dma_wait3A_1248 = tpu.memref_squeeze %dma_wait3A_1247 : memref<1x50x64xf32, #tpu.memory_space<hbm>> -> memref<50x64xf32, #tpu.memory_space<hbm>>
      %dma_wait3A_1249 = arith.constant 0 : i32
      %dma_wait3A_1250 = arith.constant 0 : i32
      %dma_wait3A_1251 = tpu.memref_slice %arg6[%dma_wait3A_1236, %dma_wait3A_1249, %dma_wait3A_1250] : memref<16x50x64xf32, #tpu.memory_space<vmem>> -> memref<1x50x64xf32, #tpu.memory_space<vmem>>
      %dma_wait3A_1252 = tpu.memref_squeeze %dma_wait3A_1251 : memref<1x50x64xf32, #tpu.memory_space<vmem>> -> memref<50x64xf32, #tpu.memory_space<vmem>>
      tpu.wait_dma2 semaphore(%arg8 : memref<!tpu.dma_semaphore, #tpu.memory_space<semaphore_mem>>) src(%dma_wait3A_1252 : memref<50x64xf32, #tpu.memory_space<vmem>>) dst(%dma_wait3A_1248 : memref<50x64xf32, #tpu.memory_space<hbm>>)
      %add3A_1253 = arith.constant 8 : i32
      %add3A_1254 = arith.addi %add3A_1201, %add3A_1253 : i32
      %dma_start3A_1255 = arith.constant 3 : i32
      %dma_start3A_1256 = arith.constant 0 : i32
      %dma_start3A_1257 = arith.constant 0 : i32
      %dma_start3A_1258 = tpu.memref_slice %arg6[%dma_start3A_1255, %dma_start3A_1256, %dma_start3A_1257] : memref<16x50x64xf32, #tpu.memory_space<vmem>> -> memref<1x50x64xf32, #tpu.memory_space<vmem>>
      %dma_start3A_1259 = tpu.memref_squeeze %dma_start3A_1258 : memref<1x50x64xf32, #tpu.memory_space<vmem>> -> memref<50x64xf32, #tpu.memory_space<vmem>>
      %dma_start3A_1260 = arith.constant 0 : i32
      %dma_start3A_1261 = tpu.memref_slice %arg5[%add3A_1254, %dma_start3A_1260] : memref<512x50xi32, #tpu.memory_space<vmem>> -> memref<1x50xi32, #tpu.memory_space<vmem>>
      %dma_start3A_1262 = tpu.memref_squeeze %dma_start3A_1261 : memref<1x50xi32, #tpu.memory_space<vmem>> -> memref<50xi32, #tpu.memory_space<vmem>>
      %dma_start3A_1263 = arith.constant 0 : i32
      %dma_start3A_1264 = arith.constant 0 : i32
      %dma_start3A_1265 = tpu.memref_slice %arg2[%dma_start3A_1263, %dma_start3A_1264] : memref<1000000x64xf32, #tpu.memory_space<hbm>> -> memref<1000000x64xf32, #tpu.memory_space<hbm>>
      tpu.enqueue_indirect_dma source(%dma_start3A_1265 : memref<1000000x64xf32, #tpu.memory_space<hbm>>) target(%dma_start3A_1259 : memref<50x64xf32, #tpu.memory_space<vmem>>) offsets(%dma_start3A_1262 : memref<50xi32, #tpu.memory_space<vmem>>) semaphore(%arg7 : memref<!tpu.dma_semaphore, #tpu.memory_space<semaphore_mem>>)
      %add3A_1266 = arith.constant 4 : i32
      %add3A_1267 = arith.addi %add3A_1002, %add3A_1266 : i32
      %dma_wait3A_1268 = arith.constant 12 : i32
      %dma_wait3A_1269 = arith.constant 0 : i32
      %dma_wait3A_1270 = arith.constant 0 : i32
      %dma_wait3A_1271 = tpu.memref_slice %arg6[%dma_wait3A_1268, %dma_wait3A_1269, %dma_wait3A_1270] : memref<16x50x64xf32, #tpu.memory_space<vmem>> -> memref<1x50x64xf32, #tpu.memory_space<vmem>>
      %dma_wait3A_1272 = tpu.memref_squeeze %dma_wait3A_1271 : memref<1x50x64xf32, #tpu.memory_space<vmem>> -> memref<50x64xf32, #tpu.memory_space<vmem>>
      %dma_wait3A_1273 = arith.constant 0 : i32
      %dma_wait3A_1274 = tpu.memref_slice %arg5[%add3A_1267, %dma_wait3A_1273] : memref<512x50xi32, #tpu.memory_space<vmem>> -> memref<1x50xi32, #tpu.memory_space<vmem>>
      %dma_wait3A_1275 = tpu.memref_squeeze %dma_wait3A_1274 : memref<1x50xi32, #tpu.memory_space<vmem>> -> memref<50xi32, #tpu.memory_space<vmem>>
      %dma_wait3A_1276 = arith.constant 0 : i32
      %dma_wait3A_1277 = arith.constant 0 : i32
      %dma_wait3A_1278 = tpu.memref_slice %arg2[%dma_wait3A_1276, %dma_wait3A_1277] : memref<1000000x64xf32, #tpu.memory_space<hbm>> -> memref<1000000x64xf32, #tpu.memory_space<hbm>>
      tpu.wait_indirect_dma semaphore(%arg7 : memref<!tpu.dma_semaphore, #tpu.memory_space<semaphore_mem>>) src(%dma_wait3A_1278 : memref<1000000x64xf32, #tpu.memory_space<hbm>>) dst(%dma_wait3A_1272 : memref<50x64xf32, #tpu.memory_space<vmem>>)
      %add3A_1279 = arith.addi %mul3A_2, %add3A_1267 : i32
      %dma_start3A_1280 = arith.constant 12 : i32
      %dma_start3A_1281 = arith.constant 0 : i32
      %dma_start3A_1282 = arith.constant 0 : i32
      %dma_start3A_1283 = tpu.memref_slice %arg6[%dma_start3A_1280, %dma_start3A_1281, %dma_start3A_1282] : memref<16x50x64xf32, #tpu.memory_space<vmem>> -> memref<1x50x64xf32, #tpu.memory_space<vmem>>
      %dma_start3A_1284 = tpu.memref_squeeze %dma_start3A_1283 : memref<1x50x64xf32, #tpu.memory_space<vmem>> -> memref<50x64xf32, #tpu.memory_space<vmem>>
      %dma_start3A_1285 = arith.constant 0 : i32
      %dma_start3A_1286 = arith.constant 0 : i32
      %dma_start3A_1287 = tpu.memref_slice %arg4[%add3A_1279, %dma_start3A_1285, %dma_start3A_1286] : memref<16384x56x128xf32, #tpu.memory_space<hbm>> -> memref<1x50x64xf32, #tpu.memory_space<hbm>>
      %dma_start3A_1288 = tpu.memref_squeeze %dma_start3A_1287 : memref<1x50x64xf32, #tpu.memory_space<hbm>> -> memref<50x64xf32, #tpu.memory_space<hbm>>
      %dma_start3A_1289 = arith.constant 0 : i32
      %dma_start3A_1290 = arith.constant 0 : i32
      %dma_start3A_1291 = tpu.memref_slice %arg4[%add3A_1279, %dma_start3A_1289, %dma_start3A_1290] : memref<16384x56x128xf32, #tpu.memory_space<hbm>> -> memref<1x50x64xf32, #tpu.memory_space<hbm>>
      %dma_start3A_1292 = tpu.memref_squeeze %dma_start3A_1291 : memref<1x50x64xf32, #tpu.memory_space<hbm>> -> memref<50x64xf32, #tpu.memory_space<hbm>>
      %dma_start3A_1293 = arith.constant 0 : i32
      %dma_start3A_1294 = arith.constant 0 : i32
      %dma_start3A_1295 = tpu.memref_slice %arg6[%dma_start3A_1280, %dma_start3A_1293, %dma_start3A_1294] : memref<16x50x64xf32, #tpu.memory_space<vmem>> -> memref<1x50x64xf32, #tpu.memory_space<vmem>>
      %dma_start3A_1296 = tpu.memref_squeeze %dma_start3A_1295 : memref<1x50x64xf32, #tpu.memory_space<vmem>> -> memref<50x64xf32, #tpu.memory_space<vmem>>
      tpu.enqueue_dma source(%dma_start3A_1296 : memref<50x64xf32, #tpu.memory_space<vmem>>) target(%dma_start3A_1292 : memref<50x64xf32, #tpu.memory_space<hbm>>) target_semaphore(%arg8 : memref<!tpu.dma_semaphore, #tpu.memory_space<semaphore_mem>>)
      %add3A_1297 = arith.constant 8 : i32
      %add3A_1298 = arith.addi %add3A_1267, %add3A_1297 : i32
      %sub3A_1299 = arith.constant 16 : i32
      %sub3A_1300 = arith.subi %add3A_1298, %sub3A_1299 : i32
      %add3A_1301 = arith.addi %mul3A_2, %sub3A_1300 : i32
      %dma_wait3A_1302 = arith.constant 4 : i32
      %dma_wait3A_1303 = arith.constant 0 : i32
      %dma_wait3A_1304 = arith.constant 0 : i32
      %dma_wait3A_1305 = tpu.memref_slice %arg6[%dma_wait3A_1302, %dma_wait3A_1303, %dma_wait3A_1304] : memref<16x50x64xf32, #tpu.memory_space<vmem>> -> memref<1x50x64xf32, #tpu.memory_space<vmem>>
      %dma_wait3A_1306 = tpu.memref_squeeze %dma_wait3A_1305 : memref<1x50x64xf32, #tpu.memory_space<vmem>> -> memref<50x64xf32, #tpu.memory_space<vmem>>
      %dma_wait3A_1307 = arith.constant 0 : i32
      %dma_wait3A_1308 = arith.constant 0 : i32
      %dma_wait3A_1309 = tpu.memref_slice %arg4[%add3A_1301, %dma_wait3A_1307, %dma_wait3A_1308] : memref<16384x56x128xf32, #tpu.memory_space<hbm>> -> memref<1x50x64xf32, #tpu.memory_space<hbm>>
      %dma_wait3A_1310 = tpu.memref_squeeze %dma_wait3A_1309 : memref<1x50x64xf32, #tpu.memory_space<hbm>> -> memref<50x64xf32, #tpu.memory_space<hbm>>
      %dma_wait3A_1311 = arith.constant 0 : i32
      %dma_wait3A_1312 = arith.constant 0 : i32
      %dma_wait3A_1313 = tpu.memref_slice %arg4[%add3A_1301, %dma_wait3A_1311, %dma_wait3A_1312] : memref<16384x56x128xf32, #tpu.memory_space<hbm>> -> memref<1x50x64xf32, #tpu.memory_space<hbm>>
      %dma_wait3A_1314 = tpu.memref_squeeze %dma_wait3A_1313 : memref<1x50x64xf32, #tpu.memory_space<hbm>> -> memref<50x64xf32, #tpu.memory_space<hbm>>
      %dma_wait3A_1315 = arith.constant 0 : i32
      %dma_wait3A_1316 = arith.constant 0 : i32
      %dma_wait3A_1317 = tpu.memref_slice %arg6[%dma_wait3A_1302, %dma_wait3A_1315, %dma_wait3A_1316] : memref<16x50x64xf32, #tpu.memory_space<vmem>> -> memref<1x50x64xf32, #tpu.memory_space<vmem>>
      %dma_wait3A_1318 = tpu.memref_squeeze %dma_wait3A_1317 : memref<1x50x64xf32, #tpu.memory_space<vmem>> -> memref<50x64xf32, #tpu.memory_space<vmem>>
      tpu.wait_dma2 semaphore(%arg8 : memref<!tpu.dma_semaphore, #tpu.memory_space<semaphore_mem>>) src(%dma_wait3A_1318 : memref<50x64xf32, #tpu.memory_space<vmem>>) dst(%dma_wait3A_1314 : memref<50x64xf32, #tpu.memory_space<hbm>>)
      %add3A_1319 = arith.constant 8 : i32
      %add3A_1320 = arith.addi %add3A_1267, %add3A_1319 : i32
      %dma_start3A_1321 = arith.constant 4 : i32
      %dma_start3A_1322 = arith.constant 0 : i32
      %dma_start3A_1323 = arith.constant 0 : i32
      %dma_start3A_1324 = tpu.memref_slice %arg6[%dma_start3A_1321, %dma_start3A_1322, %dma_start3A_1323] : memref<16x50x64xf32, #tpu.memory_space<vmem>> -> memref<1x50x64xf32, #tpu.memory_space<vmem>>
      %dma_start3A_1325 = tpu.memref_squeeze %dma_start3A_1324 : memref<1x50x64xf32, #tpu.memory_space<vmem>> -> memref<50x64xf32, #tpu.memory_space<vmem>>
      %dma_start3A_1326 = arith.constant 0 : i32
      %dma_start3A_1327 = tpu.memref_slice %arg5[%add3A_1320, %dma_start3A_1326] : memref<512x50xi32, #tpu.memory_space<vmem>> -> memref<1x50xi32, #tpu.memory_space<vmem>>
      %dma_start3A_1328 = tpu.memref_squeeze %dma_start3A_1327 : memref<1x50xi32, #tpu.memory_space<vmem>> -> memref<50xi32, #tpu.memory_space<vmem>>
      %dma_start3A_1329 = arith.constant 0 : i32
      %dma_start3A_1330 = arith.constant 0 : i32
      %dma_start3A_1331 = tpu.memref_slice %arg2[%dma_start3A_1329, %dma_start3A_1330] : memref<1000000x64xf32, #tpu.memory_space<hbm>> -> memref<1000000x64xf32, #tpu.memory_space<hbm>>
      tpu.enqueue_indirect_dma source(%dma_start3A_1331 : memref<1000000x64xf32, #tpu.memory_space<hbm>>) target(%dma_start3A_1325 : memref<50x64xf32, #tpu.memory_space<vmem>>) offsets(%dma_start3A_1328 : memref<50xi32, #tpu.memory_space<vmem>>) semaphore(%arg7 : memref<!tpu.dma_semaphore, #tpu.memory_space<semaphore_mem>>)
      %add3A_1332 = arith.constant 5 : i32
      %add3A_1333 = arith.addi %add3A_1002, %add3A_1332 : i32
      %dma_wait3A_1334 = arith.constant 13 : i32
      %dma_wait3A_1335 = arith.constant 0 : i32
      %dma_wait3A_1336 = arith.constant 0 : i32
      %dma_wait3A_1337 = tpu.memref_slice %arg6[%dma_wait3A_1334, %dma_wait3A_1335, %dma_wait3A_1336] : memref<16x50x64xf32, #tpu.memory_space<vmem>> -> memref<1x50x64xf32, #tpu.memory_space<vmem>>
      %dma_wait3A_1338 = tpu.memref_squeeze %dma_wait3A_1337 : memref<1x50x64xf32, #tpu.memory_space<vmem>> -> memref<50x64xf32, #tpu.memory_space<vmem>>
      %dma_wait3A_1339 = arith.constant 0 : i32
      %dma_wait3A_1340 = tpu.memref_slice %arg5[%add3A_1333, %dma_wait3A_1339] : memref<512x50xi32, #tpu.memory_space<vmem>> -> memref<1x50xi32, #tpu.memory_space<vmem>>
      %dma_wait3A_1341 = tpu.memref_squeeze %dma_wait3A_1340 : memref<1x50xi32, #tpu.memory_space<vmem>> -> memref<50xi32, #tpu.memory_space<vmem>>
      %dma_wait3A_1342 = arith.constant 0 : i32
      %dma_wait3A_1343 = arith.constant 0 : i32
      %dma_wait3A_1344 = tpu.memref_slice %arg2[%dma_wait3A_1342, %dma_wait3A_1343] : memref<1000000x64xf32, #tpu.memory_space<hbm>> -> memref<1000000x64xf32, #tpu.memory_space<hbm>>
      tpu.wait_indirect_dma semaphore(%arg7 : memref<!tpu.dma_semaphore, #tpu.memory_space<semaphore_mem>>) src(%dma_wait3A_1344 : memref<1000000x64xf32, #tpu.memory_space<hbm>>) dst(%dma_wait3A_1338 : memref<50x64xf32, #tpu.memory_space<vmem>>)
      %add3A_1345 = arith.addi %mul3A_2, %add3A_1333 : i32
      %dma_start3A_1346 = arith.constant 13 : i32
      %dma_start3A_1347 = arith.constant 0 : i32
      %dma_start3A_1348 = arith.constant 0 : i32
      %dma_start3A_1349 = tpu.memref_slice %arg6[%dma_start3A_1346, %dma_start3A_1347, %dma_start3A_1348] : memref<16x50x64xf32, #tpu.memory_space<vmem>> -> memref<1x50x64xf32, #tpu.memory_space<vmem>>
      %dma_start3A_1350 = tpu.memref_squeeze %dma_start3A_1349 : memref<1x50x64xf32, #tpu.memory_space<vmem>> -> memref<50x64xf32, #tpu.memory_space<vmem>>
      %dma_start3A_1351 = arith.constant 0 : i32
      %dma_start3A_1352 = arith.constant 0 : i32
      %dma_start3A_1353 = tpu.memref_slice %arg4[%add3A_1345, %dma_start3A_1351, %dma_start3A_1352] : memref<16384x56x128xf32, #tpu.memory_space<hbm>> -> memref<1x50x64xf32, #tpu.memory_space<hbm>>
      %dma_start3A_1354 = tpu.memref_squeeze %dma_start3A_1353 : memref<1x50x64xf32, #tpu.memory_space<hbm>> -> memref<50x64xf32, #tpu.memory_space<hbm>>
      %dma_start3A_1355 = arith.constant 0 : i32
      %dma_start3A_1356 = arith.constant 0 : i32
      %dma_start3A_1357 = tpu.memref_slice %arg4[%add3A_1345, %dma_start3A_1355, %dma_start3A_1356] : memref<16384x56x128xf32, #tpu.memory_space<hbm>> -> memref<1x50x64xf32, #tpu.memory_space<hbm>>
      %dma_start3A_1358 = tpu.memref_squeeze %dma_start3A_1357 : memref<1x50x64xf32, #tpu.memory_space<hbm>> -> memref<50x64xf32, #tpu.memory_space<hbm>>
      %dma_start3A_1359 = arith.constant 0 : i32
      %dma_start3A_1360 = arith.constant 0 : i32
      %dma_start3A_1361 = tpu.memref_slice %arg6[%dma_start3A_1346, %dma_start3A_1359, %dma_start3A_1360] : memref<16x50x64xf32, #tpu.memory_space<vmem>> -> memref<1x50x64xf32, #tpu.memory_space<vmem>>
      %dma_start3A_1362 = tpu.memref_squeeze %dma_start3A_1361 : memref<1x50x64xf32, #tpu.memory_space<vmem>> -> memref<50x64xf32, #tpu.memory_space<vmem>>
      tpu.enqueue_dma source(%dma_start3A_1362 : memref<50x64xf32, #tpu.memory_space<vmem>>) target(%dma_start3A_1358 : memref<50x64xf32, #tpu.memory_space<hbm>>) target_semaphore(%arg8 : memref<!tpu.dma_semaphore, #tpu.memory_space<semaphore_mem>>)
      %add3A_1363 = arith.constant 8 : i32
      %add3A_1364 = arith.addi %add3A_1333, %add3A_1363 : i32
      %sub3A_1365 = arith.constant 16 : i32
      %sub3A_1366 = arith.subi %add3A_1364, %sub3A_1365 : i32
      %add3A_1367 = arith.addi %mul3A_2, %sub3A_1366 : i32
      %dma_wait3A_1368 = arith.constant 5 : i32
      %dma_wait3A_1369 = arith.constant 0 : i32
      %dma_wait3A_1370 = arith.constant 0 : i32
      %dma_wait3A_1371 = tpu.memref_slice %arg6[%dma_wait3A_1368, %dma_wait3A_1369, %dma_wait3A_1370] : memref<16x50x64xf32, #tpu.memory_space<vmem>> -> memref<1x50x64xf32, #tpu.memory_space<vmem>>
      %dma_wait3A_1372 = tpu.memref_squeeze %dma_wait3A_1371 : memref<1x50x64xf32, #tpu.memory_space<vmem>> -> memref<50x64xf32, #tpu.memory_space<vmem>>
      %dma_wait3A_1373 = arith.constant 0 : i32
      %dma_wait3A_1374 = arith.constant 0 : i32
      %dma_wait3A_1375 = tpu.memref_slice %arg4[%add3A_1367, %dma_wait3A_1373, %dma_wait3A_1374] : memref<16384x56x128xf32, #tpu.memory_space<hbm>> -> memref<1x50x64xf32, #tpu.memory_space<hbm>>
      %dma_wait3A_1376 = tpu.memref_squeeze %dma_wait3A_1375 : memref<1x50x64xf32, #tpu.memory_space<hbm>> -> memref<50x64xf32, #tpu.memory_space<hbm>>
      %dma_wait3A_1377 = arith.constant 0 : i32
      %dma_wait3A_1378 = arith.constant 0 : i32
      %dma_wait3A_1379 = tpu.memref_slice %arg4[%add3A_1367, %dma_wait3A_1377, %dma_wait3A_1378] : memref<16384x56x128xf32, #tpu.memory_space<hbm>> -> memref<1x50x64xf32, #tpu.memory_space<hbm>>
      %dma_wait3A_1380 = tpu.memref_squeeze %dma_wait3A_1379 : memref<1x50x64xf32, #tpu.memory_space<hbm>> -> memref<50x64xf32, #tpu.memory_space<hbm>>
      %dma_wait3A_1381 = arith.constant 0 : i32
      %dma_wait3A_1382 = arith.constant 0 : i32
      %dma_wait3A_1383 = tpu.memref_slice %arg6[%dma_wait3A_1368, %dma_wait3A_1381, %dma_wait3A_1382] : memref<16x50x64xf32, #tpu.memory_space<vmem>> -> memref<1x50x64xf32, #tpu.memory_space<vmem>>
      %dma_wait3A_1384 = tpu.memref_squeeze %dma_wait3A_1383 : memref<1x50x64xf32, #tpu.memory_space<vmem>> -> memref<50x64xf32, #tpu.memory_space<vmem>>
      tpu.wait_dma2 semaphore(%arg8 : memref<!tpu.dma_semaphore, #tpu.memory_space<semaphore_mem>>) src(%dma_wait3A_1384 : memref<50x64xf32, #tpu.memory_space<vmem>>) dst(%dma_wait3A_1380 : memref<50x64xf32, #tpu.memory_space<hbm>>)
      %add3A_1385 = arith.constant 8 : i32
      %add3A_1386 = arith.addi %add3A_1333, %add3A_1385 : i32
      %dma_start3A_1387 = arith.constant 5 : i32
      %dma_start3A_1388 = arith.constant 0 : i32
      %dma_start3A_1389 = arith.constant 0 : i32
      %dma_start3A_1390 = tpu.memref_slice %arg6[%dma_start3A_1387, %dma_start3A_1388, %dma_start3A_1389] : memref<16x50x64xf32, #tpu.memory_space<vmem>> -> memref<1x50x64xf32, #tpu.memory_space<vmem>>
      %dma_start3A_1391 = tpu.memref_squeeze %dma_start3A_1390 : memref<1x50x64xf32, #tpu.memory_space<vmem>> -> memref<50x64xf32, #tpu.memory_space<vmem>>
      %dma_start3A_1392 = arith.constant 0 : i32
      %dma_start3A_1393 = tpu.memref_slice %arg5[%add3A_1386, %dma_start3A_1392] : memref<512x50xi32, #tpu.memory_space<vmem>> -> memref<1x50xi32, #tpu.memory_space<vmem>>
      %dma_start3A_1394 = tpu.memref_squeeze %dma_start3A_1393 : memref<1x50xi32, #tpu.memory_space<vmem>> -> memref<50xi32, #tpu.memory_space<vmem>>
      %dma_start3A_1395 = arith.constant 0 : i32
      %dma_start3A_1396 = arith.constant 0 : i32
      %dma_start3A_1397 = tpu.memref_slice %arg2[%dma_start3A_1395, %dma_start3A_1396] : memref<1000000x64xf32, #tpu.memory_space<hbm>> -> memref<1000000x64xf32, #tpu.memory_space<hbm>>
      tpu.enqueue_indirect_dma source(%dma_start3A_1397 : memref<1000000x64xf32, #tpu.memory_space<hbm>>) target(%dma_start3A_1391 : memref<50x64xf32, #tpu.memory_space<vmem>>) offsets(%dma_start3A_1394 : memref<50xi32, #tpu.memory_space<vmem>>) semaphore(%arg7 : memref<!tpu.dma_semaphore, #tpu.memory_space<semaphore_mem>>)
      %add3A_1398 = arith.constant 6 : i32
      %add3A_1399 = arith.addi %add3A_1002, %add3A_1398 : i32
      %dma_wait3A_1400 = arith.constant 14 : i32
      %dma_wait3A_1401 = arith.constant 0 : i32
      %dma_wait3A_1402 = arith.constant 0 : i32
      %dma_wait3A_1403 = tpu.memref_slice %arg6[%dma_wait3A_1400, %dma_wait3A_1401, %dma_wait3A_1402] : memref<16x50x64xf32, #tpu.memory_space<vmem>> -> memref<1x50x64xf32, #tpu.memory_space<vmem>>
      %dma_wait3A_1404 = tpu.memref_squeeze %dma_wait3A_1403 : memref<1x50x64xf32, #tpu.memory_space<vmem>> -> memref<50x64xf32, #tpu.memory_space<vmem>>
      %dma_wait3A_1405 = arith.constant 0 : i32
      %dma_wait3A_1406 = tpu.memref_slice %arg5[%add3A_1399, %dma_wait3A_1405] : memref<512x50xi32, #tpu.memory_space<vmem>> -> memref<1x50xi32, #tpu.memory_space<vmem>>
      %dma_wait3A_1407 = tpu.memref_squeeze %dma_wait3A_1406 : memref<1x50xi32, #tpu.memory_space<vmem>> -> memref<50xi32, #tpu.memory_space<vmem>>
      %dma_wait3A_1408 = arith.constant 0 : i32
      %dma_wait3A_1409 = arith.constant 0 : i32
      %dma_wait3A_1410 = tpu.memref_slice %arg2[%dma_wait3A_1408, %dma_wait3A_1409] : memref<1000000x64xf32, #tpu.memory_space<hbm>> -> memref<1000000x64xf32, #tpu.memory_space<hbm>>
      tpu.wait_indirect_dma semaphore(%arg7 : memref<!tpu.dma_semaphore, #tpu.memory_space<semaphore_mem>>) src(%dma_wait3A_1410 : memref<1000000x64xf32, #tpu.memory_space<hbm>>) dst(%dma_wait3A_1404 : memref<50x64xf32, #tpu.memory_space<vmem>>)
      %add3A_1411 = arith.addi %mul3A_2, %add3A_1399 : i32
      %dma_start3A_1412 = arith.constant 14 : i32
      %dma_start3A_1413 = arith.constant 0 : i32
      %dma_start3A_1414 = arith.constant 0 : i32
      %dma_start3A_1415 = tpu.memref_slice %arg6[%dma_start3A_1412, %dma_start3A_1413, %dma_start3A_1414] : memref<16x50x64xf32, #tpu.memory_space<vmem>> -> memref<1x50x64xf32, #tpu.memory_space<vmem>>
      %dma_start3A_1416 = tpu.memref_squeeze %dma_start3A_1415 : memref<1x50x64xf32, #tpu.memory_space<vmem>> -> memref<50x64xf32, #tpu.memory_space<vmem>>
      %dma_start3A_1417 = arith.constant 0 : i32
      %dma_start3A_1418 = arith.constant 0 : i32
      %dma_start3A_1419 = tpu.memref_slice %arg4[%add3A_1411, %dma_start3A_1417, %dma_start3A_1418] : memref<16384x56x128xf32, #tpu.memory_space<hbm>> -> memref<1x50x64xf32, #tpu.memory_space<hbm>>
      %dma_start3A_1420 = tpu.memref_squeeze %dma_start3A_1419 : memref<1x50x64xf32, #tpu.memory_space<hbm>> -> memref<50x64xf32, #tpu.memory_space<hbm>>
      %dma_start3A_1421 = arith.constant 0 : i32
      %dma_start3A_1422 = arith.constant 0 : i32
      %dma_start3A_1423 = tpu.memref_slice %arg4[%add3A_1411, %dma_start3A_1421, %dma_start3A_1422] : memref<16384x56x128xf32, #tpu.memory_space<hbm>> -> memref<1x50x64xf32, #tpu.memory_space<hbm>>
      %dma_start3A_1424 = tpu.memref_squeeze %dma_start3A_1423 : memref<1x50x64xf32, #tpu.memory_space<hbm>> -> memref<50x64xf32, #tpu.memory_space<hbm>>
      %dma_start3A_1425 = arith.constant 0 : i32
      %dma_start3A_1426 = arith.constant 0 : i32
      %dma_start3A_1427 = tpu.memref_slice %arg6[%dma_start3A_1412, %dma_start3A_1425, %dma_start3A_1426] : memref<16x50x64xf32, #tpu.memory_space<vmem>> -> memref<1x50x64xf32, #tpu.memory_space<vmem>>
      %dma_start3A_1428 = tpu.memref_squeeze %dma_start3A_1427 : memref<1x50x64xf32, #tpu.memory_space<vmem>> -> memref<50x64xf32, #tpu.memory_space<vmem>>
      tpu.enqueue_dma source(%dma_start3A_1428 : memref<50x64xf32, #tpu.memory_space<vmem>>) target(%dma_start3A_1424 : memref<50x64xf32, #tpu.memory_space<hbm>>) target_semaphore(%arg8 : memref<!tpu.dma_semaphore, #tpu.memory_space<semaphore_mem>>)
      %add3A_1429 = arith.constant 8 : i32
      %add3A_1430 = arith.addi %add3A_1399, %add3A_1429 : i32
      %sub3A_1431 = arith.constant 16 : i32
      %sub3A_1432 = arith.subi %add3A_1430, %sub3A_1431 : i32
      %add3A_1433 = arith.addi %mul3A_2, %sub3A_1432 : i32
      %dma_wait3A_1434 = arith.constant 6 : i32
      %dma_wait3A_1435 = arith.constant 0 : i32
      %dma_wait3A_1436 = arith.constant 0 : i32
      %dma_wait3A_1437 = tpu.memref_slice %arg6[%dma_wait3A_1434, %dma_wait3A_1435, %dma_wait3A_1436] : memref<16x50x64xf32, #tpu.memory_space<vmem>> -> memref<1x50x64xf32, #tpu.memory_space<vmem>>
      %dma_wait3A_1438 = tpu.memref_squeeze %dma_wait3A_1437 : memref<1x50x64xf32, #tpu.memory_space<vmem>> -> memref<50x64xf32, #tpu.memory_space<vmem>>
      %dma_wait3A_1439 = arith.constant 0 : i32
      %dma_wait3A_1440 = arith.constant 0 : i32
      %dma_wait3A_1441 = tpu.memref_slice %arg4[%add3A_1433, %dma_wait3A_1439, %dma_wait3A_1440] : memref<16384x56x128xf32, #tpu.memory_space<hbm>> -> memref<1x50x64xf32, #tpu.memory_space<hbm>>
      %dma_wait3A_1442 = tpu.memref_squeeze %dma_wait3A_1441 : memref<1x50x64xf32, #tpu.memory_space<hbm>> -> memref<50x64xf32, #tpu.memory_space<hbm>>
      %dma_wait3A_1443 = arith.constant 0 : i32
      %dma_wait3A_1444 = arith.constant 0 : i32
      %dma_wait3A_1445 = tpu.memref_slice %arg4[%add3A_1433, %dma_wait3A_1443, %dma_wait3A_1444] : memref<16384x56x128xf32, #tpu.memory_space<hbm>> -> memref<1x50x64xf32, #tpu.memory_space<hbm>>
      %dma_wait3A_1446 = tpu.memref_squeeze %dma_wait3A_1445 : memref<1x50x64xf32, #tpu.memory_space<hbm>> -> memref<50x64xf32, #tpu.memory_space<hbm>>
      %dma_wait3A_1447 = arith.constant 0 : i32
      %dma_wait3A_1448 = arith.constant 0 : i32
      %dma_wait3A_1449 = tpu.memref_slice %arg6[%dma_wait3A_1434, %dma_wait3A_1447, %dma_wait3A_1448] : memref<16x50x64xf32, #tpu.memory_space<vmem>> -> memref<1x50x64xf32, #tpu.memory_space<vmem>>
      %dma_wait3A_1450 = tpu.memref_squeeze %dma_wait3A_1449 : memref<1x50x64xf32, #tpu.memory_space<vmem>> -> memref<50x64xf32, #tpu.memory_space<vmem>>
      tpu.wait_dma2 semaphore(%arg8 : memref<!tpu.dma_semaphore, #tpu.memory_space<semaphore_mem>>) src(%dma_wait3A_1450 : memref<50x64xf32, #tpu.memory_space<vmem>>) dst(%dma_wait3A_1446 : memref<50x64xf32, #tpu.memory_space<hbm>>)
      %add3A_1451 = arith.constant 8 : i32
      %add3A_1452 = arith.addi %add3A_1399, %add3A_1451 : i32
      %dma_start3A_1453 = arith.constant 6 : i32
      %dma_start3A_1454 = arith.constant 0 : i32
      %dma_start3A_1455 = arith.constant 0 : i32
      %dma_start3A_1456 = tpu.memref_slice %arg6[%dma_start3A_1453, %dma_start3A_1454, %dma_start3A_1455] : memref<16x50x64xf32, #tpu.memory_space<vmem>> -> memref<1x50x64xf32, #tpu.memory_space<vmem>>
      %dma_start3A_1457 = tpu.memref_squeeze %dma_start3A_1456 : memref<1x50x64xf32, #tpu.memory_space<vmem>> -> memref<50x64xf32, #tpu.memory_space<vmem>>
      %dma_start3A_1458 = arith.constant 0 : i32
      %dma_start3A_1459 = tpu.memref_slice %arg5[%add3A_1452, %dma_start3A_1458] : memref<512x50xi32, #tpu.memory_space<vmem>> -> memref<1x50xi32, #tpu.memory_space<vmem>>
      %dma_start3A_1460 = tpu.memref_squeeze %dma_start3A_1459 : memref<1x50xi32, #tpu.memory_space<vmem>> -> memref<50xi32, #tpu.memory_space<vmem>>
      %dma_start3A_1461 = arith.constant 0 : i32
      %dma_start3A_1462 = arith.constant 0 : i32
      %dma_start3A_1463 = tpu.memref_slice %arg2[%dma_start3A_1461, %dma_start3A_1462] : memref<1000000x64xf32, #tpu.memory_space<hbm>> -> memref<1000000x64xf32, #tpu.memory_space<hbm>>
      tpu.enqueue_indirect_dma source(%dma_start3A_1463 : memref<1000000x64xf32, #tpu.memory_space<hbm>>) target(%dma_start3A_1457 : memref<50x64xf32, #tpu.memory_space<vmem>>) offsets(%dma_start3A_1460 : memref<50xi32, #tpu.memory_space<vmem>>) semaphore(%arg7 : memref<!tpu.dma_semaphore, #tpu.memory_space<semaphore_mem>>)
      %add3A_1464 = arith.constant 7 : i32
      %add3A_1465 = arith.addi %add3A_1002, %add3A_1464 : i32
      %dma_wait3A_1466 = arith.constant 15 : i32
      %dma_wait3A_1467 = arith.constant 0 : i32
      %dma_wait3A_1468 = arith.constant 0 : i32
      %dma_wait3A_1469 = tpu.memref_slice %arg6[%dma_wait3A_1466, %dma_wait3A_1467, %dma_wait3A_1468] : memref<16x50x64xf32, #tpu.memory_space<vmem>> -> memref<1x50x64xf32, #tpu.memory_space<vmem>>
      %dma_wait3A_1470 = tpu.memref_squeeze %dma_wait3A_1469 : memref<1x50x64xf32, #tpu.memory_space<vmem>> -> memref<50x64xf32, #tpu.memory_space<vmem>>
      %dma_wait3A_1471 = arith.constant 0 : i32
      %dma_wait3A_1472 = tpu.memref_slice %arg5[%add3A_1465, %dma_wait3A_1471] : memref<512x50xi32, #tpu.memory_space<vmem>> -> memref<1x50xi32, #tpu.memory_space<vmem>>
      %dma_wait3A_1473 = tpu.memref_squeeze %dma_wait3A_1472 : memref<1x50xi32, #tpu.memory_space<vmem>> -> memref<50xi32, #tpu.memory_space<vmem>>
      %dma_wait3A_1474 = arith.constant 0 : i32
      %dma_wait3A_1475 = arith.constant 0 : i32
      %dma_wait3A_1476 = tpu.memref_slice %arg2[%dma_wait3A_1474, %dma_wait3A_1475] : memref<1000000x64xf32, #tpu.memory_space<hbm>> -> memref<1000000x64xf32, #tpu.memory_space<hbm>>
      tpu.wait_indirect_dma semaphore(%arg7 : memref<!tpu.dma_semaphore, #tpu.memory_space<semaphore_mem>>) src(%dma_wait3A_1476 : memref<1000000x64xf32, #tpu.memory_space<hbm>>) dst(%dma_wait3A_1470 : memref<50x64xf32, #tpu.memory_space<vmem>>)
      %add3A_1477 = arith.addi %mul3A_2, %add3A_1465 : i32
      %dma_start3A_1478 = arith.constant 15 : i32
      %dma_start3A_1479 = arith.constant 0 : i32
      %dma_start3A_1480 = arith.constant 0 : i32
      %dma_start3A_1481 = tpu.memref_slice %arg6[%dma_start3A_1478, %dma_start3A_1479, %dma_start3A_1480] : memref<16x50x64xf32, #tpu.memory_space<vmem>> -> memref<1x50x64xf32, #tpu.memory_space<vmem>>
      %dma_start3A_1482 = tpu.memref_squeeze %dma_start3A_1481 : memref<1x50x64xf32, #tpu.memory_space<vmem>> -> memref<50x64xf32, #tpu.memory_space<vmem>>
      %dma_start3A_1483 = arith.constant 0 : i32
      %dma_start3A_1484 = arith.constant 0 : i32
      %dma_start3A_1485 = tpu.memref_slice %arg4[%add3A_1477, %dma_start3A_1483, %dma_start3A_1484] : memref<16384x56x128xf32, #tpu.memory_space<hbm>> -> memref<1x50x64xf32, #tpu.memory_space<hbm>>
      %dma_start3A_1486 = tpu.memref_squeeze %dma_start3A_1485 : memref<1x50x64xf32, #tpu.memory_space<hbm>> -> memref<50x64xf32, #tpu.memory_space<hbm>>
      %dma_start3A_1487 = arith.constant 0 : i32
      %dma_start3A_1488 = arith.constant 0 : i32
      %dma_start3A_1489 = tpu.memref_slice %arg4[%add3A_1477, %dma_start3A_1487, %dma_start3A_1488] : memref<16384x56x128xf32, #tpu.memory_space<hbm>> -> memref<1x50x64xf32, #tpu.memory_space<hbm>>
      %dma_start3A_1490 = tpu.memref_squeeze %dma_start3A_1489 : memref<1x50x64xf32, #tpu.memory_space<hbm>> -> memref<50x64xf32, #tpu.memory_space<hbm>>
      %dma_start3A_1491 = arith.constant 0 : i32
      %dma_start3A_1492 = arith.constant 0 : i32
      %dma_start3A_1493 = tpu.memref_slice %arg6[%dma_start3A_1478, %dma_start3A_1491, %dma_start3A_1492] : memref<16x50x64xf32, #tpu.memory_space<vmem>> -> memref<1x50x64xf32, #tpu.memory_space<vmem>>
      %dma_start3A_1494 = tpu.memref_squeeze %dma_start3A_1493 : memref<1x50x64xf32, #tpu.memory_space<vmem>> -> memref<50x64xf32, #tpu.memory_space<vmem>>
      tpu.enqueue_dma source(%dma_start3A_1494 : memref<50x64xf32, #tpu.memory_space<vmem>>) target(%dma_start3A_1490 : memref<50x64xf32, #tpu.memory_space<hbm>>) target_semaphore(%arg8 : memref<!tpu.dma_semaphore, #tpu.memory_space<semaphore_mem>>)
      %add3A_1495 = arith.constant 8 : i32
      %add3A_1496 = arith.addi %add3A_1465, %add3A_1495 : i32
      %sub3A_1497 = arith.constant 16 : i32
      %sub3A_1498 = arith.subi %add3A_1496, %sub3A_1497 : i32
      %add3A_1499 = arith.addi %mul3A_2, %sub3A_1498 : i32
      %dma_wait3A_1500 = arith.constant 7 : i32
      %dma_wait3A_1501 = arith.constant 0 : i32
      %dma_wait3A_1502 = arith.constant 0 : i32
      %dma_wait3A_1503 = tpu.memref_slice %arg6[%dma_wait3A_1500, %dma_wait3A_1501, %dma_wait3A_1502] : memref<16x50x64xf32, #tpu.memory_space<vmem>> -> memref<1x50x64xf32, #tpu.memory_space<vmem>>
      %dma_wait3A_1504 = tpu.memref_squeeze %dma_wait3A_1503 : memref<1x50x64xf32, #tpu.memory_space<vmem>> -> memref<50x64xf32, #tpu.memory_space<vmem>>
      %dma_wait3A_1505 = arith.constant 0 : i32
      %dma_wait3A_1506 = arith.constant 0 : i32
      %dma_wait3A_1507 = tpu.memref_slice %arg4[%add3A_1499, %dma_wait3A_1505, %dma_wait3A_1506] : memref<16384x56x128xf32, #tpu.memory_space<hbm>> -> memref<1x50x64xf32, #tpu.memory_space<hbm>>
      %dma_wait3A_1508 = tpu.memref_squeeze %dma_wait3A_1507 : memref<1x50x64xf32, #tpu.memory_space<hbm>> -> memref<50x64xf32, #tpu.memory_space<hbm>>
      %dma_wait3A_1509 = arith.constant 0 : i32
      %dma_wait3A_1510 = arith.constant 0 : i32
      %dma_wait3A_1511 = tpu.memref_slice %arg4[%add3A_1499, %dma_wait3A_1509, %dma_wait3A_1510] : memref<16384x56x128xf32, #tpu.memory_space<hbm>> -> memref<1x50x64xf32, #tpu.memory_space<hbm>>
      %dma_wait3A_1512 = tpu.memref_squeeze %dma_wait3A_1511 : memref<1x50x64xf32, #tpu.memory_space<hbm>> -> memref<50x64xf32, #tpu.memory_space<hbm>>
      %dma_wait3A_1513 = arith.constant 0 : i32
      %dma_wait3A_1514 = arith.constant 0 : i32
      %dma_wait3A_1515 = tpu.memref_slice %arg6[%dma_wait3A_1500, %dma_wait3A_1513, %dma_wait3A_1514] : memref<16x50x64xf32, #tpu.memory_space<vmem>> -> memref<1x50x64xf32, #tpu.memory_space<vmem>>
      %dma_wait3A_1516 = tpu.memref_squeeze %dma_wait3A_1515 : memref<1x50x64xf32, #tpu.memory_space<vmem>> -> memref<50x64xf32, #tpu.memory_space<vmem>>
      tpu.wait_dma2 semaphore(%arg8 : memref<!tpu.dma_semaphore, #tpu.memory_space<semaphore_mem>>) src(%dma_wait3A_1516 : memref<50x64xf32, #tpu.memory_space<vmem>>) dst(%dma_wait3A_1512 : memref<50x64xf32, #tpu.memory_space<hbm>>)
      %add3A_1517 = arith.constant 8 : i32
      %add3A_1518 = arith.addi %add3A_1465, %add3A_1517 : i32
      %dma_start3A_1519 = arith.constant 7 : i32
      %dma_start3A_1520 = arith.constant 0 : i32
      %dma_start3A_1521 = arith.constant 0 : i32
      %dma_start3A_1522 = tpu.memref_slice %arg6[%dma_start3A_1519, %dma_start3A_1520, %dma_start3A_1521] : memref<16x50x64xf32, #tpu.memory_space<vmem>> -> memref<1x50x64xf32, #tpu.memory_space<vmem>>
      %dma_start3A_1523 = tpu.memref_squeeze %dma_start3A_1522 : memref<1x50x64xf32, #tpu.memory_space<vmem>> -> memref<50x64xf32, #tpu.memory_space<vmem>>
      %dma_start3A_1524 = arith.constant 0 : i32
      %dma_start3A_1525 = tpu.memref_slice %arg5[%add3A_1518, %dma_start3A_1524] : memref<512x50xi32, #tpu.memory_space<vmem>> -> memref<1x50xi32, #tpu.memory_space<vmem>>
      %dma_start3A_1526 = tpu.memref_squeeze %dma_start3A_1525 : memref<1x50xi32, #tpu.memory_space<vmem>> -> memref<50xi32, #tpu.memory_space<vmem>>
      %dma_start3A_1527 = arith.constant 0 : i32
      %dma_start3A_1528 = arith.constant 0 : i32
      %dma_start3A_1529 = tpu.memref_slice %arg2[%dma_start3A_1527, %dma_start3A_1528] : memref<1000000x64xf32, #tpu.memory_space<hbm>> -> memref<1000000x64xf32, #tpu.memory_space<hbm>>
      tpu.enqueue_indirect_dma source(%dma_start3A_1529 : memref<1000000x64xf32, #tpu.memory_space<hbm>>) target(%dma_start3A_1523 : memref<50x64xf32, #tpu.memory_space<vmem>>) offsets(%dma_start3A_1526 : memref<50xi32, #tpu.memory_space<vmem>>) semaphore(%arg7 : memref<!tpu.dma_semaphore, #tpu.memory_space<semaphore_mem>>)
      %add3A_1530 = arith.constant 8 : i32
      %add3A_1531 = arith.addi %add3A_1002, %add3A_1530 : i32
      %dma_wait3A_1532 = arith.constant 0 : i32
      %dma_wait3A_1533 = arith.constant 0 : i32
      %dma_wait3A_1534 = arith.constant 0 : i32
      %dma_wait3A_1535 = tpu.memref_slice %arg6[%dma_wait3A_1532, %dma_wait3A_1533, %dma_wait3A_1534] : memref<16x50x64xf32, #tpu.memory_space<vmem>> -> memref<1x50x64xf32, #tpu.memory_space<vmem>>
      %dma_wait3A_1536 = tpu.memref_squeeze %dma_wait3A_1535 : memref<1x50x64xf32, #tpu.memory_space<vmem>> -> memref<50x64xf32, #tpu.memory_space<vmem>>
      %dma_wait3A_1537 = arith.constant 0 : i32
      %dma_wait3A_1538 = tpu.memref_slice %arg5[%add3A_1531, %dma_wait3A_1537] : memref<512x50xi32, #tpu.memory_space<vmem>> -> memref<1x50xi32, #tpu.memory_space<vmem>>
      %dma_wait3A_1539 = tpu.memref_squeeze %dma_wait3A_1538 : memref<1x50xi32, #tpu.memory_space<vmem>> -> memref<50xi32, #tpu.memory_space<vmem>>
      %dma_wait3A_1540 = arith.constant 0 : i32
      %dma_wait3A_1541 = arith.constant 0 : i32
      %dma_wait3A_1542 = tpu.memref_slice %arg2[%dma_wait3A_1540, %dma_wait3A_1541] : memref<1000000x64xf32, #tpu.memory_space<hbm>> -> memref<1000000x64xf32, #tpu.memory_space<hbm>>
      tpu.wait_indirect_dma semaphore(%arg7 : memref<!tpu.dma_semaphore, #tpu.memory_space<semaphore_mem>>) src(%dma_wait3A_1542 : memref<1000000x64xf32, #tpu.memory_space<hbm>>) dst(%dma_wait3A_1536 : memref<50x64xf32, #tpu.memory_space<vmem>>)
      %add3A_1543 = arith.addi %mul3A_2, %add3A_1531 : i32
      %dma_start3A_1544 = arith.constant 0 : i32
      %dma_start3A_1545 = arith.constant 0 : i32
      %dma_start3A_1546 = arith.constant 0 : i32
      %dma_start3A_1547 = tpu.memref_slice %arg6[%dma_start3A_1544, %dma_start3A_1545, %dma_start3A_1546] : memref<16x50x64xf32, #tpu.memory_space<vmem>> -> memref<1x50x64xf32, #tpu.memory_space<vmem>>
      %dma_start3A_1548 = tpu.memref_squeeze %dma_start3A_1547 : memref<1x50x64xf32, #tpu.memory_space<vmem>> -> memref<50x64xf32, #tpu.memory_space<vmem>>
      %dma_start3A_1549 = arith.constant 0 : i32
      %dma_start3A_1550 = arith.constant 0 : i32
      %dma_start3A_1551 = tpu.memref_slice %arg4[%add3A_1543, %dma_start3A_1549, %dma_start3A_1550] : memref<16384x56x128xf32, #tpu.memory_space<hbm>> -> memref<1x50x64xf32, #tpu.memory_space<hbm>>
      %dma_start3A_1552 = tpu.memref_squeeze %dma_start3A_1551 : memref<1x50x64xf32, #tpu.memory_space<hbm>> -> memref<50x64xf32, #tpu.memory_space<hbm>>
      %dma_start3A_1553 = arith.constant 0 : i32
      %dma_start3A_1554 = arith.constant 0 : i32
      %dma_start3A_1555 = tpu.memref_slice %arg4[%add3A_1543, %dma_start3A_1553, %dma_start3A_1554] : memref<16384x56x128xf32, #tpu.memory_space<hbm>> -> memref<1x50x64xf32, #tpu.memory_space<hbm>>
      %dma_start3A_1556 = tpu.memref_squeeze %dma_start3A_1555 : memref<1x50x64xf32, #tpu.memory_space<hbm>> -> memref<50x64xf32, #tpu.memory_space<hbm>>
      %dma_start3A_1557 = arith.constant 0 : i32
      %dma_start3A_1558 = arith.constant 0 : i32
      %dma_start3A_1559 = tpu.memref_slice %arg6[%dma_start3A_1544, %dma_start3A_1557, %dma_start3A_1558] : memref<16x50x64xf32, #tpu.memory_space<vmem>> -> memref<1x50x64xf32, #tpu.memory_space<vmem>>
      %dma_start3A_1560 = tpu.memref_squeeze %dma_start3A_1559 : memref<1x50x64xf32, #tpu.memory_space<vmem>> -> memref<50x64xf32, #tpu.memory_space<vmem>>
      tpu.enqueue_dma source(%dma_start3A_1560 : memref<50x64xf32, #tpu.memory_space<vmem>>) target(%dma_start3A_1556 : memref<50x64xf32, #tpu.memory_space<hbm>>) target_semaphore(%arg8 : memref<!tpu.dma_semaphore, #tpu.memory_space<semaphore_mem>>)
      %add3A_1561 = arith.constant 8 : i32
      %add3A_1562 = arith.addi %add3A_1531, %add3A_1561 : i32
      %sub3A_1563 = arith.constant 16 : i32
      %sub3A_1564 = arith.subi %add3A_1562, %sub3A_1563 : i32
      %add3A_1565 = arith.addi %mul3A_2, %sub3A_1564 : i32
      %dma_wait3A_1566 = arith.constant 8 : i32
      %dma_wait3A_1567 = arith.constant 0 : i32
      %dma_wait3A_1568 = arith.constant 0 : i32
      %dma_wait3A_1569 = tpu.memref_slice %arg6[%dma_wait3A_1566, %dma_wait3A_1567, %dma_wait3A_1568] : memref<16x50x64xf32, #tpu.memory_space<vmem>> -> memref<1x50x64xf32, #tpu.memory_space<vmem>>
      %dma_wait3A_1570 = tpu.memref_squeeze %dma_wait3A_1569 : memref<1x50x64xf32, #tpu.memory_space<vmem>> -> memref<50x64xf32, #tpu.memory_space<vmem>>
      %dma_wait3A_1571 = arith.constant 0 : i32
      %dma_wait3A_1572 = arith.constant 0 : i32
      %dma_wait3A_1573 = tpu.memref_slice %arg4[%add3A_1565, %dma_wait3A_1571, %dma_wait3A_1572] : memref<16384x56x128xf32, #tpu.memory_space<hbm>> -> memref<1x50x64xf32, #tpu.memory_space<hbm>>
      %dma_wait3A_1574 = tpu.memref_squeeze %dma_wait3A_1573 : memref<1x50x64xf32, #tpu.memory_space<hbm>> -> memref<50x64xf32, #tpu.memory_space<hbm>>
      %dma_wait3A_1575 = arith.constant 0 : i32
      %dma_wait3A_1576 = arith.constant 0 : i32
      %dma_wait3A_1577 = tpu.memref_slice %arg4[%add3A_1565, %dma_wait3A_1575, %dma_wait3A_1576] : memref<16384x56x128xf32, #tpu.memory_space<hbm>> -> memref<1x50x64xf32, #tpu.memory_space<hbm>>
      %dma_wait3A_1578 = tpu.memref_squeeze %dma_wait3A_1577 : memref<1x50x64xf32, #tpu.memory_space<hbm>> -> memref<50x64xf32, #tpu.memory_space<hbm>>
      %dma_wait3A_1579 = arith.constant 0 : i32
      %dma_wait3A_1580 = arith.constant 0 : i32
      %dma_wait3A_1581 = tpu.memref_slice %arg6[%dma_wait3A_1566, %dma_wait3A_1579, %dma_wait3A_1580] : memref<16x50x64xf32, #tpu.memory_space<vmem>> -> memref<1x50x64xf32, #tpu.memory_space<vmem>>
      %dma_wait3A_1582 = tpu.memref_squeeze %dma_wait3A_1581 : memref<1x50x64xf32, #tpu.memory_space<vmem>> -> memref<50x64xf32, #tpu.memory_space<vmem>>
      tpu.wait_dma2 semaphore(%arg8 : memref<!tpu.dma_semaphore, #tpu.memory_space<semaphore_mem>>) src(%dma_wait3A_1582 : memref<50x64xf32, #tpu.memory_space<vmem>>) dst(%dma_wait3A_1578 : memref<50x64xf32, #tpu.memory_space<hbm>>)
      %add3A_1583 = arith.constant 8 : i32
      %add3A_1584 = arith.addi %add3A_1531, %add3A_1583 : i32
      %dma_start3A_1585 = arith.constant 8 : i32
      %dma_start3A_1586 = arith.constant 0 : i32
      %dma_start3A_1587 = arith.constant 0 : i32
      %dma_start3A_1588 = tpu.memref_slice %arg6[%dma_start3A_1585, %dma_start3A_1586, %dma_start3A_1587] : memref<16x50x64xf32, #tpu.memory_space<vmem>> -> memref<1x50x64xf32, #tpu.memory_space<vmem>>
      %dma_start3A_1589 = tpu.memref_squeeze %dma_start3A_1588 : memref<1x50x64xf32, #tpu.memory_space<vmem>> -> memref<50x64xf32, #tpu.memory_space<vmem>>
      %dma_start3A_1590 = arith.constant 0 : i32
      %dma_start3A_1591 = tpu.memref_slice %arg5[%add3A_1584, %dma_start3A_1590] : memref<512x50xi32, #tpu.memory_space<vmem>> -> memref<1x50xi32, #tpu.memory_space<vmem>>
      %dma_start3A_1592 = tpu.memref_squeeze %dma_start3A_1591 : memref<1x50xi32, #tpu.memory_space<vmem>> -> memref<50xi32, #tpu.memory_space<vmem>>
      %dma_start3A_1593 = arith.constant 0 : i32
      %dma_start3A_1594 = arith.constant 0 : i32
      %dma_start3A_1595 = tpu.memref_slice %arg2[%dma_start3A_1593, %dma_start3A_1594] : memref<1000000x64xf32, #tpu.memory_space<hbm>> -> memref<1000000x64xf32, #tpu.memory_space<hbm>>
      tpu.enqueue_indirect_dma source(%dma_start3A_1595 : memref<1000000x64xf32, #tpu.memory_space<hbm>>) target(%dma_start3A_1589 : memref<50x64xf32, #tpu.memory_space<vmem>>) offsets(%dma_start3A_1592 : memref<50xi32, #tpu.memory_space<vmem>>) semaphore(%arg7 : memref<!tpu.dma_semaphore, #tpu.memory_space<semaphore_mem>>)
      %add3A_1596 = arith.constant 9 : i32
      %add3A_1597 = arith.addi %add3A_1002, %add3A_1596 : i32
      %dma_wait3A_1598 = arith.constant 1 : i32
      %dma_wait3A_1599 = arith.constant 0 : i32
      %dma_wait3A_1600 = arith.constant 0 : i32
      %dma_wait3A_1601 = tpu.memref_slice %arg6[%dma_wait3A_1598, %dma_wait3A_1599, %dma_wait3A_1600] : memref<16x50x64xf32, #tpu.memory_space<vmem>> -> memref<1x50x64xf32, #tpu.memory_space<vmem>>
      %dma_wait3A_1602 = tpu.memref_squeeze %dma_wait3A_1601 : memref<1x50x64xf32, #tpu.memory_space<vmem>> -> memref<50x64xf32, #tpu.memory_space<vmem>>
      %dma_wait3A_1603 = arith.constant 0 : i32
      %dma_wait3A_1604 = tpu.memref_slice %arg5[%add3A_1597, %dma_wait3A_1603] : memref<512x50xi32, #tpu.memory_space<vmem>> -> memref<1x50xi32, #tpu.memory_space<vmem>>
      %dma_wait3A_1605 = tpu.memref_squeeze %dma_wait3A_1604 : memref<1x50xi32, #tpu.memory_space<vmem>> -> memref<50xi32, #tpu.memory_space<vmem>>
      %dma_wait3A_1606 = arith.constant 0 : i32
      %dma_wait3A_1607 = arith.constant 0 : i32
      %dma_wait3A_1608 = tpu.memref_slice %arg2[%dma_wait3A_1606, %dma_wait3A_1607] : memref<1000000x64xf32, #tpu.memory_space<hbm>> -> memref<1000000x64xf32, #tpu.memory_space<hbm>>
      tpu.wait_indirect_dma semaphore(%arg7 : memref<!tpu.dma_semaphore, #tpu.memory_space<semaphore_mem>>) src(%dma_wait3A_1608 : memref<1000000x64xf32, #tpu.memory_space<hbm>>) dst(%dma_wait3A_1602 : memref<50x64xf32, #tpu.memory_space<vmem>>)
      %add3A_1609 = arith.addi %mul3A_2, %add3A_1597 : i32
      %dma_start3A_1610 = arith.constant 1 : i32
      %dma_start3A_1611 = arith.constant 0 : i32
      %dma_start3A_1612 = arith.constant 0 : i32
      %dma_start3A_1613 = tpu.memref_slice %arg6[%dma_start3A_1610, %dma_start3A_1611, %dma_start3A_1612] : memref<16x50x64xf32, #tpu.memory_space<vmem>> -> memref<1x50x64xf32, #tpu.memory_space<vmem>>
      %dma_start3A_1614 = tpu.memref_squeeze %dma_start3A_1613 : memref<1x50x64xf32, #tpu.memory_space<vmem>> -> memref<50x64xf32, #tpu.memory_space<vmem>>
      %dma_start3A_1615 = arith.constant 0 : i32
      %dma_start3A_1616 = arith.constant 0 : i32
      %dma_start3A_1617 = tpu.memref_slice %arg4[%add3A_1609, %dma_start3A_1615, %dma_start3A_1616] : memref<16384x56x128xf32, #tpu.memory_space<hbm>> -> memref<1x50x64xf32, #tpu.memory_space<hbm>>
      %dma_start3A_1618 = tpu.memref_squeeze %dma_start3A_1617 : memref<1x50x64xf32, #tpu.memory_space<hbm>> -> memref<50x64xf32, #tpu.memory_space<hbm>>
      %dma_start3A_1619 = arith.constant 0 : i32
      %dma_start3A_1620 = arith.constant 0 : i32
      %dma_start3A_1621 = tpu.memref_slice %arg4[%add3A_1609, %dma_start3A_1619, %dma_start3A_1620] : memref<16384x56x128xf32, #tpu.memory_space<hbm>> -> memref<1x50x64xf32, #tpu.memory_space<hbm>>
      %dma_start3A_1622 = tpu.memref_squeeze %dma_start3A_1621 : memref<1x50x64xf32, #tpu.memory_space<hbm>> -> memref<50x64xf32, #tpu.memory_space<hbm>>
      %dma_start3A_1623 = arith.constant 0 : i32
      %dma_start3A_1624 = arith.constant 0 : i32
      %dma_start3A_1625 = tpu.memref_slice %arg6[%dma_start3A_1610, %dma_start3A_1623, %dma_start3A_1624] : memref<16x50x64xf32, #tpu.memory_space<vmem>> -> memref<1x50x64xf32, #tpu.memory_space<vmem>>
      %dma_start3A_1626 = tpu.memref_squeeze %dma_start3A_1625 : memref<1x50x64xf32, #tpu.memory_space<vmem>> -> memref<50x64xf32, #tpu.memory_space<vmem>>
      tpu.enqueue_dma source(%dma_start3A_1626 : memref<50x64xf32, #tpu.memory_space<vmem>>) target(%dma_start3A_1622 : memref<50x64xf32, #tpu.memory_space<hbm>>) target_semaphore(%arg8 : memref<!tpu.dma_semaphore, #tpu.memory_space<semaphore_mem>>)
      %add3A_1627 = arith.constant 8 : i32
      %add3A_1628 = arith.addi %add3A_1597, %add3A_1627 : i32
      %sub3A_1629 = arith.constant 16 : i32
      %sub3A_1630 = arith.subi %add3A_1628, %sub3A_1629 : i32
      %add3A_1631 = arith.addi %mul3A_2, %sub3A_1630 : i32
      %dma_wait3A_1632 = arith.constant 9 : i32
      %dma_wait3A_1633 = arith.constant 0 : i32
      %dma_wait3A_1634 = arith.constant 0 : i32
      %dma_wait3A_1635 = tpu.memref_slice %arg6[%dma_wait3A_1632, %dma_wait3A_1633, %dma_wait3A_1634] : memref<16x50x64xf32, #tpu.memory_space<vmem>> -> memref<1x50x64xf32, #tpu.memory_space<vmem>>
      %dma_wait3A_1636 = tpu.memref_squeeze %dma_wait3A_1635 : memref<1x50x64xf32, #tpu.memory_space<vmem>> -> memref<50x64xf32, #tpu.memory_space<vmem>>
      %dma_wait3A_1637 = arith.constant 0 : i32
      %dma_wait3A_1638 = arith.constant 0 : i32
      %dma_wait3A_1639 = tpu.memref_slice %arg4[%add3A_1631, %dma_wait3A_1637, %dma_wait3A_1638] : memref<16384x56x128xf32, #tpu.memory_space<hbm>> -> memref<1x50x64xf32, #tpu.memory_space<hbm>>
      %dma_wait3A_1640 = tpu.memref_squeeze %dma_wait3A_1639 : memref<1x50x64xf32, #tpu.memory_space<hbm>> -> memref<50x64xf32, #tpu.memory_space<hbm>>
      %dma_wait3A_1641 = arith.constant 0 : i32
      %dma_wait3A_1642 = arith.constant 0 : i32
      %dma_wait3A_1643 = tpu.memref_slice %arg4[%add3A_1631, %dma_wait3A_1641, %dma_wait3A_1642] : memref<16384x56x128xf32, #tpu.memory_space<hbm>> -> memref<1x50x64xf32, #tpu.memory_space<hbm>>
      %dma_wait3A_1644 = tpu.memref_squeeze %dma_wait3A_1643 : memref<1x50x64xf32, #tpu.memory_space<hbm>> -> memref<50x64xf32, #tpu.memory_space<hbm>>
      %dma_wait3A_1645 = arith.constant 0 : i32
      %dma_wait3A_1646 = arith.constant 0 : i32
      %dma_wait3A_1647 = tpu.memref_slice %arg6[%dma_wait3A_1632, %dma_wait3A_1645, %dma_wait3A_1646] : memref<16x50x64xf32, #tpu.memory_space<vmem>> -> memref<1x50x64xf32, #tpu.memory_space<vmem>>
      %dma_wait3A_1648 = tpu.memref_squeeze %dma_wait3A_1647 : memref<1x50x64xf32, #tpu.memory_space<vmem>> -> memref<50x64xf32, #tpu.memory_space<vmem>>
      tpu.wait_dma2 semaphore(%arg8 : memref<!tpu.dma_semaphore, #tpu.memory_space<semaphore_mem>>) src(%dma_wait3A_1648 : memref<50x64xf32, #tpu.memory_space<vmem>>) dst(%dma_wait3A_1644 : memref<50x64xf32, #tpu.memory_space<hbm>>)
      %add3A_1649 = arith.constant 8 : i32
      %add3A_1650 = arith.addi %add3A_1597, %add3A_1649 : i32
      %dma_start3A_1651 = arith.constant 9 : i32
      %dma_start3A_1652 = arith.constant 0 : i32
      %dma_start3A_1653 = arith.constant 0 : i32
      %dma_start3A_1654 = tpu.memref_slice %arg6[%dma_start3A_1651, %dma_start3A_1652, %dma_start3A_1653] : memref<16x50x64xf32, #tpu.memory_space<vmem>> -> memref<1x50x64xf32, #tpu.memory_space<vmem>>
      %dma_start3A_1655 = tpu.memref_squeeze %dma_start3A_1654 : memref<1x50x64xf32, #tpu.memory_space<vmem>> -> memref<50x64xf32, #tpu.memory_space<vmem>>
      %dma_start3A_1656 = arith.constant 0 : i32
      %dma_start3A_1657 = tpu.memref_slice %arg5[%add3A_1650, %dma_start3A_1656] : memref<512x50xi32, #tpu.memory_space<vmem>> -> memref<1x50xi32, #tpu.memory_space<vmem>>
      %dma_start3A_1658 = tpu.memref_squeeze %dma_start3A_1657 : memref<1x50xi32, #tpu.memory_space<vmem>> -> memref<50xi32, #tpu.memory_space<vmem>>
      %dma_start3A_1659 = arith.constant 0 : i32
      %dma_start3A_1660 = arith.constant 0 : i32
      %dma_start3A_1661 = tpu.memref_slice %arg2[%dma_start3A_1659, %dma_start3A_1660] : memref<1000000x64xf32, #tpu.memory_space<hbm>> -> memref<1000000x64xf32, #tpu.memory_space<hbm>>
      tpu.enqueue_indirect_dma source(%dma_start3A_1661 : memref<1000000x64xf32, #tpu.memory_space<hbm>>) target(%dma_start3A_1655 : memref<50x64xf32, #tpu.memory_space<vmem>>) offsets(%dma_start3A_1658 : memref<50xi32, #tpu.memory_space<vmem>>) semaphore(%arg7 : memref<!tpu.dma_semaphore, #tpu.memory_space<semaphore_mem>>)
      %add3A_1662 = arith.constant 10 : i32
      %add3A_1663 = arith.addi %add3A_1002, %add3A_1662 : i32
      %dma_wait3A_1664 = arith.constant 2 : i32
      %dma_wait3A_1665 = arith.constant 0 : i32
      %dma_wait3A_1666 = arith.constant 0 : i32
      %dma_wait3A_1667 = tpu.memref_slice %arg6[%dma_wait3A_1664, %dma_wait3A_1665, %dma_wait3A_1666] : memref<16x50x64xf32, #tpu.memory_space<vmem>> -> memref<1x50x64xf32, #tpu.memory_space<vmem>>
      %dma_wait3A_1668 = tpu.memref_squeeze %dma_wait3A_1667 : memref<1x50x64xf32, #tpu.memory_space<vmem>> -> memref<50x64xf32, #tpu.memory_space<vmem>>
      %dma_wait3A_1669 = arith.constant 0 : i32
      %dma_wait3A_1670 = tpu.memref_slice %arg5[%add3A_1663, %dma_wait3A_1669] : memref<512x50xi32, #tpu.memory_space<vmem>> -> memref<1x50xi32, #tpu.memory_space<vmem>>
      %dma_wait3A_1671 = tpu.memref_squeeze %dma_wait3A_1670 : memref<1x50xi32, #tpu.memory_space<vmem>> -> memref<50xi32, #tpu.memory_space<vmem>>
      %dma_wait3A_1672 = arith.constant 0 : i32
      %dma_wait3A_1673 = arith.constant 0 : i32
      %dma_wait3A_1674 = tpu.memref_slice %arg2[%dma_wait3A_1672, %dma_wait3A_1673] : memref<1000000x64xf32, #tpu.memory_space<hbm>> -> memref<1000000x64xf32, #tpu.memory_space<hbm>>
      tpu.wait_indirect_dma semaphore(%arg7 : memref<!tpu.dma_semaphore, #tpu.memory_space<semaphore_mem>>) src(%dma_wait3A_1674 : memref<1000000x64xf32, #tpu.memory_space<hbm>>) dst(%dma_wait3A_1668 : memref<50x64xf32, #tpu.memory_space<vmem>>)
      %add3A_1675 = arith.addi %mul3A_2, %add3A_1663 : i32
      %dma_start3A_1676 = arith.constant 2 : i32
      %dma_start3A_1677 = arith.constant 0 : i32
      %dma_start3A_1678 = arith.constant 0 : i32
      %dma_start3A_1679 = tpu.memref_slice %arg6[%dma_start3A_1676, %dma_start3A_1677, %dma_start3A_1678] : memref<16x50x64xf32, #tpu.memory_space<vmem>> -> memref<1x50x64xf32, #tpu.memory_space<vmem>>
      %dma_start3A_1680 = tpu.memref_squeeze %dma_start3A_1679 : memref<1x50x64xf32, #tpu.memory_space<vmem>> -> memref<50x64xf32, #tpu.memory_space<vmem>>
      %dma_start3A_1681 = arith.constant 0 : i32
      %dma_start3A_1682 = arith.constant 0 : i32
      %dma_start3A_1683 = tpu.memref_slice %arg4[%add3A_1675, %dma_start3A_1681, %dma_start3A_1682] : memref<16384x56x128xf32, #tpu.memory_space<hbm>> -> memref<1x50x64xf32, #tpu.memory_space<hbm>>
      %dma_start3A_1684 = tpu.memref_squeeze %dma_start3A_1683 : memref<1x50x64xf32, #tpu.memory_space<hbm>> -> memref<50x64xf32, #tpu.memory_space<hbm>>
      %dma_start3A_1685 = arith.constant 0 : i32
      %dma_start3A_1686 = arith.constant 0 : i32
      %dma_start3A_1687 = tpu.memref_slice %arg4[%add3A_1675, %dma_start3A_1685, %dma_start3A_1686] : memref<16384x56x128xf32, #tpu.memory_space<hbm>> -> memref<1x50x64xf32, #tpu.memory_space<hbm>>
      %dma_start3A_1688 = tpu.memref_squeeze %dma_start3A_1687 : memref<1x50x64xf32, #tpu.memory_space<hbm>> -> memref<50x64xf32, #tpu.memory_space<hbm>>
      %dma_start3A_1689 = arith.constant 0 : i32
      %dma_start3A_1690 = arith.constant 0 : i32
      %dma_start3A_1691 = tpu.memref_slice %arg6[%dma_start3A_1676, %dma_start3A_1689, %dma_start3A_1690] : memref<16x50x64xf32, #tpu.memory_space<vmem>> -> memref<1x50x64xf32, #tpu.memory_space<vmem>>
      %dma_start3A_1692 = tpu.memref_squeeze %dma_start3A_1691 : memref<1x50x64xf32, #tpu.memory_space<vmem>> -> memref<50x64xf32, #tpu.memory_space<vmem>>
      tpu.enqueue_dma source(%dma_start3A_1692 : memref<50x64xf32, #tpu.memory_space<vmem>>) target(%dma_start3A_1688 : memref<50x64xf32, #tpu.memory_space<hbm>>) target_semaphore(%arg8 : memref<!tpu.dma_semaphore, #tpu.memory_space<semaphore_mem>>)
      %add3A_1693 = arith.constant 8 : i32
      %add3A_1694 = arith.addi %add3A_1663, %add3A_1693 : i32
      %sub3A_1695 = arith.constant 16 : i32
      %sub3A_1696 = arith.subi %add3A_1694, %sub3A_1695 : i32
      %add3A_1697 = arith.addi %mul3A_2, %sub3A_1696 : i32
      %dma_wait3A_1698 = arith.constant 10 : i32
      %dma_wait3A_1699 = arith.constant 0 : i32
      %dma_wait3A_1700 = arith.constant 0 : i32
      %dma_wait3A_1701 = tpu.memref_slice %arg6[%dma_wait3A_1698, %dma_wait3A_1699, %dma_wait3A_1700] : memref<16x50x64xf32, #tpu.memory_space<vmem>> -> memref<1x50x64xf32, #tpu.memory_space<vmem>>
      %dma_wait3A_1702 = tpu.memref_squeeze %dma_wait3A_1701 : memref<1x50x64xf32, #tpu.memory_space<vmem>> -> memref<50x64xf32, #tpu.memory_space<vmem>>
      %dma_wait3A_1703 = arith.constant 0 : i32
      %dma_wait3A_1704 = arith.constant 0 : i32
      %dma_wait3A_1705 = tpu.memref_slice %arg4[%add3A_1697, %dma_wait3A_1703, %dma_wait3A_1704] : memref<16384x56x128xf32, #tpu.memory_space<hbm>> -> memref<1x50x64xf32, #tpu.memory_space<hbm>>
      %dma_wait3A_1706 = tpu.memref_squeeze %dma_wait3A_1705 : memref<1x50x64xf32, #tpu.memory_space<hbm>> -> memref<50x64xf32, #tpu.memory_space<hbm>>
      %dma_wait3A_1707 = arith.constant 0 : i32
      %dma_wait3A_1708 = arith.constant 0 : i32
      %dma_wait3A_1709 = tpu.memref_slice %arg4[%add3A_1697, %dma_wait3A_1707, %dma_wait3A_1708] : memref<16384x56x128xf32, #tpu.memory_space<hbm>> -> memref<1x50x64xf32, #tpu.memory_space<hbm>>
      %dma_wait3A_1710 = tpu.memref_squeeze %dma_wait3A_1709 : memref<1x50x64xf32, #tpu.memory_space<hbm>> -> memref<50x64xf32, #tpu.memory_space<hbm>>
      %dma_wait3A_1711 = arith.constant 0 : i32
      %dma_wait3A_1712 = arith.constant 0 : i32
      %dma_wait3A_1713 = tpu.memref_slice %arg6[%dma_wait3A_1698, %dma_wait3A_1711, %dma_wait3A_1712] : memref<16x50x64xf32, #tpu.memory_space<vmem>> -> memref<1x50x64xf32, #tpu.memory_space<vmem>>
      %dma_wait3A_1714 = tpu.memref_squeeze %dma_wait3A_1713 : memref<1x50x64xf32, #tpu.memory_space<vmem>> -> memref<50x64xf32, #tpu.memory_space<vmem>>
      tpu.wait_dma2 semaphore(%arg8 : memref<!tpu.dma_semaphore, #tpu.memory_space<semaphore_mem>>) src(%dma_wait3A_1714 : memref<50x64xf32, #tpu.memory_space<vmem>>) dst(%dma_wait3A_1710 : memref<50x64xf32, #tpu.memory_space<hbm>>)
      %add3A_1715 = arith.constant 8 : i32
      %add3A_1716 = arith.addi %add3A_1663, %add3A_1715 : i32
      %dma_start3A_1717 = arith.constant 10 : i32
      %dma_start3A_1718 = arith.constant 0 : i32
      %dma_start3A_1719 = arith.constant 0 : i32
      %dma_start3A_1720 = tpu.memref_slice %arg6[%dma_start3A_1717, %dma_start3A_1718, %dma_start3A_1719] : memref<16x50x64xf32, #tpu.memory_space<vmem>> -> memref<1x50x64xf32, #tpu.memory_space<vmem>>
      %dma_start3A_1721 = tpu.memref_squeeze %dma_start3A_1720 : memref<1x50x64xf32, #tpu.memory_space<vmem>> -> memref<50x64xf32, #tpu.memory_space<vmem>>
      %dma_start3A_1722 = arith.constant 0 : i32
      %dma_start3A_1723 = tpu.memref_slice %arg5[%add3A_1716, %dma_start3A_1722] : memref<512x50xi32, #tpu.memory_space<vmem>> -> memref<1x50xi32, #tpu.memory_space<vmem>>
      %dma_start3A_1724 = tpu.memref_squeeze %dma_start3A_1723 : memref<1x50xi32, #tpu.memory_space<vmem>> -> memref<50xi32, #tpu.memory_space<vmem>>
      %dma_start3A_1725 = arith.constant 0 : i32
      %dma_start3A_1726 = arith.constant 0 : i32
      %dma_start3A_1727 = tpu.memref_slice %arg2[%dma_start3A_1725, %dma_start3A_1726] : memref<1000000x64xf32, #tpu.memory_space<hbm>> -> memref<1000000x64xf32, #tpu.memory_space<hbm>>
      tpu.enqueue_indirect_dma source(%dma_start3A_1727 : memref<1000000x64xf32, #tpu.memory_space<hbm>>) target(%dma_start3A_1721 : memref<50x64xf32, #tpu.memory_space<vmem>>) offsets(%dma_start3A_1724 : memref<50xi32, #tpu.memory_space<vmem>>) semaphore(%arg7 : memref<!tpu.dma_semaphore, #tpu.memory_space<semaphore_mem>>)
      %add3A_1728 = arith.constant 11 : i32
      %add3A_1729 = arith.addi %add3A_1002, %add3A_1728 : i32
      %dma_wait3A_1730 = arith.constant 3 : i32
      %dma_wait3A_1731 = arith.constant 0 : i32
      %dma_wait3A_1732 = arith.constant 0 : i32
      %dma_wait3A_1733 = tpu.memref_slice %arg6[%dma_wait3A_1730, %dma_wait3A_1731, %dma_wait3A_1732] : memref<16x50x64xf32, #tpu.memory_space<vmem>> -> memref<1x50x64xf32, #tpu.memory_space<vmem>>
      %dma_wait3A_1734 = tpu.memref_squeeze %dma_wait3A_1733 : memref<1x50x64xf32, #tpu.memory_space<vmem>> -> memref<50x64xf32, #tpu.memory_space<vmem>>
      %dma_wait3A_1735 = arith.constant 0 : i32
      %dma_wait3A_1736 = tpu.memref_slice %arg5[%add3A_1729, %dma_wait3A_1735] : memref<512x50xi32, #tpu.memory_space<vmem>> -> memref<1x50xi32, #tpu.memory_space<vmem>>
      %dma_wait3A_1737 = tpu.memref_squeeze %dma_wait3A_1736 : memref<1x50xi32, #tpu.memory_space<vmem>> -> memref<50xi32, #tpu.memory_space<vmem>>
      %dma_wait3A_1738 = arith.constant 0 : i32
      %dma_wait3A_1739 = arith.constant 0 : i32
      %dma_wait3A_1740 = tpu.memref_slice %arg2[%dma_wait3A_1738, %dma_wait3A_1739] : memref<1000000x64xf32, #tpu.memory_space<hbm>> -> memref<1000000x64xf32, #tpu.memory_space<hbm>>
      tpu.wait_indirect_dma semaphore(%arg7 : memref<!tpu.dma_semaphore, #tpu.memory_space<semaphore_mem>>) src(%dma_wait3A_1740 : memref<1000000x64xf32, #tpu.memory_space<hbm>>) dst(%dma_wait3A_1734 : memref<50x64xf32, #tpu.memory_space<vmem>>)
      %add3A_1741 = arith.addi %mul3A_2, %add3A_1729 : i32
      %dma_start3A_1742 = arith.constant 3 : i32
      %dma_start3A_1743 = arith.constant 0 : i32
      %dma_start3A_1744 = arith.constant 0 : i32
      %dma_start3A_1745 = tpu.memref_slice %arg6[%dma_start3A_1742, %dma_start3A_1743, %dma_start3A_1744] : memref<16x50x64xf32, #tpu.memory_space<vmem>> -> memref<1x50x64xf32, #tpu.memory_space<vmem>>
      %dma_start3A_1746 = tpu.memref_squeeze %dma_start3A_1745 : memref<1x50x64xf32, #tpu.memory_space<vmem>> -> memref<50x64xf32, #tpu.memory_space<vmem>>
      %dma_start3A_1747 = arith.constant 0 : i32
      %dma_start3A_1748 = arith.constant 0 : i32
      %dma_start3A_1749 = tpu.memref_slice %arg4[%add3A_1741, %dma_start3A_1747, %dma_start3A_1748] : memref<16384x56x128xf32, #tpu.memory_space<hbm>> -> memref<1x50x64xf32, #tpu.memory_space<hbm>>
      %dma_start3A_1750 = tpu.memref_squeeze %dma_start3A_1749 : memref<1x50x64xf32, #tpu.memory_space<hbm>> -> memref<50x64xf32, #tpu.memory_space<hbm>>
      %dma_start3A_1751 = arith.constant 0 : i32
      %dma_start3A_1752 = arith.constant 0 : i32
      %dma_start3A_1753 = tpu.memref_slice %arg4[%add3A_1741, %dma_start3A_1751, %dma_start3A_1752] : memref<16384x56x128xf32, #tpu.memory_space<hbm>> -> memref<1x50x64xf32, #tpu.memory_space<hbm>>
      %dma_start3A_1754 = tpu.memref_squeeze %dma_start3A_1753 : memref<1x50x64xf32, #tpu.memory_space<hbm>> -> memref<50x64xf32, #tpu.memory_space<hbm>>
      %dma_start3A_1755 = arith.constant 0 : i32
      %dma_start3A_1756 = arith.constant 0 : i32
      %dma_start3A_1757 = tpu.memref_slice %arg6[%dma_start3A_1742, %dma_start3A_1755, %dma_start3A_1756] : memref<16x50x64xf32, #tpu.memory_space<vmem>> -> memref<1x50x64xf32, #tpu.memory_space<vmem>>
      %dma_start3A_1758 = tpu.memref_squeeze %dma_start3A_1757 : memref<1x50x64xf32, #tpu.memory_space<vmem>> -> memref<50x64xf32, #tpu.memory_space<vmem>>
      tpu.enqueue_dma source(%dma_start3A_1758 : memref<50x64xf32, #tpu.memory_space<vmem>>) target(%dma_start3A_1754 : memref<50x64xf32, #tpu.memory_space<hbm>>) target_semaphore(%arg8 : memref<!tpu.dma_semaphore, #tpu.memory_space<semaphore_mem>>)
      %add3A_1759 = arith.constant 8 : i32
      %add3A_1760 = arith.addi %add3A_1729, %add3A_1759 : i32
      %sub3A_1761 = arith.constant 16 : i32
      %sub3A_1762 = arith.subi %add3A_1760, %sub3A_1761 : i32
      %add3A_1763 = arith.addi %mul3A_2, %sub3A_1762 : i32
      %dma_wait3A_1764 = arith.constant 11 : i32
      %dma_wait3A_1765 = arith.constant 0 : i32
      %dma_wait3A_1766 = arith.constant 0 : i32
      %dma_wait3A_1767 = tpu.memref_slice %arg6[%dma_wait3A_1764, %dma_wait3A_1765, %dma_wait3A_1766] : memref<16x50x64xf32, #tpu.memory_space<vmem>> -> memref<1x50x64xf32, #tpu.memory_space<vmem>>
      %dma_wait3A_1768 = tpu.memref_squeeze %dma_wait3A_1767 : memref<1x50x64xf32, #tpu.memory_space<vmem>> -> memref<50x64xf32, #tpu.memory_space<vmem>>
      %dma_wait3A_1769 = arith.constant 0 : i32
      %dma_wait3A_1770 = arith.constant 0 : i32
      %dma_wait3A_1771 = tpu.memref_slice %arg4[%add3A_1763, %dma_wait3A_1769, %dma_wait3A_1770] : memref<16384x56x128xf32, #tpu.memory_space<hbm>> -> memref<1x50x64xf32, #tpu.memory_space<hbm>>
      %dma_wait3A_1772 = tpu.memref_squeeze %dma_wait3A_1771 : memref<1x50x64xf32, #tpu.memory_space<hbm>> -> memref<50x64xf32, #tpu.memory_space<hbm>>
      %dma_wait3A_1773 = arith.constant 0 : i32
      %dma_wait3A_1774 = arith.constant 0 : i32
      %dma_wait3A_1775 = tpu.memref_slice %arg4[%add3A_1763, %dma_wait3A_1773, %dma_wait3A_1774] : memref<16384x56x128xf32, #tpu.memory_space<hbm>> -> memref<1x50x64xf32, #tpu.memory_space<hbm>>
      %dma_wait3A_1776 = tpu.memref_squeeze %dma_wait3A_1775 : memref<1x50x64xf32, #tpu.memory_space<hbm>> -> memref<50x64xf32, #tpu.memory_space<hbm>>
      %dma_wait3A_1777 = arith.constant 0 : i32
      %dma_wait3A_1778 = arith.constant 0 : i32
      %dma_wait3A_1779 = tpu.memref_slice %arg6[%dma_wait3A_1764, %dma_wait3A_1777, %dma_wait3A_1778] : memref<16x50x64xf32, #tpu.memory_space<vmem>> -> memref<1x50x64xf32, #tpu.memory_space<vmem>>
      %dma_wait3A_1780 = tpu.memref_squeeze %dma_wait3A_1779 : memref<1x50x64xf32, #tpu.memory_space<vmem>> -> memref<50x64xf32, #tpu.memory_space<vmem>>
      tpu.wait_dma2 semaphore(%arg8 : memref<!tpu.dma_semaphore, #tpu.memory_space<semaphore_mem>>) src(%dma_wait3A_1780 : memref<50x64xf32, #tpu.memory_space<vmem>>) dst(%dma_wait3A_1776 : memref<50x64xf32, #tpu.memory_space<hbm>>)
      %add3A_1781 = arith.constant 8 : i32
      %add3A_1782 = arith.addi %add3A_1729, %add3A_1781 : i32
      %dma_start3A_1783 = arith.constant 11 : i32
      %dma_start3A_1784 = arith.constant 0 : i32
      %dma_start3A_1785 = arith.constant 0 : i32
      %dma_start3A_1786 = tpu.memref_slice %arg6[%dma_start3A_1783, %dma_start3A_1784, %dma_start3A_1785] : memref<16x50x64xf32, #tpu.memory_space<vmem>> -> memref<1x50x64xf32, #tpu.memory_space<vmem>>
      %dma_start3A_1787 = tpu.memref_squeeze %dma_start3A_1786 : memref<1x50x64xf32, #tpu.memory_space<vmem>> -> memref<50x64xf32, #tpu.memory_space<vmem>>
      %dma_start3A_1788 = arith.constant 0 : i32
      %dma_start3A_1789 = tpu.memref_slice %arg5[%add3A_1782, %dma_start3A_1788] : memref<512x50xi32, #tpu.memory_space<vmem>> -> memref<1x50xi32, #tpu.memory_space<vmem>>
      %dma_start3A_1790 = tpu.memref_squeeze %dma_start3A_1789 : memref<1x50xi32, #tpu.memory_space<vmem>> -> memref<50xi32, #tpu.memory_space<vmem>>
      %dma_start3A_1791 = arith.constant 0 : i32
      %dma_start3A_1792 = arith.constant 0 : i32
      %dma_start3A_1793 = tpu.memref_slice %arg2[%dma_start3A_1791, %dma_start3A_1792] : memref<1000000x64xf32, #tpu.memory_space<hbm>> -> memref<1000000x64xf32, #tpu.memory_space<hbm>>
      tpu.enqueue_indirect_dma source(%dma_start3A_1793 : memref<1000000x64xf32, #tpu.memory_space<hbm>>) target(%dma_start3A_1787 : memref<50x64xf32, #tpu.memory_space<vmem>>) offsets(%dma_start3A_1790 : memref<50xi32, #tpu.memory_space<vmem>>) semaphore(%arg7 : memref<!tpu.dma_semaphore, #tpu.memory_space<semaphore_mem>>)
      %add3A_1794 = arith.constant 12 : i32
      %add3A_1795 = arith.addi %add3A_1002, %add3A_1794 : i32
      %dma_wait3A_1796 = arith.constant 4 : i32
      %dma_wait3A_1797 = arith.constant 0 : i32
      %dma_wait3A_1798 = arith.constant 0 : i32
      %dma_wait3A_1799 = tpu.memref_slice %arg6[%dma_wait3A_1796, %dma_wait3A_1797, %dma_wait3A_1798] : memref<16x50x64xf32, #tpu.memory_space<vmem>> -> memref<1x50x64xf32, #tpu.memory_space<vmem>>
      %dma_wait3A_1800 = tpu.memref_squeeze %dma_wait3A_1799 : memref<1x50x64xf32, #tpu.memory_space<vmem>> -> memref<50x64xf32, #tpu.memory_space<vmem>>
      %dma_wait3A_1801 = arith.constant 0 : i32
      %dma_wait3A_1802 = tpu.memref_slice %arg5[%add3A_1795, %dma_wait3A_1801] : memref<512x50xi32, #tpu.memory_space<vmem>> -> memref<1x50xi32, #tpu.memory_space<vmem>>
      %dma_wait3A_1803 = tpu.memref_squeeze %dma_wait3A_1802 : memref<1x50xi32, #tpu.memory_space<vmem>> -> memref<50xi32, #tpu.memory_space<vmem>>
      %dma_wait3A_1804 = arith.constant 0 : i32
      %dma_wait3A_1805 = arith.constant 0 : i32
      %dma_wait3A_1806 = tpu.memref_slice %arg2[%dma_wait3A_1804, %dma_wait3A_1805] : memref<1000000x64xf32, #tpu.memory_space<hbm>> -> memref<1000000x64xf32, #tpu.memory_space<hbm>>
      tpu.wait_indirect_dma semaphore(%arg7 : memref<!tpu.dma_semaphore, #tpu.memory_space<semaphore_mem>>) src(%dma_wait3A_1806 : memref<1000000x64xf32, #tpu.memory_space<hbm>>) dst(%dma_wait3A_1800 : memref<50x64xf32, #tpu.memory_space<vmem>>)
      %add3A_1807 = arith.addi %mul3A_2, %add3A_1795 : i32
      %dma_start3A_1808 = arith.constant 4 : i32
      %dma_start3A_1809 = arith.constant 0 : i32
      %dma_start3A_1810 = arith.constant 0 : i32
      %dma_start3A_1811 = tpu.memref_slice %arg6[%dma_start3A_1808, %dma_start3A_1809, %dma_start3A_1810] : memref<16x50x64xf32, #tpu.memory_space<vmem>> -> memref<1x50x64xf32, #tpu.memory_space<vmem>>
      %dma_start3A_1812 = tpu.memref_squeeze %dma_start3A_1811 : memref<1x50x64xf32, #tpu.memory_space<vmem>> -> memref<50x64xf32, #tpu.memory_space<vmem>>
      %dma_start3A_1813 = arith.constant 0 : i32
      %dma_start3A_1814 = arith.constant 0 : i32
      %dma_start3A_1815 = tpu.memref_slice %arg4[%add3A_1807, %dma_start3A_1813, %dma_start3A_1814] : memref<16384x56x128xf32, #tpu.memory_space<hbm>> -> memref<1x50x64xf32, #tpu.memory_space<hbm>>
      %dma_start3A_1816 = tpu.memref_squeeze %dma_start3A_1815 : memref<1x50x64xf32, #tpu.memory_space<hbm>> -> memref<50x64xf32, #tpu.memory_space<hbm>>
      %dma_start3A_1817 = arith.constant 0 : i32
      %dma_start3A_1818 = arith.constant 0 : i32
      %dma_start3A_1819 = tpu.memref_slice %arg4[%add3A_1807, %dma_start3A_1817, %dma_start3A_1818] : memref<16384x56x128xf32, #tpu.memory_space<hbm>> -> memref<1x50x64xf32, #tpu.memory_space<hbm>>
      %dma_start3A_1820 = tpu.memref_squeeze %dma_start3A_1819 : memref<1x50x64xf32, #tpu.memory_space<hbm>> -> memref<50x64xf32, #tpu.memory_space<hbm>>
      %dma_start3A_1821 = arith.constant 0 : i32
      %dma_start3A_1822 = arith.constant 0 : i32
      %dma_start3A_1823 = tpu.memref_slice %arg6[%dma_start3A_1808, %dma_start3A_1821, %dma_start3A_1822] : memref<16x50x64xf32, #tpu.memory_space<vmem>> -> memref<1x50x64xf32, #tpu.memory_space<vmem>>
      %dma_start3A_1824 = tpu.memref_squeeze %dma_start3A_1823 : memref<1x50x64xf32, #tpu.memory_space<vmem>> -> memref<50x64xf32, #tpu.memory_space<vmem>>
      tpu.enqueue_dma source(%dma_start3A_1824 : memref<50x64xf32, #tpu.memory_space<vmem>>) target(%dma_start3A_1820 : memref<50x64xf32, #tpu.memory_space<hbm>>) target_semaphore(%arg8 : memref<!tpu.dma_semaphore, #tpu.memory_space<semaphore_mem>>)
      %add3A_1825 = arith.constant 8 : i32
      %add3A_1826 = arith.addi %add3A_1795, %add3A_1825 : i32
      %sub3A_1827 = arith.constant 16 : i32
      %sub3A_1828 = arith.subi %add3A_1826, %sub3A_1827 : i32
      %add3A_1829 = arith.addi %mul3A_2, %sub3A_1828 : i32
      %dma_wait3A_1830 = arith.constant 12 : i32
      %dma_wait3A_1831 = arith.constant 0 : i32
      %dma_wait3A_1832 = arith.constant 0 : i32
      %dma_wait3A_1833 = tpu.memref_slice %arg6[%dma_wait3A_1830, %dma_wait3A_1831, %dma_wait3A_1832] : memref<16x50x64xf32, #tpu.memory_space<vmem>> -> memref<1x50x64xf32, #tpu.memory_space<vmem>>
      %dma_wait3A_1834 = tpu.memref_squeeze %dma_wait3A_1833 : memref<1x50x64xf32, #tpu.memory_space<vmem>> -> memref<50x64xf32, #tpu.memory_space<vmem>>
      %dma_wait3A_1835 = arith.constant 0 : i32
      %dma_wait3A_1836 = arith.constant 0 : i32
      %dma_wait3A_1837 = tpu.memref_slice %arg4[%add3A_1829, %dma_wait3A_1835, %dma_wait3A_1836] : memref<16384x56x128xf32, #tpu.memory_space<hbm>> -> memref<1x50x64xf32, #tpu.memory_space<hbm>>
      %dma_wait3A_1838 = tpu.memref_squeeze %dma_wait3A_1837 : memref<1x50x64xf32, #tpu.memory_space<hbm>> -> memref<50x64xf32, #tpu.memory_space<hbm>>
      %dma_wait3A_1839 = arith.constant 0 : i32
      %dma_wait3A_1840 = arith.constant 0 : i32
      %dma_wait3A_1841 = tpu.memref_slice %arg4[%add3A_1829, %dma_wait3A_1839, %dma_wait3A_1840] : memref<16384x56x128xf32, #tpu.memory_space<hbm>> -> memref<1x50x64xf32, #tpu.memory_space<hbm>>
      %dma_wait3A_1842 = tpu.memref_squeeze %dma_wait3A_1841 : memref<1x50x64xf32, #tpu.memory_space<hbm>> -> memref<50x64xf32, #tpu.memory_space<hbm>>
      %dma_wait3A_1843 = arith.constant 0 : i32
      %dma_wait3A_1844 = arith.constant 0 : i32
      %dma_wait3A_1845 = tpu.memref_slice %arg6[%dma_wait3A_1830, %dma_wait3A_1843, %dma_wait3A_1844] : memref<16x50x64xf32, #tpu.memory_space<vmem>> -> memref<1x50x64xf32, #tpu.memory_space<vmem>>
      %dma_wait3A_1846 = tpu.memref_squeeze %dma_wait3A_1845 : memref<1x50x64xf32, #tpu.memory_space<vmem>> -> memref<50x64xf32, #tpu.memory_space<vmem>>
      tpu.wait_dma2 semaphore(%arg8 : memref<!tpu.dma_semaphore, #tpu.memory_space<semaphore_mem>>) src(%dma_wait3A_1846 : memref<50x64xf32, #tpu.memory_space<vmem>>) dst(%dma_wait3A_1842 : memref<50x64xf32, #tpu.memory_space<hbm>>)
      %add3A_1847 = arith.constant 8 : i32
      %add3A_1848 = arith.addi %add3A_1795, %add3A_1847 : i32
      %dma_start3A_1849 = arith.constant 12 : i32
      %dma_start3A_1850 = arith.constant 0 : i32
      %dma_start3A_1851 = arith.constant 0 : i32
      %dma_start3A_1852 = tpu.memref_slice %arg6[%dma_start3A_1849, %dma_start3A_1850, %dma_start3A_1851] : memref<16x50x64xf32, #tpu.memory_space<vmem>> -> memref<1x50x64xf32, #tpu.memory_space<vmem>>
      %dma_start3A_1853 = tpu.memref_squeeze %dma_start3A_1852 : memref<1x50x64xf32, #tpu.memory_space<vmem>> -> memref<50x64xf32, #tpu.memory_space<vmem>>
      %dma_start3A_1854 = arith.constant 0 : i32
      %dma_start3A_1855 = tpu.memref_slice %arg5[%add3A_1848, %dma_start3A_1854] : memref<512x50xi32, #tpu.memory_space<vmem>> -> memref<1x50xi32, #tpu.memory_space<vmem>>
      %dma_start3A_1856 = tpu.memref_squeeze %dma_start3A_1855 : memref<1x50xi32, #tpu.memory_space<vmem>> -> memref<50xi32, #tpu.memory_space<vmem>>
      %dma_start3A_1857 = arith.constant 0 : i32
      %dma_start3A_1858 = arith.constant 0 : i32
      %dma_start3A_1859 = tpu.memref_slice %arg2[%dma_start3A_1857, %dma_start3A_1858] : memref<1000000x64xf32, #tpu.memory_space<hbm>> -> memref<1000000x64xf32, #tpu.memory_space<hbm>>
      tpu.enqueue_indirect_dma source(%dma_start3A_1859 : memref<1000000x64xf32, #tpu.memory_space<hbm>>) target(%dma_start3A_1853 : memref<50x64xf32, #tpu.memory_space<vmem>>) offsets(%dma_start3A_1856 : memref<50xi32, #tpu.memory_space<vmem>>) semaphore(%arg7 : memref<!tpu.dma_semaphore, #tpu.memory_space<semaphore_mem>>)
      %add3A_1860 = arith.constant 13 : i32
      %add3A_1861 = arith.addi %add3A_1002, %add3A_1860 : i32
      %dma_wait3A_1862 = arith.constant 5 : i32
      %dma_wait3A_1863 = arith.constant 0 : i32
      %dma_wait3A_1864 = arith.constant 0 : i32
      %dma_wait3A_1865 = tpu.memref_slice %arg6[%dma_wait3A_1862, %dma_wait3A_1863, %dma_wait3A_1864] : memref<16x50x64xf32, #tpu.memory_space<vmem>> -> memref<1x50x64xf32, #tpu.memory_space<vmem>>
      %dma_wait3A_1866 = tpu.memref_squeeze %dma_wait3A_1865 : memref<1x50x64xf32, #tpu.memory_space<vmem>> -> memref<50x64xf32, #tpu.memory_space<vmem>>
      %dma_wait3A_1867 = arith.constant 0 : i32
      %dma_wait3A_1868 = tpu.memref_slice %arg5[%add3A_1861, %dma_wait3A_1867] : memref<512x50xi32, #tpu.memory_space<vmem>> -> memref<1x50xi32, #tpu.memory_space<vmem>>
      %dma_wait3A_1869 = tpu.memref_squeeze %dma_wait3A_1868 : memref<1x50xi32, #tpu.memory_space<vmem>> -> memref<50xi32, #tpu.memory_space<vmem>>
      %dma_wait3A_1870 = arith.constant 0 : i32
      %dma_wait3A_1871 = arith.constant 0 : i32
      %dma_wait3A_1872 = tpu.memref_slice %arg2[%dma_wait3A_1870, %dma_wait3A_1871] : memref<1000000x64xf32, #tpu.memory_space<hbm>> -> memref<1000000x64xf32, #tpu.memory_space<hbm>>
      tpu.wait_indirect_dma semaphore(%arg7 : memref<!tpu.dma_semaphore, #tpu.memory_space<semaphore_mem>>) src(%dma_wait3A_1872 : memref<1000000x64xf32, #tpu.memory_space<hbm>>) dst(%dma_wait3A_1866 : memref<50x64xf32, #tpu.memory_space<vmem>>)
      %add3A_1873 = arith.addi %mul3A_2, %add3A_1861 : i32
      %dma_start3A_1874 = arith.constant 5 : i32
      %dma_start3A_1875 = arith.constant 0 : i32
      %dma_start3A_1876 = arith.constant 0 : i32
      %dma_start3A_1877 = tpu.memref_slice %arg6[%dma_start3A_1874, %dma_start3A_1875, %dma_start3A_1876] : memref<16x50x64xf32, #tpu.memory_space<vmem>> -> memref<1x50x64xf32, #tpu.memory_space<vmem>>
      %dma_start3A_1878 = tpu.memref_squeeze %dma_start3A_1877 : memref<1x50x64xf32, #tpu.memory_space<vmem>> -> memref<50x64xf32, #tpu.memory_space<vmem>>
      %dma_start3A_1879 = arith.constant 0 : i32
      %dma_start3A_1880 = arith.constant 0 : i32
      %dma_start3A_1881 = tpu.memref_slice %arg4[%add3A_1873, %dma_start3A_1879, %dma_start3A_1880] : memref<16384x56x128xf32, #tpu.memory_space<hbm>> -> memref<1x50x64xf32, #tpu.memory_space<hbm>>
      %dma_start3A_1882 = tpu.memref_squeeze %dma_start3A_1881 : memref<1x50x64xf32, #tpu.memory_space<hbm>> -> memref<50x64xf32, #tpu.memory_space<hbm>>
      %dma_start3A_1883 = arith.constant 0 : i32
      %dma_start3A_1884 = arith.constant 0 : i32
      %dma_start3A_1885 = tpu.memref_slice %arg4[%add3A_1873, %dma_start3A_1883, %dma_start3A_1884] : memref<16384x56x128xf32, #tpu.memory_space<hbm>> -> memref<1x50x64xf32, #tpu.memory_space<hbm>>
      %dma_start3A_1886 = tpu.memref_squeeze %dma_start3A_1885 : memref<1x50x64xf32, #tpu.memory_space<hbm>> -> memref<50x64xf32, #tpu.memory_space<hbm>>
      %dma_start3A_1887 = arith.constant 0 : i32
      %dma_start3A_1888 = arith.constant 0 : i32
      %dma_start3A_1889 = tpu.memref_slice %arg6[%dma_start3A_1874, %dma_start3A_1887, %dma_start3A_1888] : memref<16x50x64xf32, #tpu.memory_space<vmem>> -> memref<1x50x64xf32, #tpu.memory_space<vmem>>
      %dma_start3A_1890 = tpu.memref_squeeze %dma_start3A_1889 : memref<1x50x64xf32, #tpu.memory_space<vmem>> -> memref<50x64xf32, #tpu.memory_space<vmem>>
      tpu.enqueue_dma source(%dma_start3A_1890 : memref<50x64xf32, #tpu.memory_space<vmem>>) target(%dma_start3A_1886 : memref<50x64xf32, #tpu.memory_space<hbm>>) target_semaphore(%arg8 : memref<!tpu.dma_semaphore, #tpu.memory_space<semaphore_mem>>)
      %add3A_1891 = arith.constant 8 : i32
      %add3A_1892 = arith.addi %add3A_1861, %add3A_1891 : i32
      %sub3A_1893 = arith.constant 16 : i32
      %sub3A_1894 = arith.subi %add3A_1892, %sub3A_1893 : i32
      %add3A_1895 = arith.addi %mul3A_2, %sub3A_1894 : i32
      %dma_wait3A_1896 = arith.constant 13 : i32
      %dma_wait3A_1897 = arith.constant 0 : i32
      %dma_wait3A_1898 = arith.constant 0 : i32
      %dma_wait3A_1899 = tpu.memref_slice %arg6[%dma_wait3A_1896, %dma_wait3A_1897, %dma_wait3A_1898] : memref<16x50x64xf32, #tpu.memory_space<vmem>> -> memref<1x50x64xf32, #tpu.memory_space<vmem>>
      %dma_wait3A_1900 = tpu.memref_squeeze %dma_wait3A_1899 : memref<1x50x64xf32, #tpu.memory_space<vmem>> -> memref<50x64xf32, #tpu.memory_space<vmem>>
      %dma_wait3A_1901 = arith.constant 0 : i32
      %dma_wait3A_1902 = arith.constant 0 : i32
      %dma_wait3A_1903 = tpu.memref_slice %arg4[%add3A_1895, %dma_wait3A_1901, %dma_wait3A_1902] : memref<16384x56x128xf32, #tpu.memory_space<hbm>> -> memref<1x50x64xf32, #tpu.memory_space<hbm>>
      %dma_wait3A_1904 = tpu.memref_squeeze %dma_wait3A_1903 : memref<1x50x64xf32, #tpu.memory_space<hbm>> -> memref<50x64xf32, #tpu.memory_space<hbm>>
      %dma_wait3A_1905 = arith.constant 0 : i32
      %dma_wait3A_1906 = arith.constant 0 : i32
      %dma_wait3A_1907 = tpu.memref_slice %arg4[%add3A_1895, %dma_wait3A_1905, %dma_wait3A_1906] : memref<16384x56x128xf32, #tpu.memory_space<hbm>> -> memref<1x50x64xf32, #tpu.memory_space<hbm>>
      %dma_wait3A_1908 = tpu.memref_squeeze %dma_wait3A_1907 : memref<1x50x64xf32, #tpu.memory_space<hbm>> -> memref<50x64xf32, #tpu.memory_space<hbm>>
      %dma_wait3A_1909 = arith.constant 0 : i32
      %dma_wait3A_1910 = arith.constant 0 : i32
      %dma_wait3A_1911 = tpu.memref_slice %arg6[%dma_wait3A_1896, %dma_wait3A_1909, %dma_wait3A_1910] : memref<16x50x64xf32, #tpu.memory_space<vmem>> -> memref<1x50x64xf32, #tpu.memory_space<vmem>>
      %dma_wait3A_1912 = tpu.memref_squeeze %dma_wait3A_1911 : memref<1x50x64xf32, #tpu.memory_space<vmem>> -> memref<50x64xf32, #tpu.memory_space<vmem>>
      tpu.wait_dma2 semaphore(%arg8 : memref<!tpu.dma_semaphore, #tpu.memory_space<semaphore_mem>>) src(%dma_wait3A_1912 : memref<50x64xf32, #tpu.memory_space<vmem>>) dst(%dma_wait3A_1908 : memref<50x64xf32, #tpu.memory_space<hbm>>)
      %add3A_1913 = arith.constant 8 : i32
      %add3A_1914 = arith.addi %add3A_1861, %add3A_1913 : i32
      %dma_start3A_1915 = arith.constant 13 : i32
      %dma_start3A_1916 = arith.constant 0 : i32
      %dma_start3A_1917 = arith.constant 0 : i32
      %dma_start3A_1918 = tpu.memref_slice %arg6[%dma_start3A_1915, %dma_start3A_1916, %dma_start3A_1917] : memref<16x50x64xf32, #tpu.memory_space<vmem>> -> memref<1x50x64xf32, #tpu.memory_space<vmem>>
      %dma_start3A_1919 = tpu.memref_squeeze %dma_start3A_1918 : memref<1x50x64xf32, #tpu.memory_space<vmem>> -> memref<50x64xf32, #tpu.memory_space<vmem>>
      %dma_start3A_1920 = arith.constant 0 : i32
      %dma_start3A_1921 = tpu.memref_slice %arg5[%add3A_1914, %dma_start3A_1920] : memref<512x50xi32, #tpu.memory_space<vmem>> -> memref<1x50xi32, #tpu.memory_space<vmem>>
      %dma_start3A_1922 = tpu.memref_squeeze %dma_start3A_1921 : memref<1x50xi32, #tpu.memory_space<vmem>> -> memref<50xi32, #tpu.memory_space<vmem>>
      %dma_start3A_1923 = arith.constant 0 : i32
      %dma_start3A_1924 = arith.constant 0 : i32
      %dma_start3A_1925 = tpu.memref_slice %arg2[%dma_start3A_1923, %dma_start3A_1924] : memref<1000000x64xf32, #tpu.memory_space<hbm>> -> memref<1000000x64xf32, #tpu.memory_space<hbm>>
      tpu.enqueue_indirect_dma source(%dma_start3A_1925 : memref<1000000x64xf32, #tpu.memory_space<hbm>>) target(%dma_start3A_1919 : memref<50x64xf32, #tpu.memory_space<vmem>>) offsets(%dma_start3A_1922 : memref<50xi32, #tpu.memory_space<vmem>>) semaphore(%arg7 : memref<!tpu.dma_semaphore, #tpu.memory_space<semaphore_mem>>)
      %add3A_1926 = arith.constant 14 : i32
      %add3A_1927 = arith.addi %add3A_1002, %add3A_1926 : i32
      %dma_wait3A_1928 = arith.constant 6 : i32
      %dma_wait3A_1929 = arith.constant 0 : i32
      %dma_wait3A_1930 = arith.constant 0 : i32
      %dma_wait3A_1931 = tpu.memref_slice %arg6[%dma_wait3A_1928, %dma_wait3A_1929, %dma_wait3A_1930] : memref<16x50x64xf32, #tpu.memory_space<vmem>> -> memref<1x50x64xf32, #tpu.memory_space<vmem>>
      %dma_wait3A_1932 = tpu.memref_squeeze %dma_wait3A_1931 : memref<1x50x64xf32, #tpu.memory_space<vmem>> -> memref<50x64xf32, #tpu.memory_space<vmem>>
      %dma_wait3A_1933 = arith.constant 0 : i32
      %dma_wait3A_1934 = tpu.memref_slice %arg5[%add3A_1927, %dma_wait3A_1933] : memref<512x50xi32, #tpu.memory_space<vmem>> -> memref<1x50xi32, #tpu.memory_space<vmem>>
      %dma_wait3A_1935 = tpu.memref_squeeze %dma_wait3A_1934 : memref<1x50xi32, #tpu.memory_space<vmem>> -> memref<50xi32, #tpu.memory_space<vmem>>
      %dma_wait3A_1936 = arith.constant 0 : i32
      %dma_wait3A_1937 = arith.constant 0 : i32
      %dma_wait3A_1938 = tpu.memref_slice %arg2[%dma_wait3A_1936, %dma_wait3A_1937] : memref<1000000x64xf32, #tpu.memory_space<hbm>> -> memref<1000000x64xf32, #tpu.memory_space<hbm>>
      tpu.wait_indirect_dma semaphore(%arg7 : memref<!tpu.dma_semaphore, #tpu.memory_space<semaphore_mem>>) src(%dma_wait3A_1938 : memref<1000000x64xf32, #tpu.memory_space<hbm>>) dst(%dma_wait3A_1932 : memref<50x64xf32, #tpu.memory_space<vmem>>)
      %add3A_1939 = arith.addi %mul3A_2, %add3A_1927 : i32
      %dma_start3A_1940 = arith.constant 6 : i32
      %dma_start3A_1941 = arith.constant 0 : i32
      %dma_start3A_1942 = arith.constant 0 : i32
      %dma_start3A_1943 = tpu.memref_slice %arg6[%dma_start3A_1940, %dma_start3A_1941, %dma_start3A_1942] : memref<16x50x64xf32, #tpu.memory_space<vmem>> -> memref<1x50x64xf32, #tpu.memory_space<vmem>>
      %dma_start3A_1944 = tpu.memref_squeeze %dma_start3A_1943 : memref<1x50x64xf32, #tpu.memory_space<vmem>> -> memref<50x64xf32, #tpu.memory_space<vmem>>
      %dma_start3A_1945 = arith.constant 0 : i32
      %dma_start3A_1946 = arith.constant 0 : i32
      %dma_start3A_1947 = tpu.memref_slice %arg4[%add3A_1939, %dma_start3A_1945, %dma_start3A_1946] : memref<16384x56x128xf32, #tpu.memory_space<hbm>> -> memref<1x50x64xf32, #tpu.memory_space<hbm>>
      %dma_start3A_1948 = tpu.memref_squeeze %dma_start3A_1947 : memref<1x50x64xf32, #tpu.memory_space<hbm>> -> memref<50x64xf32, #tpu.memory_space<hbm>>
      %dma_start3A_1949 = arith.constant 0 : i32
      %dma_start3A_1950 = arith.constant 0 : i32
      %dma_start3A_1951 = tpu.memref_slice %arg4[%add3A_1939, %dma_start3A_1949, %dma_start3A_1950] : memref<16384x56x128xf32, #tpu.memory_space<hbm>> -> memref<1x50x64xf32, #tpu.memory_space<hbm>>
      %dma_start3A_1952 = tpu.memref_squeeze %dma_start3A_1951 : memref<1x50x64xf32, #tpu.memory_space<hbm>> -> memref<50x64xf32, #tpu.memory_space<hbm>>
      %dma_start3A_1953 = arith.constant 0 : i32
      %dma_start3A_1954 = arith.constant 0 : i32
      %dma_start3A_1955 = tpu.memref_slice %arg6[%dma_start3A_1940, %dma_start3A_1953, %dma_start3A_1954] : memref<16x50x64xf32, #tpu.memory_space<vmem>> -> memref<1x50x64xf32, #tpu.memory_space<vmem>>
      %dma_start3A_1956 = tpu.memref_squeeze %dma_start3A_1955 : memref<1x50x64xf32, #tpu.memory_space<vmem>> -> memref<50x64xf32, #tpu.memory_space<vmem>>
      tpu.enqueue_dma source(%dma_start3A_1956 : memref<50x64xf32, #tpu.memory_space<vmem>>) target(%dma_start3A_1952 : memref<50x64xf32, #tpu.memory_space<hbm>>) target_semaphore(%arg8 : memref<!tpu.dma_semaphore, #tpu.memory_space<semaphore_mem>>)
      %add3A_1957 = arith.constant 8 : i32
      %add3A_1958 = arith.addi %add3A_1927, %add3A_1957 : i32
      %sub3A_1959 = arith.constant 16 : i32
      %sub3A_1960 = arith.subi %add3A_1958, %sub3A_1959 : i32
      %add3A_1961 = arith.addi %mul3A_2, %sub3A_1960 : i32
      %dma_wait3A_1962 = arith.constant 14 : i32
      %dma_wait3A_1963 = arith.constant 0 : i32
      %dma_wait3A_1964 = arith.constant 0 : i32
      %dma_wait3A_1965 = tpu.memref_slice %arg6[%dma_wait3A_1962, %dma_wait3A_1963, %dma_wait3A_1964] : memref<16x50x64xf32, #tpu.memory_space<vmem>> -> memref<1x50x64xf32, #tpu.memory_space<vmem>>
      %dma_wait3A_1966 = tpu.memref_squeeze %dma_wait3A_1965 : memref<1x50x64xf32, #tpu.memory_space<vmem>> -> memref<50x64xf32, #tpu.memory_space<vmem>>
      %dma_wait3A_1967 = arith.constant 0 : i32
      %dma_wait3A_1968 = arith.constant 0 : i32
      %dma_wait3A_1969 = tpu.memref_slice %arg4[%add3A_1961, %dma_wait3A_1967, %dma_wait3A_1968] : memref<16384x56x128xf32, #tpu.memory_space<hbm>> -> memref<1x50x64xf32, #tpu.memory_space<hbm>>
      %dma_wait3A_1970 = tpu.memref_squeeze %dma_wait3A_1969 : memref<1x50x64xf32, #tpu.memory_space<hbm>> -> memref<50x64xf32, #tpu.memory_space<hbm>>
      %dma_wait3A_1971 = arith.constant 0 : i32
      %dma_wait3A_1972 = arith.constant 0 : i32
      %dma_wait3A_1973 = tpu.memref_slice %arg4[%add3A_1961, %dma_wait3A_1971, %dma_wait3A_1972] : memref<16384x56x128xf32, #tpu.memory_space<hbm>> -> memref<1x50x64xf32, #tpu.memory_space<hbm>>
      %dma_wait3A_1974 = tpu.memref_squeeze %dma_wait3A_1973 : memref<1x50x64xf32, #tpu.memory_space<hbm>> -> memref<50x64xf32, #tpu.memory_space<hbm>>
      %dma_wait3A_1975 = arith.constant 0 : i32
      %dma_wait3A_1976 = arith.constant 0 : i32
      %dma_wait3A_1977 = tpu.memref_slice %arg6[%dma_wait3A_1962, %dma_wait3A_1975, %dma_wait3A_1976] : memref<16x50x64xf32, #tpu.memory_space<vmem>> -> memref<1x50x64xf32, #tpu.memory_space<vmem>>
      %dma_wait3A_1978 = tpu.memref_squeeze %dma_wait3A_1977 : memref<1x50x64xf32, #tpu.memory_space<vmem>> -> memref<50x64xf32, #tpu.memory_space<vmem>>
      tpu.wait_dma2 semaphore(%arg8 : memref<!tpu.dma_semaphore, #tpu.memory_space<semaphore_mem>>) src(%dma_wait3A_1978 : memref<50x64xf32, #tpu.memory_space<vmem>>) dst(%dma_wait3A_1974 : memref<50x64xf32, #tpu.memory_space<hbm>>)
      %add3A_1979 = arith.constant 8 : i32
      %add3A_1980 = arith.addi %add3A_1927, %add3A_1979 : i32
      %dma_start3A_1981 = arith.constant 14 : i32
      %dma_start3A_1982 = arith.constant 0 : i32
      %dma_start3A_1983 = arith.constant 0 : i32
      %dma_start3A_1984 = tpu.memref_slice %arg6[%dma_start3A_1981, %dma_start3A_1982, %dma_start3A_1983] : memref<16x50x64xf32, #tpu.memory_space<vmem>> -> memref<1x50x64xf32, #tpu.memory_space<vmem>>
      %dma_start3A_1985 = tpu.memref_squeeze %dma_start3A_1984 : memref<1x50x64xf32, #tpu.memory_space<vmem>> -> memref<50x64xf32, #tpu.memory_space<vmem>>
      %dma_start3A_1986 = arith.constant 0 : i32
      %dma_start3A_1987 = tpu.memref_slice %arg5[%add3A_1980, %dma_start3A_1986] : memref<512x50xi32, #tpu.memory_space<vmem>> -> memref<1x50xi32, #tpu.memory_space<vmem>>
      %dma_start3A_1988 = tpu.memref_squeeze %dma_start3A_1987 : memref<1x50xi32, #tpu.memory_space<vmem>> -> memref<50xi32, #tpu.memory_space<vmem>>
      %dma_start3A_1989 = arith.constant 0 : i32
      %dma_start3A_1990 = arith.constant 0 : i32
      %dma_start3A_1991 = tpu.memref_slice %arg2[%dma_start3A_1989, %dma_start3A_1990] : memref<1000000x64xf32, #tpu.memory_space<hbm>> -> memref<1000000x64xf32, #tpu.memory_space<hbm>>
      tpu.enqueue_indirect_dma source(%dma_start3A_1991 : memref<1000000x64xf32, #tpu.memory_space<hbm>>) target(%dma_start3A_1985 : memref<50x64xf32, #tpu.memory_space<vmem>>) offsets(%dma_start3A_1988 : memref<50xi32, #tpu.memory_space<vmem>>) semaphore(%arg7 : memref<!tpu.dma_semaphore, #tpu.memory_space<semaphore_mem>>)
      %add3A_1992 = arith.constant 15 : i32
      %add3A_1993 = arith.addi %add3A_1002, %add3A_1992 : i32
      %dma_wait3A_1994 = arith.constant 7 : i32
      %dma_wait3A_1995 = arith.constant 0 : i32
      %dma_wait3A_1996 = arith.constant 0 : i32
      %dma_wait3A_1997 = tpu.memref_slice %arg6[%dma_wait3A_1994, %dma_wait3A_1995, %dma_wait3A_1996] : memref<16x50x64xf32, #tpu.memory_space<vmem>> -> memref<1x50x64xf32, #tpu.memory_space<vmem>>
      %dma_wait3A_1998 = tpu.memref_squeeze %dma_wait3A_1997 : memref<1x50x64xf32, #tpu.memory_space<vmem>> -> memref<50x64xf32, #tpu.memory_space<vmem>>
      %dma_wait3A_1999 = arith.constant 0 : i32
      %dma_wait3A_2000 = tpu.memref_slice %arg5[%add3A_1993, %dma_wait3A_1999] : memref<512x50xi32, #tpu.memory_space<vmem>> -> memref<1x50xi32, #tpu.memory_space<vmem>>
      %dma_wait3A_2001 = tpu.memref_squeeze %dma_wait3A_2000 : memref<1x50xi32, #tpu.memory_space<vmem>> -> memref<50xi32, #tpu.memory_space<vmem>>
      %dma_wait3A_2002 = arith.constant 0 : i32
      %dma_wait3A_2003 = arith.constant 0 : i32
      %dma_wait3A_2004 = tpu.memref_slice %arg2[%dma_wait3A_2002, %dma_wait3A_2003] : memref<1000000x64xf32, #tpu.memory_space<hbm>> -> memref<1000000x64xf32, #tpu.memory_space<hbm>>
      tpu.wait_indirect_dma semaphore(%arg7 : memref<!tpu.dma_semaphore, #tpu.memory_space<semaphore_mem>>) src(%dma_wait3A_2004 : memref<1000000x64xf32, #tpu.memory_space<hbm>>) dst(%dma_wait3A_1998 : memref<50x64xf32, #tpu.memory_space<vmem>>)
      %add3A_2005 = arith.addi %mul3A_2, %add3A_1993 : i32
      %dma_start3A_2006 = arith.constant 7 : i32
      %dma_start3A_2007 = arith.constant 0 : i32
      %dma_start3A_2008 = arith.constant 0 : i32
      %dma_start3A_2009 = tpu.memref_slice %arg6[%dma_start3A_2006, %dma_start3A_2007, %dma_start3A_2008] : memref<16x50x64xf32, #tpu.memory_space<vmem>> -> memref<1x50x64xf32, #tpu.memory_space<vmem>>
      %dma_start3A_2010 = tpu.memref_squeeze %dma_start3A_2009 : memref<1x50x64xf32, #tpu.memory_space<vmem>> -> memref<50x64xf32, #tpu.memory_space<vmem>>
      %dma_start3A_2011 = arith.constant 0 : i32
      %dma_start3A_2012 = arith.constant 0 : i32
      %dma_start3A_2013 = tpu.memref_slice %arg4[%add3A_2005, %dma_start3A_2011, %dma_start3A_2012] : memref<16384x56x128xf32, #tpu.memory_space<hbm>> -> memref<1x50x64xf32, #tpu.memory_space<hbm>>
      %dma_start3A_2014 = tpu.memref_squeeze %dma_start3A_2013 : memref<1x50x64xf32, #tpu.memory_space<hbm>> -> memref<50x64xf32, #tpu.memory_space<hbm>>
      %dma_start3A_2015 = arith.constant 0 : i32
      %dma_start3A_2016 = arith.constant 0 : i32
      %dma_start3A_2017 = tpu.memref_slice %arg4[%add3A_2005, %dma_start3A_2015, %dma_start3A_2016] : memref<16384x56x128xf32, #tpu.memory_space<hbm>> -> memref<1x50x64xf32, #tpu.memory_space<hbm>>
      %dma_start3A_2018 = tpu.memref_squeeze %dma_start3A_2017 : memref<1x50x64xf32, #tpu.memory_space<hbm>> -> memref<50x64xf32, #tpu.memory_space<hbm>>
      %dma_start3A_2019 = arith.constant 0 : i32
      %dma_start3A_2020 = arith.constant 0 : i32
      %dma_start3A_2021 = tpu.memref_slice %arg6[%dma_start3A_2006, %dma_start3A_2019, %dma_start3A_2020] : memref<16x50x64xf32, #tpu.memory_space<vmem>> -> memref<1x50x64xf32, #tpu.memory_space<vmem>>
      %dma_start3A_2022 = tpu.memref_squeeze %dma_start3A_2021 : memref<1x50x64xf32, #tpu.memory_space<vmem>> -> memref<50x64xf32, #tpu.memory_space<vmem>>
      tpu.enqueue_dma source(%dma_start3A_2022 : memref<50x64xf32, #tpu.memory_space<vmem>>) target(%dma_start3A_2018 : memref<50x64xf32, #tpu.memory_space<hbm>>) target_semaphore(%arg8 : memref<!tpu.dma_semaphore, #tpu.memory_space<semaphore_mem>>)
      %add3A_2023 = arith.constant 8 : i32
      %add3A_2024 = arith.addi %add3A_1993, %add3A_2023 : i32
      %sub3A_2025 = arith.constant 16 : i32
      %sub3A_2026 = arith.subi %add3A_2024, %sub3A_2025 : i32
      %add3A_2027 = arith.addi %mul3A_2, %sub3A_2026 : i32
      %dma_wait3A_2028 = arith.constant 15 : i32
      %dma_wait3A_2029 = arith.constant 0 : i32
      %dma_wait3A_2030 = arith.constant 0 : i32
      %dma_wait3A_2031 = tpu.memref_slice %arg6[%dma_wait3A_2028, %dma_wait3A_2029, %dma_wait3A_2030] : memref<16x50x64xf32, #tpu.memory_space<vmem>> -> memref<1x50x64xf32, #tpu.memory_space<vmem>>
      %dma_wait3A_2032 = tpu.memref_squeeze %dma_wait3A_2031 : memref<1x50x64xf32, #tpu.memory_space<vmem>> -> memref<50x64xf32, #tpu.memory_space<vmem>>
      %dma_wait3A_2033 = arith.constant 0 : i32
      %dma_wait3A_2034 = arith.constant 0 : i32
      %dma_wait3A_2035 = tpu.memref_slice %arg4[%add3A_2027, %dma_wait3A_2033, %dma_wait3A_2034] : memref<16384x56x128xf32, #tpu.memory_space<hbm>> -> memref<1x50x64xf32, #tpu.memory_space<hbm>>
      %dma_wait3A_2036 = tpu.memref_squeeze %dma_wait3A_2035 : memref<1x50x64xf32, #tpu.memory_space<hbm>> -> memref<50x64xf32, #tpu.memory_space<hbm>>
      %dma_wait3A_2037 = arith.constant 0 : i32
      %dma_wait3A_2038 = arith.constant 0 : i32
      %dma_wait3A_2039 = tpu.memref_slice %arg4[%add3A_2027, %dma_wait3A_2037, %dma_wait3A_2038] : memref<16384x56x128xf32, #tpu.memory_space<hbm>> -> memref<1x50x64xf32, #tpu.memory_space<hbm>>
      %dma_wait3A_2040 = tpu.memref_squeeze %dma_wait3A_2039 : memref<1x50x64xf32, #tpu.memory_space<hbm>> -> memref<50x64xf32, #tpu.memory_space<hbm>>
      %dma_wait3A_2041 = arith.constant 0 : i32
      %dma_wait3A_2042 = arith.constant 0 : i32
      %dma_wait3A_2043 = tpu.memref_slice %arg6[%dma_wait3A_2028, %dma_wait3A_2041, %dma_wait3A_2042] : memref<16x50x64xf32, #tpu.memory_space<vmem>> -> memref<1x50x64xf32, #tpu.memory_space<vmem>>
      %dma_wait3A_2044 = tpu.memref_squeeze %dma_wait3A_2043 : memref<1x50x64xf32, #tpu.memory_space<vmem>> -> memref<50x64xf32, #tpu.memory_space<vmem>>
      tpu.wait_dma2 semaphore(%arg8 : memref<!tpu.dma_semaphore, #tpu.memory_space<semaphore_mem>>) src(%dma_wait3A_2044 : memref<50x64xf32, #tpu.memory_space<vmem>>) dst(%dma_wait3A_2040 : memref<50x64xf32, #tpu.memory_space<hbm>>)
      %add3A_2045 = arith.constant 8 : i32
      %add3A_2046 = arith.addi %add3A_1993, %add3A_2045 : i32
      %dma_start3A_2047 = arith.constant 15 : i32
      %dma_start3A_2048 = arith.constant 0 : i32
      %dma_start3A_2049 = arith.constant 0 : i32
      %dma_start3A_2050 = tpu.memref_slice %arg6[%dma_start3A_2047, %dma_start3A_2048, %dma_start3A_2049] : memref<16x50x64xf32, #tpu.memory_space<vmem>> -> memref<1x50x64xf32, #tpu.memory_space<vmem>>
      %dma_start3A_2051 = tpu.memref_squeeze %dma_start3A_2050 : memref<1x50x64xf32, #tpu.memory_space<vmem>> -> memref<50x64xf32, #tpu.memory_space<vmem>>
      %dma_start3A_2052 = arith.constant 0 : i32
      %dma_start3A_2053 = tpu.memref_slice %arg5[%add3A_2046, %dma_start3A_2052] : memref<512x50xi32, #tpu.memory_space<vmem>> -> memref<1x50xi32, #tpu.memory_space<vmem>>
      %dma_start3A_2054 = tpu.memref_squeeze %dma_start3A_2053 : memref<1x50xi32, #tpu.memory_space<vmem>> -> memref<50xi32, #tpu.memory_space<vmem>>
      %dma_start3A_2055 = arith.constant 0 : i32
      %dma_start3A_2056 = arith.constant 0 : i32
      %dma_start3A_2057 = tpu.memref_slice %arg2[%dma_start3A_2055, %dma_start3A_2056] : memref<1000000x64xf32, #tpu.memory_space<hbm>> -> memref<1000000x64xf32, #tpu.memory_space<hbm>>
      tpu.enqueue_indirect_dma source(%dma_start3A_2057 : memref<1000000x64xf32, #tpu.memory_space<hbm>>) target(%dma_start3A_2051 : memref<50x64xf32, #tpu.memory_space<vmem>>) offsets(%dma_start3A_2054 : memref<50xi32, #tpu.memory_space<vmem>>) semaphore(%arg7 : memref<!tpu.dma_semaphore, #tpu.memory_space<semaphore_mem>>)
    }
    %scan3A_445 = arith.constant 31 : i32
    %dma_wait3A_446 = arith.constant 504 : i32
    %dma_wait3A_447 = arith.constant 8 : i32
    %dma_wait3A_448 = arith.constant 0 : i32
    %dma_wait3A_449 = arith.constant 0 : i32
    %dma_wait3A_450 = tpu.memref_slice %arg6[%dma_wait3A_447, %dma_wait3A_448, %dma_wait3A_449] : memref<16x50x64xf32, #tpu.memory_space<vmem>> -> memref<1x50x64xf32, #tpu.memory_space<vmem>>
    %dma_wait3A_451 = tpu.memref_squeeze %dma_wait3A_450 : memref<1x50x64xf32, #tpu.memory_space<vmem>> -> memref<50x64xf32, #tpu.memory_space<vmem>>
    %dma_wait3A_452 = arith.constant 0 : i32
    %dma_wait3A_453 = tpu.memref_slice %arg5[%dma_wait3A_446, %dma_wait3A_452] : memref<512x50xi32, #tpu.memory_space<vmem>> -> memref<1x50xi32, #tpu.memory_space<vmem>>
    %dma_wait3A_454 = tpu.memref_squeeze %dma_wait3A_453 : memref<1x50xi32, #tpu.memory_space<vmem>> -> memref<50xi32, #tpu.memory_space<vmem>>
    %dma_wait3A_455 = arith.constant 0 : i32
    %dma_wait3A_456 = arith.constant 0 : i32
    %dma_wait3A_457 = tpu.memref_slice %arg2[%dma_wait3A_455, %dma_wait3A_456] : memref<1000000x64xf32, #tpu.memory_space<hbm>> -> memref<1000000x64xf32, #tpu.memory_space<hbm>>
    tpu.wait_indirect_dma semaphore(%arg7 : memref<!tpu.dma_semaphore, #tpu.memory_space<semaphore_mem>>) src(%dma_wait3A_457 : memref<1000000x64xf32, #tpu.memory_space<hbm>>) dst(%dma_wait3A_451 : memref<50x64xf32, #tpu.memory_space<vmem>>)
    %add3A_458 = arith.constant 504 : i32
    %add3A_459 = arith.addi %mul3A_2, %add3A_458 : i32
    %dma_start3A_460 = arith.constant 8 : i32
    %dma_start3A_461 = arith.constant 0 : i32
    %dma_start3A_462 = arith.constant 0 : i32
    %dma_start3A_463 = tpu.memref_slice %arg6[%dma_start3A_460, %dma_start3A_461, %dma_start3A_462] : memref<16x50x64xf32, #tpu.memory_space<vmem>> -> memref<1x50x64xf32, #tpu.memory_space<vmem>>
    %dma_start3A_464 = tpu.memref_squeeze %dma_start3A_463 : memref<1x50x64xf32, #tpu.memory_space<vmem>> -> memref<50x64xf32, #tpu.memory_space<vmem>>
    %dma_start3A_465 = arith.constant 0 : i32
    %dma_start3A_466 = arith.constant 0 : i32
    %dma_start3A_467 = tpu.memref_slice %arg4[%add3A_459, %dma_start3A_465, %dma_start3A_466] : memref<16384x56x128xf32, #tpu.memory_space<hbm>> -> memref<1x50x64xf32, #tpu.memory_space<hbm>>
    %dma_start3A_468 = tpu.memref_squeeze %dma_start3A_467 : memref<1x50x64xf32, #tpu.memory_space<hbm>> -> memref<50x64xf32, #tpu.memory_space<hbm>>
    %dma_start3A_469 = arith.constant 0 : i32
    %dma_start3A_470 = arith.constant 0 : i32
    %dma_start3A_471 = tpu.memref_slice %arg4[%add3A_459, %dma_start3A_469, %dma_start3A_470] : memref<16384x56x128xf32, #tpu.memory_space<hbm>> -> memref<1x50x64xf32, #tpu.memory_space<hbm>>
    %dma_start3A_472 = tpu.memref_squeeze %dma_start3A_471 : memref<1x50x64xf32, #tpu.memory_space<hbm>> -> memref<50x64xf32, #tpu.memory_space<hbm>>
    %dma_start3A_473 = arith.constant 0 : i32
    %dma_start3A_474 = arith.constant 0 : i32
    %dma_start3A_475 = tpu.memref_slice %arg6[%dma_start3A_460, %dma_start3A_473, %dma_start3A_474] : memref<16x50x64xf32, #tpu.memory_space<vmem>> -> memref<1x50x64xf32, #tpu.memory_space<vmem>>
    %dma_start3A_476 = tpu.memref_squeeze %dma_start3A_475 : memref<1x50x64xf32, #tpu.memory_space<vmem>> -> memref<50x64xf32, #tpu.memory_space<vmem>>
    tpu.enqueue_dma source(%dma_start3A_476 : memref<50x64xf32, #tpu.memory_space<vmem>>) target(%dma_start3A_472 : memref<50x64xf32, #tpu.memory_space<hbm>>) target_semaphore(%arg8 : memref<!tpu.dma_semaphore, #tpu.memory_space<semaphore_mem>>)
    %dma_wait3A_477 = arith.constant 505 : i32
    %dma_wait3A_478 = arith.constant 9 : i32
    %dma_wait3A_479 = arith.constant 0 : i32
    %dma_wait3A_480 = arith.constant 0 : i32
    %dma_wait3A_481 = tpu.memref_slice %arg6[%dma_wait3A_478, %dma_wait3A_479, %dma_wait3A_480] : memref<16x50x64xf32, #tpu.memory_space<vmem>> -> memref<1x50x64xf32, #tpu.memory_space<vmem>>
    %dma_wait3A_482 = tpu.memref_squeeze %dma_wait3A_481 : memref<1x50x64xf32, #tpu.memory_space<vmem>> -> memref<50x64xf32, #tpu.memory_space<vmem>>
    %dma_wait3A_483 = arith.constant 0 : i32
    %dma_wait3A_484 = tpu.memref_slice %arg5[%dma_wait3A_477, %dma_wait3A_483] : memref<512x50xi32, #tpu.memory_space<vmem>> -> memref<1x50xi32, #tpu.memory_space<vmem>>
    %dma_wait3A_485 = tpu.memref_squeeze %dma_wait3A_484 : memref<1x50xi32, #tpu.memory_space<vmem>> -> memref<50xi32, #tpu.memory_space<vmem>>
    %dma_wait3A_486 = arith.constant 0 : i32
    %dma_wait3A_487 = arith.constant 0 : i32
    %dma_wait3A_488 = tpu.memref_slice %arg2[%dma_wait3A_486, %dma_wait3A_487] : memref<1000000x64xf32, #tpu.memory_space<hbm>> -> memref<1000000x64xf32, #tpu.memory_space<hbm>>
    tpu.wait_indirect_dma semaphore(%arg7 : memref<!tpu.dma_semaphore, #tpu.memory_space<semaphore_mem>>) src(%dma_wait3A_488 : memref<1000000x64xf32, #tpu.memory_space<hbm>>) dst(%dma_wait3A_482 : memref<50x64xf32, #tpu.memory_space<vmem>>)
    %add3A_489 = arith.constant 505 : i32
    %add3A_490 = arith.addi %mul3A_2, %add3A_489 : i32
    %dma_start3A_491 = arith.constant 9 : i32
    %dma_start3A_492 = arith.constant 0 : i32
    %dma_start3A_493 = arith.constant 0 : i32
    %dma_start3A_494 = tpu.memref_slice %arg6[%dma_start3A_491, %dma_start3A_492, %dma_start3A_493] : memref<16x50x64xf32, #tpu.memory_space<vmem>> -> memref<1x50x64xf32, #tpu.memory_space<vmem>>
    %dma_start3A_495 = tpu.memref_squeeze %dma_start3A_494 : memref<1x50x64xf32, #tpu.memory_space<vmem>> -> memref<50x64xf32, #tpu.memory_space<vmem>>
    %dma_start3A_496 = arith.constant 0 : i32
    %dma_start3A_497 = arith.constant 0 : i32
    %dma_start3A_498 = tpu.memref_slice %arg4[%add3A_490, %dma_start3A_496, %dma_start3A_497] : memref<16384x56x128xf32, #tpu.memory_space<hbm>> -> memref<1x50x64xf32, #tpu.memory_space<hbm>>
    %dma_start3A_499 = tpu.memref_squeeze %dma_start3A_498 : memref<1x50x64xf32, #tpu.memory_space<hbm>> -> memref<50x64xf32, #tpu.memory_space<hbm>>
    %dma_start3A_500 = arith.constant 0 : i32
    %dma_start3A_501 = arith.constant 0 : i32
    %dma_start3A_502 = tpu.memref_slice %arg4[%add3A_490, %dma_start3A_500, %dma_start3A_501] : memref<16384x56x128xf32, #tpu.memory_space<hbm>> -> memref<1x50x64xf32, #tpu.memory_space<hbm>>
    %dma_start3A_503 = tpu.memref_squeeze %dma_start3A_502 : memref<1x50x64xf32, #tpu.memory_space<hbm>> -> memref<50x64xf32, #tpu.memory_space<hbm>>
    %dma_start3A_504 = arith.constant 0 : i32
    %dma_start3A_505 = arith.constant 0 : i32
    %dma_start3A_506 = tpu.memref_slice %arg6[%dma_start3A_491, %dma_start3A_504, %dma_start3A_505] : memref<16x50x64xf32, #tpu.memory_space<vmem>> -> memref<1x50x64xf32, #tpu.memory_space<vmem>>
    %dma_start3A_507 = tpu.memref_squeeze %dma_start3A_506 : memref<1x50x64xf32, #tpu.memory_space<vmem>> -> memref<50x64xf32, #tpu.memory_space<vmem>>
    tpu.enqueue_dma source(%dma_start3A_507 : memref<50x64xf32, #tpu.memory_space<vmem>>) target(%dma_start3A_503 : memref<50x64xf32, #tpu.memory_space<hbm>>) target_semaphore(%arg8 : memref<!tpu.dma_semaphore, #tpu.memory_space<semaphore_mem>>)
    %dma_wait3A_508 = arith.constant 506 : i32
    %dma_wait3A_509 = arith.constant 10 : i32
    %dma_wait3A_510 = arith.constant 0 : i32
    %dma_wait3A_511 = arith.constant 0 : i32
    %dma_wait3A_512 = tpu.memref_slice %arg6[%dma_wait3A_509, %dma_wait3A_510, %dma_wait3A_511] : memref<16x50x64xf32, #tpu.memory_space<vmem>> -> memref<1x50x64xf32, #tpu.memory_space<vmem>>
    %dma_wait3A_513 = tpu.memref_squeeze %dma_wait3A_512 : memref<1x50x64xf32, #tpu.memory_space<vmem>> -> memref<50x64xf32, #tpu.memory_space<vmem>>
    %dma_wait3A_514 = arith.constant 0 : i32
    %dma_wait3A_515 = tpu.memref_slice %arg5[%dma_wait3A_508, %dma_wait3A_514] : memref<512x50xi32, #tpu.memory_space<vmem>> -> memref<1x50xi32, #tpu.memory_space<vmem>>
    %dma_wait3A_516 = tpu.memref_squeeze %dma_wait3A_515 : memref<1x50xi32, #tpu.memory_space<vmem>> -> memref<50xi32, #tpu.memory_space<vmem>>
    %dma_wait3A_517 = arith.constant 0 : i32
    %dma_wait3A_518 = arith.constant 0 : i32
    %dma_wait3A_519 = tpu.memref_slice %arg2[%dma_wait3A_517, %dma_wait3A_518] : memref<1000000x64xf32, #tpu.memory_space<hbm>> -> memref<1000000x64xf32, #tpu.memory_space<hbm>>
    tpu.wait_indirect_dma semaphore(%arg7 : memref<!tpu.dma_semaphore, #tpu.memory_space<semaphore_mem>>) src(%dma_wait3A_519 : memref<1000000x64xf32, #tpu.memory_space<hbm>>) dst(%dma_wait3A_513 : memref<50x64xf32, #tpu.memory_space<vmem>>)
    %add3A_520 = arith.constant 506 : i32
    %add3A_521 = arith.addi %mul3A_2, %add3A_520 : i32
    %dma_start3A_522 = arith.constant 10 : i32
    %dma_start3A_523 = arith.constant 0 : i32
    %dma_start3A_524 = arith.constant 0 : i32
    %dma_start3A_525 = tpu.memref_slice %arg6[%dma_start3A_522, %dma_start3A_523, %dma_start3A_524] : memref<16x50x64xf32, #tpu.memory_space<vmem>> -> memref<1x50x64xf32, #tpu.memory_space<vmem>>
    %dma_start3A_526 = tpu.memref_squeeze %dma_start3A_525 : memref<1x50x64xf32, #tpu.memory_space<vmem>> -> memref<50x64xf32, #tpu.memory_space<vmem>>
    %dma_start3A_527 = arith.constant 0 : i32
    %dma_start3A_528 = arith.constant 0 : i32
    %dma_start3A_529 = tpu.memref_slice %arg4[%add3A_521, %dma_start3A_527, %dma_start3A_528] : memref<16384x56x128xf32, #tpu.memory_space<hbm>> -> memref<1x50x64xf32, #tpu.memory_space<hbm>>
    %dma_start3A_530 = tpu.memref_squeeze %dma_start3A_529 : memref<1x50x64xf32, #tpu.memory_space<hbm>> -> memref<50x64xf32, #tpu.memory_space<hbm>>
    %dma_start3A_531 = arith.constant 0 : i32
    %dma_start3A_532 = arith.constant 0 : i32
    %dma_start3A_533 = tpu.memref_slice %arg4[%add3A_521, %dma_start3A_531, %dma_start3A_532] : memref<16384x56x128xf32, #tpu.memory_space<hbm>> -> memref<1x50x64xf32, #tpu.memory_space<hbm>>
    %dma_start3A_534 = tpu.memref_squeeze %dma_start3A_533 : memref<1x50x64xf32, #tpu.memory_space<hbm>> -> memref<50x64xf32, #tpu.memory_space<hbm>>
    %dma_start3A_535 = arith.constant 0 : i32
    %dma_start3A_536 = arith.constant 0 : i32
    %dma_start3A_537 = tpu.memref_slice %arg6[%dma_start3A_522, %dma_start3A_535, %dma_start3A_536] : memref<16x50x64xf32, #tpu.memory_space<vmem>> -> memref<1x50x64xf32, #tpu.memory_space<vmem>>
    %dma_start3A_538 = tpu.memref_squeeze %dma_start3A_537 : memref<1x50x64xf32, #tpu.memory_space<vmem>> -> memref<50x64xf32, #tpu.memory_space<vmem>>
    tpu.enqueue_dma source(%dma_start3A_538 : memref<50x64xf32, #tpu.memory_space<vmem>>) target(%dma_start3A_534 : memref<50x64xf32, #tpu.memory_space<hbm>>) target_semaphore(%arg8 : memref<!tpu.dma_semaphore, #tpu.memory_space<semaphore_mem>>)
    %dma_wait3A_539 = arith.constant 507 : i32
    %dma_wait3A_540 = arith.constant 11 : i32
    %dma_wait3A_541 = arith.constant 0 : i32
    %dma_wait3A_542 = arith.constant 0 : i32
    %dma_wait3A_543 = tpu.memref_slice %arg6[%dma_wait3A_540, %dma_wait3A_541, %dma_wait3A_542] : memref<16x50x64xf32, #tpu.memory_space<vmem>> -> memref<1x50x64xf32, #tpu.memory_space<vmem>>
    %dma_wait3A_544 = tpu.memref_squeeze %dma_wait3A_543 : memref<1x50x64xf32, #tpu.memory_space<vmem>> -> memref<50x64xf32, #tpu.memory_space<vmem>>
    %dma_wait3A_545 = arith.constant 0 : i32
    %dma_wait3A_546 = tpu.memref_slice %arg5[%dma_wait3A_539, %dma_wait3A_545] : memref<512x50xi32, #tpu.memory_space<vmem>> -> memref<1x50xi32, #tpu.memory_space<vmem>>
    %dma_wait3A_547 = tpu.memref_squeeze %dma_wait3A_546 : memref<1x50xi32, #tpu.memory_space<vmem>> -> memref<50xi32, #tpu.memory_space<vmem>>
    %dma_wait3A_548 = arith.constant 0 : i32
    %dma_wait3A_549 = arith.constant 0 : i32
    %dma_wait3A_550 = tpu.memref_slice %arg2[%dma_wait3A_548, %dma_wait3A_549] : memref<1000000x64xf32, #tpu.memory_space<hbm>> -> memref<1000000x64xf32, #tpu.memory_space<hbm>>
    tpu.wait_indirect_dma semaphore(%arg7 : memref<!tpu.dma_semaphore, #tpu.memory_space<semaphore_mem>>) src(%dma_wait3A_550 : memref<1000000x64xf32, #tpu.memory_space<hbm>>) dst(%dma_wait3A_544 : memref<50x64xf32, #tpu.memory_space<vmem>>)
    %add3A_551 = arith.constant 507 : i32
    %add3A_552 = arith.addi %mul3A_2, %add3A_551 : i32
    %dma_start3A_553 = arith.constant 11 : i32
    %dma_start3A_554 = arith.constant 0 : i32
    %dma_start3A_555 = arith.constant 0 : i32
    %dma_start3A_556 = tpu.memref_slice %arg6[%dma_start3A_553, %dma_start3A_554, %dma_start3A_555] : memref<16x50x64xf32, #tpu.memory_space<vmem>> -> memref<1x50x64xf32, #tpu.memory_space<vmem>>
    %dma_start3A_557 = tpu.memref_squeeze %dma_start3A_556 : memref<1x50x64xf32, #tpu.memory_space<vmem>> -> memref<50x64xf32, #tpu.memory_space<vmem>>
    %dma_start3A_558 = arith.constant 0 : i32
    %dma_start3A_559 = arith.constant 0 : i32
    %dma_start3A_560 = tpu.memref_slice %arg4[%add3A_552, %dma_start3A_558, %dma_start3A_559] : memref<16384x56x128xf32, #tpu.memory_space<hbm>> -> memref<1x50x64xf32, #tpu.memory_space<hbm>>
    %dma_start3A_561 = tpu.memref_squeeze %dma_start3A_560 : memref<1x50x64xf32, #tpu.memory_space<hbm>> -> memref<50x64xf32, #tpu.memory_space<hbm>>
    %dma_start3A_562 = arith.constant 0 : i32
    %dma_start3A_563 = arith.constant 0 : i32
    %dma_start3A_564 = tpu.memref_slice %arg4[%add3A_552, %dma_start3A_562, %dma_start3A_563] : memref<16384x56x128xf32, #tpu.memory_space<hbm>> -> memref<1x50x64xf32, #tpu.memory_space<hbm>>
    %dma_start3A_565 = tpu.memref_squeeze %dma_start3A_564 : memref<1x50x64xf32, #tpu.memory_space<hbm>> -> memref<50x64xf32, #tpu.memory_space<hbm>>
    %dma_start3A_566 = arith.constant 0 : i32
    %dma_start3A_567 = arith.constant 0 : i32
    %dma_start3A_568 = tpu.memref_slice %arg6[%dma_start3A_553, %dma_start3A_566, %dma_start3A_567] : memref<16x50x64xf32, #tpu.memory_space<vmem>> -> memref<1x50x64xf32, #tpu.memory_space<vmem>>
    %dma_start3A_569 = tpu.memref_squeeze %dma_start3A_568 : memref<1x50x64xf32, #tpu.memory_space<vmem>> -> memref<50x64xf32, #tpu.memory_space<vmem>>
    tpu.enqueue_dma source(%dma_start3A_569 : memref<50x64xf32, #tpu.memory_space<vmem>>) target(%dma_start3A_565 : memref<50x64xf32, #tpu.memory_space<hbm>>) target_semaphore(%arg8 : memref<!tpu.dma_semaphore, #tpu.memory_space<semaphore_mem>>)
    %dma_wait3A_570 = arith.constant 508 : i32
    %dma_wait3A_571 = arith.constant 12 : i32
    %dma_wait3A_572 = arith.constant 0 : i32
    %dma_wait3A_573 = arith.constant 0 : i32
    %dma_wait3A_574 = tpu.memref_slice %arg6[%dma_wait3A_571, %dma_wait3A_572, %dma_wait3A_573] : memref<16x50x64xf32, #tpu.memory_space<vmem>> -> memref<1x50x64xf32, #tpu.memory_space<vmem>>
    %dma_wait3A_575 = tpu.memref_squeeze %dma_wait3A_574 : memref<1x50x64xf32, #tpu.memory_space<vmem>> -> memref<50x64xf32, #tpu.memory_space<vmem>>
    %dma_wait3A_576 = arith.constant 0 : i32
    %dma_wait3A_577 = tpu.memref_slice %arg5[%dma_wait3A_570, %dma_wait3A_576] : memref<512x50xi32, #tpu.memory_space<vmem>> -> memref<1x50xi32, #tpu.memory_space<vmem>>
    %dma_wait3A_578 = tpu.memref_squeeze %dma_wait3A_577 : memref<1x50xi32, #tpu.memory_space<vmem>> -> memref<50xi32, #tpu.memory_space<vmem>>
    %dma_wait3A_579 = arith.constant 0 : i32
    %dma_wait3A_580 = arith.constant 0 : i32
    %dma_wait3A_581 = tpu.memref_slice %arg2[%dma_wait3A_579, %dma_wait3A_580] : memref<1000000x64xf32, #tpu.memory_space<hbm>> -> memref<1000000x64xf32, #tpu.memory_space<hbm>>
    tpu.wait_indirect_dma semaphore(%arg7 : memref<!tpu.dma_semaphore, #tpu.memory_space<semaphore_mem>>) src(%dma_wait3A_581 : memref<1000000x64xf32, #tpu.memory_space<hbm>>) dst(%dma_wait3A_575 : memref<50x64xf32, #tpu.memory_space<vmem>>)
    %add3A_582 = arith.constant 508 : i32
    %add3A_583 = arith.addi %mul3A_2, %add3A_582 : i32
    %dma_start3A_584 = arith.constant 12 : i32
    %dma_start3A_585 = arith.constant 0 : i32
    %dma_start3A_586 = arith.constant 0 : i32
    %dma_start3A_587 = tpu.memref_slice %arg6[%dma_start3A_584, %dma_start3A_585, %dma_start3A_586] : memref<16x50x64xf32, #tpu.memory_space<vmem>> -> memref<1x50x64xf32, #tpu.memory_space<vmem>>
    %dma_start3A_588 = tpu.memref_squeeze %dma_start3A_587 : memref<1x50x64xf32, #tpu.memory_space<vmem>> -> memref<50x64xf32, #tpu.memory_space<vmem>>
    %dma_start3A_589 = arith.constant 0 : i32
    %dma_start3A_590 = arith.constant 0 : i32
    %dma_start3A_591 = tpu.memref_slice %arg4[%add3A_583, %dma_start3A_589, %dma_start3A_590] : memref<16384x56x128xf32, #tpu.memory_space<hbm>> -> memref<1x50x64xf32, #tpu.memory_space<hbm>>
    %dma_start3A_592 = tpu.memref_squeeze %dma_start3A_591 : memref<1x50x64xf32, #tpu.memory_space<hbm>> -> memref<50x64xf32, #tpu.memory_space<hbm>>
    %dma_start3A_593 = arith.constant 0 : i32
    %dma_start3A_594 = arith.constant 0 : i32
    %dma_start3A_595 = tpu.memref_slice %arg4[%add3A_583, %dma_start3A_593, %dma_start3A_594] : memref<16384x56x128xf32, #tpu.memory_space<hbm>> -> memref<1x50x64xf32, #tpu.memory_space<hbm>>
    %dma_start3A_596 = tpu.memref_squeeze %dma_start3A_595 : memref<1x50x64xf32, #tpu.memory_space<hbm>> -> memref<50x64xf32, #tpu.memory_space<hbm>>
    %dma_start3A_597 = arith.constant 0 : i32
    %dma_start3A_598 = arith.constant 0 : i32
    %dma_start3A_599 = tpu.memref_slice %arg6[%dma_start3A_584, %dma_start3A_597, %dma_start3A_598] : memref<16x50x64xf32, #tpu.memory_space<vmem>> -> memref<1x50x64xf32, #tpu.memory_space<vmem>>
    %dma_start3A_600 = tpu.memref_squeeze %dma_start3A_599 : memref<1x50x64xf32, #tpu.memory_space<vmem>> -> memref<50x64xf32, #tpu.memory_space<vmem>>
    tpu.enqueue_dma source(%dma_start3A_600 : memref<50x64xf32, #tpu.memory_space<vmem>>) target(%dma_start3A_596 : memref<50x64xf32, #tpu.memory_space<hbm>>) target_semaphore(%arg8 : memref<!tpu.dma_semaphore, #tpu.memory_space<semaphore_mem>>)
    %dma_wait3A_601 = arith.constant 509 : i32
    %dma_wait3A_602 = arith.constant 13 : i32
    %dma_wait3A_603 = arith.constant 0 : i32
    %dma_wait3A_604 = arith.constant 0 : i32
    %dma_wait3A_605 = tpu.memref_slice %arg6[%dma_wait3A_602, %dma_wait3A_603, %dma_wait3A_604] : memref<16x50x64xf32, #tpu.memory_space<vmem>> -> memref<1x50x64xf32, #tpu.memory_space<vmem>>
    %dma_wait3A_606 = tpu.memref_squeeze %dma_wait3A_605 : memref<1x50x64xf32, #tpu.memory_space<vmem>> -> memref<50x64xf32, #tpu.memory_space<vmem>>
    %dma_wait3A_607 = arith.constant 0 : i32
    %dma_wait3A_608 = tpu.memref_slice %arg5[%dma_wait3A_601, %dma_wait3A_607] : memref<512x50xi32, #tpu.memory_space<vmem>> -> memref<1x50xi32, #tpu.memory_space<vmem>>
    %dma_wait3A_609 = tpu.memref_squeeze %dma_wait3A_608 : memref<1x50xi32, #tpu.memory_space<vmem>> -> memref<50xi32, #tpu.memory_space<vmem>>
    %dma_wait3A_610 = arith.constant 0 : i32
    %dma_wait3A_611 = arith.constant 0 : i32
    %dma_wait3A_612 = tpu.memref_slice %arg2[%dma_wait3A_610, %dma_wait3A_611] : memref<1000000x64xf32, #tpu.memory_space<hbm>> -> memref<1000000x64xf32, #tpu.memory_space<hbm>>
    tpu.wait_indirect_dma semaphore(%arg7 : memref<!tpu.dma_semaphore, #tpu.memory_space<semaphore_mem>>) src(%dma_wait3A_612 : memref<1000000x64xf32, #tpu.memory_space<hbm>>) dst(%dma_wait3A_606 : memref<50x64xf32, #tpu.memory_space<vmem>>)
    %add3A_613 = arith.constant 509 : i32
    %add3A_614 = arith.addi %mul3A_2, %add3A_613 : i32
    %dma_start3A_615 = arith.constant 13 : i32
    %dma_start3A_616 = arith.constant 0 : i32
    %dma_start3A_617 = arith.constant 0 : i32
    %dma_start3A_618 = tpu.memref_slice %arg6[%dma_start3A_615, %dma_start3A_616, %dma_start3A_617] : memref<16x50x64xf32, #tpu.memory_space<vmem>> -> memref<1x50x64xf32, #tpu.memory_space<vmem>>
    %dma_start3A_619 = tpu.memref_squeeze %dma_start3A_618 : memref<1x50x64xf32, #tpu.memory_space<vmem>> -> memref<50x64xf32, #tpu.memory_space<vmem>>
    %dma_start3A_620 = arith.constant 0 : i32
    %dma_start3A_621 = arith.constant 0 : i32
    %dma_start3A_622 = tpu.memref_slice %arg4[%add3A_614, %dma_start3A_620, %dma_start3A_621] : memref<16384x56x128xf32, #tpu.memory_space<hbm>> -> memref<1x50x64xf32, #tpu.memory_space<hbm>>
    %dma_start3A_623 = tpu.memref_squeeze %dma_start3A_622 : memref<1x50x64xf32, #tpu.memory_space<hbm>> -> memref<50x64xf32, #tpu.memory_space<hbm>>
    %dma_start3A_624 = arith.constant 0 : i32
    %dma_start3A_625 = arith.constant 0 : i32
    %dma_start3A_626 = tpu.memref_slice %arg4[%add3A_614, %dma_start3A_624, %dma_start3A_625] : memref<16384x56x128xf32, #tpu.memory_space<hbm>> -> memref<1x50x64xf32, #tpu.memory_space<hbm>>
    %dma_start3A_627 = tpu.memref_squeeze %dma_start3A_626 : memref<1x50x64xf32, #tpu.memory_space<hbm>> -> memref<50x64xf32, #tpu.memory_space<hbm>>
    %dma_start3A_628 = arith.constant 0 : i32
    %dma_start3A_629 = arith.constant 0 : i32
    %dma_start3A_630 = tpu.memref_slice %arg6[%dma_start3A_615, %dma_start3A_628, %dma_start3A_629] : memref<16x50x64xf32, #tpu.memory_space<vmem>> -> memref<1x50x64xf32, #tpu.memory_space<vmem>>
    %dma_start3A_631 = tpu.memref_squeeze %dma_start3A_630 : memref<1x50x64xf32, #tpu.memory_space<vmem>> -> memref<50x64xf32, #tpu.memory_space<vmem>>
    tpu.enqueue_dma source(%dma_start3A_631 : memref<50x64xf32, #tpu.memory_space<vmem>>) target(%dma_start3A_627 : memref<50x64xf32, #tpu.memory_space<hbm>>) target_semaphore(%arg8 : memref<!tpu.dma_semaphore, #tpu.memory_space<semaphore_mem>>)
    %dma_wait3A_632 = arith.constant 510 : i32
    %dma_wait3A_633 = arith.constant 14 : i32
    %dma_wait3A_634 = arith.constant 0 : i32
    %dma_wait3A_635 = arith.constant 0 : i32
    %dma_wait3A_636 = tpu.memref_slice %arg6[%dma_wait3A_633, %dma_wait3A_634, %dma_wait3A_635] : memref<16x50x64xf32, #tpu.memory_space<vmem>> -> memref<1x50x64xf32, #tpu.memory_space<vmem>>
    %dma_wait3A_637 = tpu.memref_squeeze %dma_wait3A_636 : memref<1x50x64xf32, #tpu.memory_space<vmem>> -> memref<50x64xf32, #tpu.memory_space<vmem>>
    %dma_wait3A_638 = arith.constant 0 : i32
    %dma_wait3A_639 = tpu.memref_slice %arg5[%dma_wait3A_632, %dma_wait3A_638] : memref<512x50xi32, #tpu.memory_space<vmem>> -> memref<1x50xi32, #tpu.memory_space<vmem>>
    %dma_wait3A_640 = tpu.memref_squeeze %dma_wait3A_639 : memref<1x50xi32, #tpu.memory_space<vmem>> -> memref<50xi32, #tpu.memory_space<vmem>>
    %dma_wait3A_641 = arith.constant 0 : i32
    %dma_wait3A_642 = arith.constant 0 : i32
    %dma_wait3A_643 = tpu.memref_slice %arg2[%dma_wait3A_641, %dma_wait3A_642] : memref<1000000x64xf32, #tpu.memory_space<hbm>> -> memref<1000000x64xf32, #tpu.memory_space<hbm>>
    tpu.wait_indirect_dma semaphore(%arg7 : memref<!tpu.dma_semaphore, #tpu.memory_space<semaphore_mem>>) src(%dma_wait3A_643 : memref<1000000x64xf32, #tpu.memory_space<hbm>>) dst(%dma_wait3A_637 : memref<50x64xf32, #tpu.memory_space<vmem>>)
    %add3A_644 = arith.constant 510 : i32
    %add3A_645 = arith.addi %mul3A_2, %add3A_644 : i32
    %dma_start3A_646 = arith.constant 14 : i32
    %dma_start3A_647 = arith.constant 0 : i32
    %dma_start3A_648 = arith.constant 0 : i32
    %dma_start3A_649 = tpu.memref_slice %arg6[%dma_start3A_646, %dma_start3A_647, %dma_start3A_648] : memref<16x50x64xf32, #tpu.memory_space<vmem>> -> memref<1x50x64xf32, #tpu.memory_space<vmem>>
    %dma_start3A_650 = tpu.memref_squeeze %dma_start3A_649 : memref<1x50x64xf32, #tpu.memory_space<vmem>> -> memref<50x64xf32, #tpu.memory_space<vmem>>
    %dma_start3A_651 = arith.constant 0 : i32
    %dma_start3A_652 = arith.constant 0 : i32
    %dma_start3A_653 = tpu.memref_slice %arg4[%add3A_645, %dma_start3A_651, %dma_start3A_652] : memref<16384x56x128xf32, #tpu.memory_space<hbm>> -> memref<1x50x64xf32, #tpu.memory_space<hbm>>
    %dma_start3A_654 = tpu.memref_squeeze %dma_start3A_653 : memref<1x50x64xf32, #tpu.memory_space<hbm>> -> memref<50x64xf32, #tpu.memory_space<hbm>>
    %dma_start3A_655 = arith.constant 0 : i32
    %dma_start3A_656 = arith.constant 0 : i32
    %dma_start3A_657 = tpu.memref_slice %arg4[%add3A_645, %dma_start3A_655, %dma_start3A_656] : memref<16384x56x128xf32, #tpu.memory_space<hbm>> -> memref<1x50x64xf32, #tpu.memory_space<hbm>>
    %dma_start3A_658 = tpu.memref_squeeze %dma_start3A_657 : memref<1x50x64xf32, #tpu.memory_space<hbm>> -> memref<50x64xf32, #tpu.memory_space<hbm>>
    %dma_start3A_659 = arith.constant 0 : i32
    %dma_start3A_660 = arith.constant 0 : i32
    %dma_start3A_661 = tpu.memref_slice %arg6[%dma_start3A_646, %dma_start3A_659, %dma_start3A_660] : memref<16x50x64xf32, #tpu.memory_space<vmem>> -> memref<1x50x64xf32, #tpu.memory_space<vmem>>
    %dma_start3A_662 = tpu.memref_squeeze %dma_start3A_661 : memref<1x50x64xf32, #tpu.memory_space<vmem>> -> memref<50x64xf32, #tpu.memory_space<vmem>>
    tpu.enqueue_dma source(%dma_start3A_662 : memref<50x64xf32, #tpu.memory_space<vmem>>) target(%dma_start3A_658 : memref<50x64xf32, #tpu.memory_space<hbm>>) target_semaphore(%arg8 : memref<!tpu.dma_semaphore, #tpu.memory_space<semaphore_mem>>)
    %dma_wait3A_663 = arith.constant 511 : i32
    %dma_wait3A_664 = arith.constant 15 : i32
    %dma_wait3A_665 = arith.constant 0 : i32
    %dma_wait3A_666 = arith.constant 0 : i32
    %dma_wait3A_667 = tpu.memref_slice %arg6[%dma_wait3A_664, %dma_wait3A_665, %dma_wait3A_666] : memref<16x50x64xf32, #tpu.memory_space<vmem>> -> memref<1x50x64xf32, #tpu.memory_space<vmem>>
    %dma_wait3A_668 = tpu.memref_squeeze %dma_wait3A_667 : memref<1x50x64xf32, #tpu.memory_space<vmem>> -> memref<50x64xf32, #tpu.memory_space<vmem>>
    %dma_wait3A_669 = arith.constant 0 : i32
    %dma_wait3A_670 = tpu.memref_slice %arg5[%dma_wait3A_663, %dma_wait3A_669] : memref<512x50xi32, #tpu.memory_space<vmem>> -> memref<1x50xi32, #tpu.memory_space<vmem>>
    %dma_wait3A_671 = tpu.memref_squeeze %dma_wait3A_670 : memref<1x50xi32, #tpu.memory_space<vmem>> -> memref<50xi32, #tpu.memory_space<vmem>>
    %dma_wait3A_672 = arith.constant 0 : i32
    %dma_wait3A_673 = arith.constant 0 : i32
    %dma_wait3A_674 = tpu.memref_slice %arg2[%dma_wait3A_672, %dma_wait3A_673] : memref<1000000x64xf32, #tpu.memory_space<hbm>> -> memref<1000000x64xf32, #tpu.memory_space<hbm>>
    tpu.wait_indirect_dma semaphore(%arg7 : memref<!tpu.dma_semaphore, #tpu.memory_space<semaphore_mem>>) src(%dma_wait3A_674 : memref<1000000x64xf32, #tpu.memory_space<hbm>>) dst(%dma_wait3A_668 : memref<50x64xf32, #tpu.memory_space<vmem>>)
    %add3A_675 = arith.constant 511 : i32
    %add3A_676 = arith.addi %mul3A_2, %add3A_675 : i32
    %dma_start3A_677 = arith.constant 15 : i32
    %dma_start3A_678 = arith.constant 0 : i32
    %dma_start3A_679 = arith.constant 0 : i32
    %dma_start3A_680 = tpu.memref_slice %arg6[%dma_start3A_677, %dma_start3A_678, %dma_start3A_679] : memref<16x50x64xf32, #tpu.memory_space<vmem>> -> memref<1x50x64xf32, #tpu.memory_space<vmem>>
    %dma_start3A_681 = tpu.memref_squeeze %dma_start3A_680 : memref<1x50x64xf32, #tpu.memory_space<vmem>> -> memref<50x64xf32, #tpu.memory_space<vmem>>
    %dma_start3A_682 = arith.constant 0 : i32
    %dma_start3A_683 = arith.constant 0 : i32
    %dma_start3A_684 = tpu.memref_slice %arg4[%add3A_676, %dma_start3A_682, %dma_start3A_683] : memref<16384x56x128xf32, #tpu.memory_space<hbm>> -> memref<1x50x64xf32, #tpu.memory_space<hbm>>
    %dma_start3A_685 = tpu.memref_squeeze %dma_start3A_684 : memref<1x50x64xf32, #tpu.memory_space<hbm>> -> memref<50x64xf32, #tpu.memory_space<hbm>>
    %dma_start3A_686 = arith.constant 0 : i32
    %dma_start3A_687 = arith.constant 0 : i32
    %dma_start3A_688 = tpu.memref_slice %arg4[%add3A_676, %dma_start3A_686, %dma_start3A_687] : memref<16384x56x128xf32, #tpu.memory_space<hbm>> -> memref<1x50x64xf32, #tpu.memory_space<hbm>>
    %dma_start3A_689 = tpu.memref_squeeze %dma_start3A_688 : memref<1x50x64xf32, #tpu.memory_space<hbm>> -> memref<50x64xf32, #tpu.memory_space<hbm>>
    %dma_start3A_690 = arith.constant 0 : i32
    %dma_start3A_691 = arith.constant 0 : i32
    %dma_start3A_692 = tpu.memref_slice %arg6[%dma_start3A_677, %dma_start3A_690, %dma_start3A_691] : memref<16x50x64xf32, #tpu.memory_space<vmem>> -> memref<1x50x64xf32, #tpu.memory_space<vmem>>
    %dma_start3A_693 = tpu.memref_squeeze %dma_start3A_692 : memref<1x50x64xf32, #tpu.memory_space<vmem>> -> memref<50x64xf32, #tpu.memory_space<vmem>>
    tpu.enqueue_dma source(%dma_start3A_693 : memref<50x64xf32, #tpu.memory_space<vmem>>) target(%dma_start3A_689 : memref<50x64xf32, #tpu.memory_space<hbm>>) target_semaphore(%arg8 : memref<!tpu.dma_semaphore, #tpu.memory_space<semaphore_mem>>)
    %add3A_694 = arith.constant 496 : i32
    %add3A_695 = arith.addi %mul3A_2, %add3A_694 : i32
    %dma_wait3A_696 = arith.constant 0 : i32
    %dma_wait3A_697 = arith.constant 0 : i32
    %dma_wait3A_698 = arith.constant 0 : i32
    %dma_wait3A_699 = tpu.memref_slice %arg6[%dma_wait3A_696, %dma_wait3A_697, %dma_wait3A_698] : memref<16x50x64xf32, #tpu.memory_space<vmem>> -> memref<1x50x64xf32, #tpu.memory_space<vmem>>
    %dma_wait3A_700 = tpu.memref_squeeze %dma_wait3A_699 : memref<1x50x64xf32, #tpu.memory_space<vmem>> -> memref<50x64xf32, #tpu.memory_space<vmem>>
    %dma_wait3A_701 = arith.constant 0 : i32
    %dma_wait3A_702 = arith.constant 0 : i32
    %dma_wait3A_703 = tpu.memref_slice %arg4[%add3A_695, %dma_wait3A_701, %dma_wait3A_702] : memref<16384x56x128xf32, #tpu.memory_space<hbm>> -> memref<1x50x64xf32, #tpu.memory_space<hbm>>
    %dma_wait3A_704 = tpu.memref_squeeze %dma_wait3A_703 : memref<1x50x64xf32, #tpu.memory_space<hbm>> -> memref<50x64xf32, #tpu.memory_space<hbm>>
    %dma_wait3A_705 = arith.constant 0 : i32
    %dma_wait3A_706 = arith.constant 0 : i32
    %dma_wait3A_707 = tpu.memref_slice %arg4[%add3A_695, %dma_wait3A_705, %dma_wait3A_706] : memref<16384x56x128xf32, #tpu.memory_space<hbm>> -> memref<1x50x64xf32, #tpu.memory_space<hbm>>
    %dma_wait3A_708 = tpu.memref_squeeze %dma_wait3A_707 : memref<1x50x64xf32, #tpu.memory_space<hbm>> -> memref<50x64xf32, #tpu.memory_space<hbm>>
    %dma_wait3A_709 = arith.constant 0 : i32
    %dma_wait3A_710 = arith.constant 0 : i32
    %dma_wait3A_711 = tpu.memref_slice %arg6[%dma_wait3A_696, %dma_wait3A_709, %dma_wait3A_710] : memref<16x50x64xf32, #tpu.memory_space<vmem>> -> memref<1x50x64xf32, #tpu.memory_space<vmem>>
    %dma_wait3A_712 = tpu.memref_squeeze %dma_wait3A_711 : memref<1x50x64xf32, #tpu.memory_space<vmem>> -> memref<50x64xf32, #tpu.memory_space<vmem>>
    tpu.wait_dma2 semaphore(%arg8 : memref<!tpu.dma_semaphore, #tpu.memory_space<semaphore_mem>>) src(%dma_wait3A_712 : memref<50x64xf32, #tpu.memory_space<vmem>>) dst(%dma_wait3A_708 : memref<50x64xf32, #tpu.memory_space<hbm>>)
    %add3A_713 = arith.constant 497 : i32
    %add3A_714 = arith.addi %mul3A_2, %add3A_713 : i32
    %dma_wait3A_715 = arith.constant 1 : i32
    %dma_wait3A_716 = arith.constant 0 : i32
    %dma_wait3A_717 = arith.constant 0 : i32
    %dma_wait3A_718 = tpu.memref_slice %arg6[%dma_wait3A_715, %dma_wait3A_716, %dma_wait3A_717] : memref<16x50x64xf32, #tpu.memory_space<vmem>> -> memref<1x50x64xf32, #tpu.memory_space<vmem>>
    %dma_wait3A_719 = tpu.memref_squeeze %dma_wait3A_718 : memref<1x50x64xf32, #tpu.memory_space<vmem>> -> memref<50x64xf32, #tpu.memory_space<vmem>>
    %dma_wait3A_720 = arith.constant 0 : i32
    %dma_wait3A_721 = arith.constant 0 : i32
    %dma_wait3A_722 = tpu.memref_slice %arg4[%add3A_714, %dma_wait3A_720, %dma_wait3A_721] : memref<16384x56x128xf32, #tpu.memory_space<hbm>> -> memref<1x50x64xf32, #tpu.memory_space<hbm>>
    %dma_wait3A_723 = tpu.memref_squeeze %dma_wait3A_722 : memref<1x50x64xf32, #tpu.memory_space<hbm>> -> memref<50x64xf32, #tpu.memory_space<hbm>>
    %dma_wait3A_724 = arith.constant 0 : i32
    %dma_wait3A_725 = arith.constant 0 : i32
    %dma_wait3A_726 = tpu.memref_slice %arg4[%add3A_714, %dma_wait3A_724, %dma_wait3A_725] : memref<16384x56x128xf32, #tpu.memory_space<hbm>> -> memref<1x50x64xf32, #tpu.memory_space<hbm>>
    %dma_wait3A_727 = tpu.memref_squeeze %dma_wait3A_726 : memref<1x50x64xf32, #tpu.memory_space<hbm>> -> memref<50x64xf32, #tpu.memory_space<hbm>>
    %dma_wait3A_728 = arith.constant 0 : i32
    %dma_wait3A_729 = arith.constant 0 : i32
    %dma_wait3A_730 = tpu.memref_slice %arg6[%dma_wait3A_715, %dma_wait3A_728, %dma_wait3A_729] : memref<16x50x64xf32, #tpu.memory_space<vmem>> -> memref<1x50x64xf32, #tpu.memory_space<vmem>>
    %dma_wait3A_731 = tpu.memref_squeeze %dma_wait3A_730 : memref<1x50x64xf32, #tpu.memory_space<vmem>> -> memref<50x64xf32, #tpu.memory_space<vmem>>
    tpu.wait_dma2 semaphore(%arg8 : memref<!tpu.dma_semaphore, #tpu.memory_space<semaphore_mem>>) src(%dma_wait3A_731 : memref<50x64xf32, #tpu.memory_space<vmem>>) dst(%dma_wait3A_727 : memref<50x64xf32, #tpu.memory_space<hbm>>)
    %add3A_732 = arith.constant 498 : i32
    %add3A_733 = arith.addi %mul3A_2, %add3A_732 : i32
    %dma_wait3A_734 = arith.constant 2 : i32
    %dma_wait3A_735 = arith.constant 0 : i32
    %dma_wait3A_736 = arith.constant 0 : i32
    %dma_wait3A_737 = tpu.memref_slice %arg6[%dma_wait3A_734, %dma_wait3A_735, %dma_wait3A_736] : memref<16x50x64xf32, #tpu.memory_space<vmem>> -> memref<1x50x64xf32, #tpu.memory_space<vmem>>
    %dma_wait3A_738 = tpu.memref_squeeze %dma_wait3A_737 : memref<1x50x64xf32, #tpu.memory_space<vmem>> -> memref<50x64xf32, #tpu.memory_space<vmem>>
    %dma_wait3A_739 = arith.constant 0 : i32
    %dma_wait3A_740 = arith.constant 0 : i32
    %dma_wait3A_741 = tpu.memref_slice %arg4[%add3A_733, %dma_wait3A_739, %dma_wait3A_740] : memref<16384x56x128xf32, #tpu.memory_space<hbm>> -> memref<1x50x64xf32, #tpu.memory_space<hbm>>
    %dma_wait3A_742 = tpu.memref_squeeze %dma_wait3A_741 : memref<1x50x64xf32, #tpu.memory_space<hbm>> -> memref<50x64xf32, #tpu.memory_space<hbm>>
    %dma_wait3A_743 = arith.constant 0 : i32
    %dma_wait3A_744 = arith.constant 0 : i32
    %dma_wait3A_745 = tpu.memref_slice %arg4[%add3A_733, %dma_wait3A_743, %dma_wait3A_744] : memref<16384x56x128xf32, #tpu.memory_space<hbm>> -> memref<1x50x64xf32, #tpu.memory_space<hbm>>
    %dma_wait3A_746 = tpu.memref_squeeze %dma_wait3A_745 : memref<1x50x64xf32, #tpu.memory_space<hbm>> -> memref<50x64xf32, #tpu.memory_space<hbm>>
    %dma_wait3A_747 = arith.constant 0 : i32
    %dma_wait3A_748 = arith.constant 0 : i32
    %dma_wait3A_749 = tpu.memref_slice %arg6[%dma_wait3A_734, %dma_wait3A_747, %dma_wait3A_748] : memref<16x50x64xf32, #tpu.memory_space<vmem>> -> memref<1x50x64xf32, #tpu.memory_space<vmem>>
    %dma_wait3A_750 = tpu.memref_squeeze %dma_wait3A_749 : memref<1x50x64xf32, #tpu.memory_space<vmem>> -> memref<50x64xf32, #tpu.memory_space<vmem>>
    tpu.wait_dma2 semaphore(%arg8 : memref<!tpu.dma_semaphore, #tpu.memory_space<semaphore_mem>>) src(%dma_wait3A_750 : memref<50x64xf32, #tpu.memory_space<vmem>>) dst(%dma_wait3A_746 : memref<50x64xf32, #tpu.memory_space<hbm>>)
    %add3A_751 = arith.constant 499 : i32
    %add3A_752 = arith.addi %mul3A_2, %add3A_751 : i32
    %dma_wait3A_753 = arith.constant 3 : i32
    %dma_wait3A_754 = arith.constant 0 : i32
    %dma_wait3A_755 = arith.constant 0 : i32
    %dma_wait3A_756 = tpu.memref_slice %arg6[%dma_wait3A_753, %dma_wait3A_754, %dma_wait3A_755] : memref<16x50x64xf32, #tpu.memory_space<vmem>> -> memref<1x50x64xf32, #tpu.memory_space<vmem>>
    %dma_wait3A_757 = tpu.memref_squeeze %dma_wait3A_756 : memref<1x50x64xf32, #tpu.memory_space<vmem>> -> memref<50x64xf32, #tpu.memory_space<vmem>>
    %dma_wait3A_758 = arith.constant 0 : i32
    %dma_wait3A_759 = arith.constant 0 : i32
    %dma_wait3A_760 = tpu.memref_slice %arg4[%add3A_752, %dma_wait3A_758, %dma_wait3A_759] : memref<16384x56x128xf32, #tpu.memory_space<hbm>> -> memref<1x50x64xf32, #tpu.memory_space<hbm>>
    %dma_wait3A_761 = tpu.memref_squeeze %dma_wait3A_760 : memref<1x50x64xf32, #tpu.memory_space<hbm>> -> memref<50x64xf32, #tpu.memory_space<hbm>>
    %dma_wait3A_762 = arith.constant 0 : i32
    %dma_wait3A_763 = arith.constant 0 : i32
    %dma_wait3A_764 = tpu.memref_slice %arg4[%add3A_752, %dma_wait3A_762, %dma_wait3A_763] : memref<16384x56x128xf32, #tpu.memory_space<hbm>> -> memref<1x50x64xf32, #tpu.memory_space<hbm>>
    %dma_wait3A_765 = tpu.memref_squeeze %dma_wait3A_764 : memref<1x50x64xf32, #tpu.memory_space<hbm>> -> memref<50x64xf32, #tpu.memory_space<hbm>>
    %dma_wait3A_766 = arith.constant 0 : i32
    %dma_wait3A_767 = arith.constant 0 : i32
    %dma_wait3A_768 = tpu.memref_slice %arg6[%dma_wait3A_753, %dma_wait3A_766, %dma_wait3A_767] : memref<16x50x64xf32, #tpu.memory_space<vmem>> -> memref<1x50x64xf32, #tpu.memory_space<vmem>>
    %dma_wait3A_769 = tpu.memref_squeeze %dma_wait3A_768 : memref<1x50x64xf32, #tpu.memory_space<vmem>> -> memref<50x64xf32, #tpu.memory_space<vmem>>
    tpu.wait_dma2 semaphore(%arg8 : memref<!tpu.dma_semaphore, #tpu.memory_space<semaphore_mem>>) src(%dma_wait3A_769 : memref<50x64xf32, #tpu.memory_space<vmem>>) dst(%dma_wait3A_765 : memref<50x64xf32, #tpu.memory_space<hbm>>)
    %add3A_770 = arith.constant 500 : i32
    %add3A_771 = arith.addi %mul3A_2, %add3A_770 : i32
    %dma_wait3A_772 = arith.constant 4 : i32
    %dma_wait3A_773 = arith.constant 0 : i32
    %dma_wait3A_774 = arith.constant 0 : i32
    %dma_wait3A_775 = tpu.memref_slice %arg6[%dma_wait3A_772, %dma_wait3A_773, %dma_wait3A_774] : memref<16x50x64xf32, #tpu.memory_space<vmem>> -> memref<1x50x64xf32, #tpu.memory_space<vmem>>
    %dma_wait3A_776 = tpu.memref_squeeze %dma_wait3A_775 : memref<1x50x64xf32, #tpu.memory_space<vmem>> -> memref<50x64xf32, #tpu.memory_space<vmem>>
    %dma_wait3A_777 = arith.constant 0 : i32
    %dma_wait3A_778 = arith.constant 0 : i32
    %dma_wait3A_779 = tpu.memref_slice %arg4[%add3A_771, %dma_wait3A_777, %dma_wait3A_778] : memref<16384x56x128xf32, #tpu.memory_space<hbm>> -> memref<1x50x64xf32, #tpu.memory_space<hbm>>
    %dma_wait3A_780 = tpu.memref_squeeze %dma_wait3A_779 : memref<1x50x64xf32, #tpu.memory_space<hbm>> -> memref<50x64xf32, #tpu.memory_space<hbm>>
    %dma_wait3A_781 = arith.constant 0 : i32
    %dma_wait3A_782 = arith.constant 0 : i32
    %dma_wait3A_783 = tpu.memref_slice %arg4[%add3A_771, %dma_wait3A_781, %dma_wait3A_782] : memref<16384x56x128xf32, #tpu.memory_space<hbm>> -> memref<1x50x64xf32, #tpu.memory_space<hbm>>
    %dma_wait3A_784 = tpu.memref_squeeze %dma_wait3A_783 : memref<1x50x64xf32, #tpu.memory_space<hbm>> -> memref<50x64xf32, #tpu.memory_space<hbm>>
    %dma_wait3A_785 = arith.constant 0 : i32
    %dma_wait3A_786 = arith.constant 0 : i32
    %dma_wait3A_787 = tpu.memref_slice %arg6[%dma_wait3A_772, %dma_wait3A_785, %dma_wait3A_786] : memref<16x50x64xf32, #tpu.memory_space<vmem>> -> memref<1x50x64xf32, #tpu.memory_space<vmem>>
    %dma_wait3A_788 = tpu.memref_squeeze %dma_wait3A_787 : memref<1x50x64xf32, #tpu.memory_space<vmem>> -> memref<50x64xf32, #tpu.memory_space<vmem>>
    tpu.wait_dma2 semaphore(%arg8 : memref<!tpu.dma_semaphore, #tpu.memory_space<semaphore_mem>>) src(%dma_wait3A_788 : memref<50x64xf32, #tpu.memory_space<vmem>>) dst(%dma_wait3A_784 : memref<50x64xf32, #tpu.memory_space<hbm>>)
    %add3A_789 = arith.constant 501 : i32
    %add3A_790 = arith.addi %mul3A_2, %add3A_789 : i32
    %dma_wait3A_791 = arith.constant 5 : i32
    %dma_wait3A_792 = arith.constant 0 : i32
    %dma_wait3A_793 = arith.constant 0 : i32
    %dma_wait3A_794 = tpu.memref_slice %arg6[%dma_wait3A_791, %dma_wait3A_792, %dma_wait3A_793] : memref<16x50x64xf32, #tpu.memory_space<vmem>> -> memref<1x50x64xf32, #tpu.memory_space<vmem>>
    %dma_wait3A_795 = tpu.memref_squeeze %dma_wait3A_794 : memref<1x50x64xf32, #tpu.memory_space<vmem>> -> memref<50x64xf32, #tpu.memory_space<vmem>>
    %dma_wait3A_796 = arith.constant 0 : i32
    %dma_wait3A_797 = arith.constant 0 : i32
    %dma_wait3A_798 = tpu.memref_slice %arg4[%add3A_790, %dma_wait3A_796, %dma_wait3A_797] : memref<16384x56x128xf32, #tpu.memory_space<hbm>> -> memref<1x50x64xf32, #tpu.memory_space<hbm>>
    %dma_wait3A_799 = tpu.memref_squeeze %dma_wait3A_798 : memref<1x50x64xf32, #tpu.memory_space<hbm>> -> memref<50x64xf32, #tpu.memory_space<hbm>>
    %dma_wait3A_800 = arith.constant 0 : i32
    %dma_wait3A_801 = arith.constant 0 : i32
    %dma_wait3A_802 = tpu.memref_slice %arg4[%add3A_790, %dma_wait3A_800, %dma_wait3A_801] : memref<16384x56x128xf32, #tpu.memory_space<hbm>> -> memref<1x50x64xf32, #tpu.memory_space<hbm>>
    %dma_wait3A_803 = tpu.memref_squeeze %dma_wait3A_802 : memref<1x50x64xf32, #tpu.memory_space<hbm>> -> memref<50x64xf32, #tpu.memory_space<hbm>>
    %dma_wait3A_804 = arith.constant 0 : i32
    %dma_wait3A_805 = arith.constant 0 : i32
    %dma_wait3A_806 = tpu.memref_slice %arg6[%dma_wait3A_791, %dma_wait3A_804, %dma_wait3A_805] : memref<16x50x64xf32, #tpu.memory_space<vmem>> -> memref<1x50x64xf32, #tpu.memory_space<vmem>>
    %dma_wait3A_807 = tpu.memref_squeeze %dma_wait3A_806 : memref<1x50x64xf32, #tpu.memory_space<vmem>> -> memref<50x64xf32, #tpu.memory_space<vmem>>
    tpu.wait_dma2 semaphore(%arg8 : memref<!tpu.dma_semaphore, #tpu.memory_space<semaphore_mem>>) src(%dma_wait3A_807 : memref<50x64xf32, #tpu.memory_space<vmem>>) dst(%dma_wait3A_803 : memref<50x64xf32, #tpu.memory_space<hbm>>)
    %add3A_808 = arith.constant 502 : i32
    %add3A_809 = arith.addi %mul3A_2, %add3A_808 : i32
    %dma_wait3A_810 = arith.constant 6 : i32
    %dma_wait3A_811 = arith.constant 0 : i32
    %dma_wait3A_812 = arith.constant 0 : i32
    %dma_wait3A_813 = tpu.memref_slice %arg6[%dma_wait3A_810, %dma_wait3A_811, %dma_wait3A_812] : memref<16x50x64xf32, #tpu.memory_space<vmem>> -> memref<1x50x64xf32, #tpu.memory_space<vmem>>
    %dma_wait3A_814 = tpu.memref_squeeze %dma_wait3A_813 : memref<1x50x64xf32, #tpu.memory_space<vmem>> -> memref<50x64xf32, #tpu.memory_space<vmem>>
    %dma_wait3A_815 = arith.constant 0 : i32
    %dma_wait3A_816 = arith.constant 0 : i32
    %dma_wait3A_817 = tpu.memref_slice %arg4[%add3A_809, %dma_wait3A_815, %dma_wait3A_816] : memref<16384x56x128xf32, #tpu.memory_space<hbm>> -> memref<1x50x64xf32, #tpu.memory_space<hbm>>
    %dma_wait3A_818 = tpu.memref_squeeze %dma_wait3A_817 : memref<1x50x64xf32, #tpu.memory_space<hbm>> -> memref<50x64xf32, #tpu.memory_space<hbm>>
    %dma_wait3A_819 = arith.constant 0 : i32
    %dma_wait3A_820 = arith.constant 0 : i32
    %dma_wait3A_821 = tpu.memref_slice %arg4[%add3A_809, %dma_wait3A_819, %dma_wait3A_820] : memref<16384x56x128xf32, #tpu.memory_space<hbm>> -> memref<1x50x64xf32, #tpu.memory_space<hbm>>
    %dma_wait3A_822 = tpu.memref_squeeze %dma_wait3A_821 : memref<1x50x64xf32, #tpu.memory_space<hbm>> -> memref<50x64xf32, #tpu.memory_space<hbm>>
    %dma_wait3A_823 = arith.constant 0 : i32
    %dma_wait3A_824 = arith.constant 0 : i32
    %dma_wait3A_825 = tpu.memref_slice %arg6[%dma_wait3A_810, %dma_wait3A_823, %dma_wait3A_824] : memref<16x50x64xf32, #tpu.memory_space<vmem>> -> memref<1x50x64xf32, #tpu.memory_space<vmem>>
    %dma_wait3A_826 = tpu.memref_squeeze %dma_wait3A_825 : memref<1x50x64xf32, #tpu.memory_space<vmem>> -> memref<50x64xf32, #tpu.memory_space<vmem>>
    tpu.wait_dma2 semaphore(%arg8 : memref<!tpu.dma_semaphore, #tpu.memory_space<semaphore_mem>>) src(%dma_wait3A_826 : memref<50x64xf32, #tpu.memory_space<vmem>>) dst(%dma_wait3A_822 : memref<50x64xf32, #tpu.memory_space<hbm>>)
    %add3A_827 = arith.constant 503 : i32
    %add3A_828 = arith.addi %mul3A_2, %add3A_827 : i32
    %dma_wait3A_829 = arith.constant 7 : i32
    %dma_wait3A_830 = arith.constant 0 : i32
    %dma_wait3A_831 = arith.constant 0 : i32
    %dma_wait3A_832 = tpu.memref_slice %arg6[%dma_wait3A_829, %dma_wait3A_830, %dma_wait3A_831] : memref<16x50x64xf32, #tpu.memory_space<vmem>> -> memref<1x50x64xf32, #tpu.memory_space<vmem>>
    %dma_wait3A_833 = tpu.memref_squeeze %dma_wait3A_832 : memref<1x50x64xf32, #tpu.memory_space<vmem>> -> memref<50x64xf32, #tpu.memory_space<vmem>>
    %dma_wait3A_834 = arith.constant 0 : i32
    %dma_wait3A_835 = arith.constant 0 : i32
    %dma_wait3A_836 = tpu.memref_slice %arg4[%add3A_828, %dma_wait3A_834, %dma_wait3A_835] : memref<16384x56x128xf32, #tpu.memory_space<hbm>> -> memref<1x50x64xf32, #tpu.memory_space<hbm>>
    %dma_wait3A_837 = tpu.memref_squeeze %dma_wait3A_836 : memref<1x50x64xf32, #tpu.memory_space<hbm>> -> memref<50x64xf32, #tpu.memory_space<hbm>>
    %dma_wait3A_838 = arith.constant 0 : i32
    %dma_wait3A_839 = arith.constant 0 : i32
    %dma_wait3A_840 = tpu.memref_slice %arg4[%add3A_828, %dma_wait3A_838, %dma_wait3A_839] : memref<16384x56x128xf32, #tpu.memory_space<hbm>> -> memref<1x50x64xf32, #tpu.memory_space<hbm>>
    %dma_wait3A_841 = tpu.memref_squeeze %dma_wait3A_840 : memref<1x50x64xf32, #tpu.memory_space<hbm>> -> memref<50x64xf32, #tpu.memory_space<hbm>>
    %dma_wait3A_842 = arith.constant 0 : i32
    %dma_wait3A_843 = arith.constant 0 : i32
    %dma_wait3A_844 = tpu.memref_slice %arg6[%dma_wait3A_829, %dma_wait3A_842, %dma_wait3A_843] : memref<16x50x64xf32, #tpu.memory_space<vmem>> -> memref<1x50x64xf32, #tpu.memory_space<vmem>>
    %dma_wait3A_845 = tpu.memref_squeeze %dma_wait3A_844 : memref<1x50x64xf32, #tpu.memory_space<vmem>> -> memref<50x64xf32, #tpu.memory_space<vmem>>
    tpu.wait_dma2 semaphore(%arg8 : memref<!tpu.dma_semaphore, #tpu.memory_space<semaphore_mem>>) src(%dma_wait3A_845 : memref<50x64xf32, #tpu.memory_space<vmem>>) dst(%dma_wait3A_841 : memref<50x64xf32, #tpu.memory_space<hbm>>)
    %add3A_846 = arith.constant 504 : i32
    %add3A_847 = arith.addi %mul3A_2, %add3A_846 : i32
    %dma_wait3A_848 = arith.constant 8 : i32
    %dma_wait3A_849 = arith.constant 0 : i32
    %dma_wait3A_850 = arith.constant 0 : i32
    %dma_wait3A_851 = tpu.memref_slice %arg6[%dma_wait3A_848, %dma_wait3A_849, %dma_wait3A_850] : memref<16x50x64xf32, #tpu.memory_space<vmem>> -> memref<1x50x64xf32, #tpu.memory_space<vmem>>
    %dma_wait3A_852 = tpu.memref_squeeze %dma_wait3A_851 : memref<1x50x64xf32, #tpu.memory_space<vmem>> -> memref<50x64xf32, #tpu.memory_space<vmem>>
    %dma_wait3A_853 = arith.constant 0 : i32
    %dma_wait3A_854 = arith.constant 0 : i32
    %dma_wait3A_855 = tpu.memref_slice %arg4[%add3A_847, %dma_wait3A_853, %dma_wait3A_854] : memref<16384x56x128xf32, #tpu.memory_space<hbm>> -> memref<1x50x64xf32, #tpu.memory_space<hbm>>
    %dma_wait3A_856 = tpu.memref_squeeze %dma_wait3A_855 : memref<1x50x64xf32, #tpu.memory_space<hbm>> -> memref<50x64xf32, #tpu.memory_space<hbm>>
    %dma_wait3A_857 = arith.constant 0 : i32
    %dma_wait3A_858 = arith.constant 0 : i32
    %dma_wait3A_859 = tpu.memref_slice %arg4[%add3A_847, %dma_wait3A_857, %dma_wait3A_858] : memref<16384x56x128xf32, #tpu.memory_space<hbm>> -> memref<1x50x64xf32, #tpu.memory_space<hbm>>
    %dma_wait3A_860 = tpu.memref_squeeze %dma_wait3A_859 : memref<1x50x64xf32, #tpu.memory_space<hbm>> -> memref<50x64xf32, #tpu.memory_space<hbm>>
    %dma_wait3A_861 = arith.constant 0 : i32
    %dma_wait3A_862 = arith.constant 0 : i32
    %dma_wait3A_863 = tpu.memref_slice %arg6[%dma_wait3A_848, %dma_wait3A_861, %dma_wait3A_862] : memref<16x50x64xf32, #tpu.memory_space<vmem>> -> memref<1x50x64xf32, #tpu.memory_space<vmem>>
    %dma_wait3A_864 = tpu.memref_squeeze %dma_wait3A_863 : memref<1x50x64xf32, #tpu.memory_space<vmem>> -> memref<50x64xf32, #tpu.memory_space<vmem>>
    tpu.wait_dma2 semaphore(%arg8 : memref<!tpu.dma_semaphore, #tpu.memory_space<semaphore_mem>>) src(%dma_wait3A_864 : memref<50x64xf32, #tpu.memory_space<vmem>>) dst(%dma_wait3A_860 : memref<50x64xf32, #tpu.memory_space<hbm>>)
    %add3A_865 = arith.constant 505 : i32
    %add3A_866 = arith.addi %mul3A_2, %add3A_865 : i32
    %dma_wait3A_867 = arith.constant 9 : i32
    %dma_wait3A_868 = arith.constant 0 : i32
    %dma_wait3A_869 = arith.constant 0 : i32
    %dma_wait3A_870 = tpu.memref_slice %arg6[%dma_wait3A_867, %dma_wait3A_868, %dma_wait3A_869] : memref<16x50x64xf32, #tpu.memory_space<vmem>> -> memref<1x50x64xf32, #tpu.memory_space<vmem>>
    %dma_wait3A_871 = tpu.memref_squeeze %dma_wait3A_870 : memref<1x50x64xf32, #tpu.memory_space<vmem>> -> memref<50x64xf32, #tpu.memory_space<vmem>>
    %dma_wait3A_872 = arith.constant 0 : i32
    %dma_wait3A_873 = arith.constant 0 : i32
    %dma_wait3A_874 = tpu.memref_slice %arg4[%add3A_866, %dma_wait3A_872, %dma_wait3A_873] : memref<16384x56x128xf32, #tpu.memory_space<hbm>> -> memref<1x50x64xf32, #tpu.memory_space<hbm>>
    %dma_wait3A_875 = tpu.memref_squeeze %dma_wait3A_874 : memref<1x50x64xf32, #tpu.memory_space<hbm>> -> memref<50x64xf32, #tpu.memory_space<hbm>>
    %dma_wait3A_876 = arith.constant 0 : i32
    %dma_wait3A_877 = arith.constant 0 : i32
    %dma_wait3A_878 = tpu.memref_slice %arg4[%add3A_866, %dma_wait3A_876, %dma_wait3A_877] : memref<16384x56x128xf32, #tpu.memory_space<hbm>> -> memref<1x50x64xf32, #tpu.memory_space<hbm>>
    %dma_wait3A_879 = tpu.memref_squeeze %dma_wait3A_878 : memref<1x50x64xf32, #tpu.memory_space<hbm>> -> memref<50x64xf32, #tpu.memory_space<hbm>>
    %dma_wait3A_880 = arith.constant 0 : i32
    %dma_wait3A_881 = arith.constant 0 : i32
    %dma_wait3A_882 = tpu.memref_slice %arg6[%dma_wait3A_867, %dma_wait3A_880, %dma_wait3A_881] : memref<16x50x64xf32, #tpu.memory_space<vmem>> -> memref<1x50x64xf32, #tpu.memory_space<vmem>>
    %dma_wait3A_883 = tpu.memref_squeeze %dma_wait3A_882 : memref<1x50x64xf32, #tpu.memory_space<vmem>> -> memref<50x64xf32, #tpu.memory_space<vmem>>
    tpu.wait_dma2 semaphore(%arg8 : memref<!tpu.dma_semaphore, #tpu.memory_space<semaphore_mem>>) src(%dma_wait3A_883 : memref<50x64xf32, #tpu.memory_space<vmem>>) dst(%dma_wait3A_879 : memref<50x64xf32, #tpu.memory_space<hbm>>)
    %add3A_884 = arith.constant 506 : i32
    %add3A_885 = arith.addi %mul3A_2, %add3A_884 : i32
    %dma_wait3A_886 = arith.constant 10 : i32
    %dma_wait3A_887 = arith.constant 0 : i32
    %dma_wait3A_888 = arith.constant 0 : i32
    %dma_wait3A_889 = tpu.memref_slice %arg6[%dma_wait3A_886, %dma_wait3A_887, %dma_wait3A_888] : memref<16x50x64xf32, #tpu.memory_space<vmem>> -> memref<1x50x64xf32, #tpu.memory_space<vmem>>
    %dma_wait3A_890 = tpu.memref_squeeze %dma_wait3A_889 : memref<1x50x64xf32, #tpu.memory_space<vmem>> -> memref<50x64xf32, #tpu.memory_space<vmem>>
    %dma_wait3A_891 = arith.constant 0 : i32
    %dma_wait3A_892 = arith.constant 0 : i32
    %dma_wait3A_893 = tpu.memref_slice %arg4[%add3A_885, %dma_wait3A_891, %dma_wait3A_892] : memref<16384x56x128xf32, #tpu.memory_space<hbm>> -> memref<1x50x64xf32, #tpu.memory_space<hbm>>
    %dma_wait3A_894 = tpu.memref_squeeze %dma_wait3A_893 : memref<1x50x64xf32, #tpu.memory_space<hbm>> -> memref<50x64xf32, #tpu.memory_space<hbm>>
    %dma_wait3A_895 = arith.constant 0 : i32
    %dma_wait3A_896 = arith.constant 0 : i32
    %dma_wait3A_897 = tpu.memref_slice %arg4[%add3A_885, %dma_wait3A_895, %dma_wait3A_896] : memref<16384x56x128xf32, #tpu.memory_space<hbm>> -> memref<1x50x64xf32, #tpu.memory_space<hbm>>
    %dma_wait3A_898 = tpu.memref_squeeze %dma_wait3A_897 : memref<1x50x64xf32, #tpu.memory_space<hbm>> -> memref<50x64xf32, #tpu.memory_space<hbm>>
    %dma_wait3A_899 = arith.constant 0 : i32
    %dma_wait3A_900 = arith.constant 0 : i32
    %dma_wait3A_901 = tpu.memref_slice %arg6[%dma_wait3A_886, %dma_wait3A_899, %dma_wait3A_900] : memref<16x50x64xf32, #tpu.memory_space<vmem>> -> memref<1x50x64xf32, #tpu.memory_space<vmem>>
    %dma_wait3A_902 = tpu.memref_squeeze %dma_wait3A_901 : memref<1x50x64xf32, #tpu.memory_space<vmem>> -> memref<50x64xf32, #tpu.memory_space<vmem>>
    tpu.wait_dma2 semaphore(%arg8 : memref<!tpu.dma_semaphore, #tpu.memory_space<semaphore_mem>>) src(%dma_wait3A_902 : memref<50x64xf32, #tpu.memory_space<vmem>>) dst(%dma_wait3A_898 : memref<50x64xf32, #tpu.memory_space<hbm>>)
    %add3A_903 = arith.constant 507 : i32
    %add3A_904 = arith.addi %mul3A_2, %add3A_903 : i32
    %dma_wait3A_905 = arith.constant 11 : i32
    %dma_wait3A_906 = arith.constant 0 : i32
    %dma_wait3A_907 = arith.constant 0 : i32
    %dma_wait3A_908 = tpu.memref_slice %arg6[%dma_wait3A_905, %dma_wait3A_906, %dma_wait3A_907] : memref<16x50x64xf32, #tpu.memory_space<vmem>> -> memref<1x50x64xf32, #tpu.memory_space<vmem>>
    %dma_wait3A_909 = tpu.memref_squeeze %dma_wait3A_908 : memref<1x50x64xf32, #tpu.memory_space<vmem>> -> memref<50x64xf32, #tpu.memory_space<vmem>>
    %dma_wait3A_910 = arith.constant 0 : i32
    %dma_wait3A_911 = arith.constant 0 : i32
    %dma_wait3A_912 = tpu.memref_slice %arg4[%add3A_904, %dma_wait3A_910, %dma_wait3A_911] : memref<16384x56x128xf32, #tpu.memory_space<hbm>> -> memref<1x50x64xf32, #tpu.memory_space<hbm>>
    %dma_wait3A_913 = tpu.memref_squeeze %dma_wait3A_912 : memref<1x50x64xf32, #tpu.memory_space<hbm>> -> memref<50x64xf32, #tpu.memory_space<hbm>>
    %dma_wait3A_914 = arith.constant 0 : i32
    %dma_wait3A_915 = arith.constant 0 : i32
    %dma_wait3A_916 = tpu.memref_slice %arg4[%add3A_904, %dma_wait3A_914, %dma_wait3A_915] : memref<16384x56x128xf32, #tpu.memory_space<hbm>> -> memref<1x50x64xf32, #tpu.memory_space<hbm>>
    %dma_wait3A_917 = tpu.memref_squeeze %dma_wait3A_916 : memref<1x50x64xf32, #tpu.memory_space<hbm>> -> memref<50x64xf32, #tpu.memory_space<hbm>>
    %dma_wait3A_918 = arith.constant 0 : i32
    %dma_wait3A_919 = arith.constant 0 : i32
    %dma_wait3A_920 = tpu.memref_slice %arg6[%dma_wait3A_905, %dma_wait3A_918, %dma_wait3A_919] : memref<16x50x64xf32, #tpu.memory_space<vmem>> -> memref<1x50x64xf32, #tpu.memory_space<vmem>>
    %dma_wait3A_921 = tpu.memref_squeeze %dma_wait3A_920 : memref<1x50x64xf32, #tpu.memory_space<vmem>> -> memref<50x64xf32, #tpu.memory_space<vmem>>
    tpu.wait_dma2 semaphore(%arg8 : memref<!tpu.dma_semaphore, #tpu.memory_space<semaphore_mem>>) src(%dma_wait3A_921 : memref<50x64xf32, #tpu.memory_space<vmem>>) dst(%dma_wait3A_917 : memref<50x64xf32, #tpu.memory_space<hbm>>)
    %add3A_922 = arith.constant 508 : i32
    %add3A_923 = arith.addi %mul3A_2, %add3A_922 : i32
    %dma_wait3A_924 = arith.constant 12 : i32
    %dma_wait3A_925 = arith.constant 0 : i32
    %dma_wait3A_926 = arith.constant 0 : i32
    %dma_wait3A_927 = tpu.memref_slice %arg6[%dma_wait3A_924, %dma_wait3A_925, %dma_wait3A_926] : memref<16x50x64xf32, #tpu.memory_space<vmem>> -> memref<1x50x64xf32, #tpu.memory_space<vmem>>
    %dma_wait3A_928 = tpu.memref_squeeze %dma_wait3A_927 : memref<1x50x64xf32, #tpu.memory_space<vmem>> -> memref<50x64xf32, #tpu.memory_space<vmem>>
    %dma_wait3A_929 = arith.constant 0 : i32
    %dma_wait3A_930 = arith.constant 0 : i32
    %dma_wait3A_931 = tpu.memref_slice %arg4[%add3A_923, %dma_wait3A_929, %dma_wait3A_930] : memref<16384x56x128xf32, #tpu.memory_space<hbm>> -> memref<1x50x64xf32, #tpu.memory_space<hbm>>
    %dma_wait3A_932 = tpu.memref_squeeze %dma_wait3A_931 : memref<1x50x64xf32, #tpu.memory_space<hbm>> -> memref<50x64xf32, #tpu.memory_space<hbm>>
    %dma_wait3A_933 = arith.constant 0 : i32
    %dma_wait3A_934 = arith.constant 0 : i32
    %dma_wait3A_935 = tpu.memref_slice %arg4[%add3A_923, %dma_wait3A_933, %dma_wait3A_934] : memref<16384x56x128xf32, #tpu.memory_space<hbm>> -> memref<1x50x64xf32, #tpu.memory_space<hbm>>
    %dma_wait3A_936 = tpu.memref_squeeze %dma_wait3A_935 : memref<1x50x64xf32, #tpu.memory_space<hbm>> -> memref<50x64xf32, #tpu.memory_space<hbm>>
    %dma_wait3A_937 = arith.constant 0 : i32
    %dma_wait3A_938 = arith.constant 0 : i32
    %dma_wait3A_939 = tpu.memref_slice %arg6[%dma_wait3A_924, %dma_wait3A_937, %dma_wait3A_938] : memref<16x50x64xf32, #tpu.memory_space<vmem>> -> memref<1x50x64xf32, #tpu.memory_space<vmem>>
    %dma_wait3A_940 = tpu.memref_squeeze %dma_wait3A_939 : memref<1x50x64xf32, #tpu.memory_space<vmem>> -> memref<50x64xf32, #tpu.memory_space<vmem>>
    tpu.wait_dma2 semaphore(%arg8 : memref<!tpu.dma_semaphore, #tpu.memory_space<semaphore_mem>>) src(%dma_wait3A_940 : memref<50x64xf32, #tpu.memory_space<vmem>>) dst(%dma_wait3A_936 : memref<50x64xf32, #tpu.memory_space<hbm>>)
    %add3A_941 = arith.constant 509 : i32
    %add3A_942 = arith.addi %mul3A_2, %add3A_941 : i32
    %dma_wait3A_943 = arith.constant 13 : i32
    %dma_wait3A_944 = arith.constant 0 : i32
    %dma_wait3A_945 = arith.constant 0 : i32
    %dma_wait3A_946 = tpu.memref_slice %arg6[%dma_wait3A_943, %dma_wait3A_944, %dma_wait3A_945] : memref<16x50x64xf32, #tpu.memory_space<vmem>> -> memref<1x50x64xf32, #tpu.memory_space<vmem>>
    %dma_wait3A_947 = tpu.memref_squeeze %dma_wait3A_946 : memref<1x50x64xf32, #tpu.memory_space<vmem>> -> memref<50x64xf32, #tpu.memory_space<vmem>>
    %dma_wait3A_948 = arith.constant 0 : i32
    %dma_wait3A_949 = arith.constant 0 : i32
    %dma_wait3A_950 = tpu.memref_slice %arg4[%add3A_942, %dma_wait3A_948, %dma_wait3A_949] : memref<16384x56x128xf32, #tpu.memory_space<hbm>> -> memref<1x50x64xf32, #tpu.memory_space<hbm>>
    %dma_wait3A_951 = tpu.memref_squeeze %dma_wait3A_950 : memref<1x50x64xf32, #tpu.memory_space<hbm>> -> memref<50x64xf32, #tpu.memory_space<hbm>>
    %dma_wait3A_952 = arith.constant 0 : i32
    %dma_wait3A_953 = arith.constant 0 : i32
    %dma_wait3A_954 = tpu.memref_slice %arg4[%add3A_942, %dma_wait3A_952, %dma_wait3A_953] : memref<16384x56x128xf32, #tpu.memory_space<hbm>> -> memref<1x50x64xf32, #tpu.memory_space<hbm>>
    %dma_wait3A_955 = tpu.memref_squeeze %dma_wait3A_954 : memref<1x50x64xf32, #tpu.memory_space<hbm>> -> memref<50x64xf32, #tpu.memory_space<hbm>>
    %dma_wait3A_956 = arith.constant 0 : i32
    %dma_wait3A_957 = arith.constant 0 : i32
    %dma_wait3A_958 = tpu.memref_slice %arg6[%dma_wait3A_943, %dma_wait3A_956, %dma_wait3A_957] : memref<16x50x64xf32, #tpu.memory_space<vmem>> -> memref<1x50x64xf32, #tpu.memory_space<vmem>>
    %dma_wait3A_959 = tpu.memref_squeeze %dma_wait3A_958 : memref<1x50x64xf32, #tpu.memory_space<vmem>> -> memref<50x64xf32, #tpu.memory_space<vmem>>
    tpu.wait_dma2 semaphore(%arg8 : memref<!tpu.dma_semaphore, #tpu.memory_space<semaphore_mem>>) src(%dma_wait3A_959 : memref<50x64xf32, #tpu.memory_space<vmem>>) dst(%dma_wait3A_955 : memref<50x64xf32, #tpu.memory_space<hbm>>)
    %add3A_960 = arith.constant 510 : i32
    %add3A_961 = arith.addi %mul3A_2, %add3A_960 : i32
    %dma_wait3A_962 = arith.constant 14 : i32
    %dma_wait3A_963 = arith.constant 0 : i32
    %dma_wait3A_964 = arith.constant 0 : i32
    %dma_wait3A_965 = tpu.memref_slice %arg6[%dma_wait3A_962, %dma_wait3A_963, %dma_wait3A_964] : memref<16x50x64xf32, #tpu.memory_space<vmem>> -> memref<1x50x64xf32, #tpu.memory_space<vmem>>
    %dma_wait3A_966 = tpu.memref_squeeze %dma_wait3A_965 : memref<1x50x64xf32, #tpu.memory_space<vmem>> -> memref<50x64xf32, #tpu.memory_space<vmem>>
    %dma_wait3A_967 = arith.constant 0 : i32
    %dma_wait3A_968 = arith.constant 0 : i32
    %dma_wait3A_969 = tpu.memref_slice %arg4[%add3A_961, %dma_wait3A_967, %dma_wait3A_968] : memref<16384x56x128xf32, #tpu.memory_space<hbm>> -> memref<1x50x64xf32, #tpu.memory_space<hbm>>
    %dma_wait3A_970 = tpu.memref_squeeze %dma_wait3A_969 : memref<1x50x64xf32, #tpu.memory_space<hbm>> -> memref<50x64xf32, #tpu.memory_space<hbm>>
    %dma_wait3A_971 = arith.constant 0 : i32
    %dma_wait3A_972 = arith.constant 0 : i32
    %dma_wait3A_973 = tpu.memref_slice %arg4[%add3A_961, %dma_wait3A_971, %dma_wait3A_972] : memref<16384x56x128xf32, #tpu.memory_space<hbm>> -> memref<1x50x64xf32, #tpu.memory_space<hbm>>
    %dma_wait3A_974 = tpu.memref_squeeze %dma_wait3A_973 : memref<1x50x64xf32, #tpu.memory_space<hbm>> -> memref<50x64xf32, #tpu.memory_space<hbm>>
    %dma_wait3A_975 = arith.constant 0 : i32
    %dma_wait3A_976 = arith.constant 0 : i32
    %dma_wait3A_977 = tpu.memref_slice %arg6[%dma_wait3A_962, %dma_wait3A_975, %dma_wait3A_976] : memref<16x50x64xf32, #tpu.memory_space<vmem>> -> memref<1x50x64xf32, #tpu.memory_space<vmem>>
    %dma_wait3A_978 = tpu.memref_squeeze %dma_wait3A_977 : memref<1x50x64xf32, #tpu.memory_space<vmem>> -> memref<50x64xf32, #tpu.memory_space<vmem>>
    tpu.wait_dma2 semaphore(%arg8 : memref<!tpu.dma_semaphore, #tpu.memory_space<semaphore_mem>>) src(%dma_wait3A_978 : memref<50x64xf32, #tpu.memory_space<vmem>>) dst(%dma_wait3A_974 : memref<50x64xf32, #tpu.memory_space<hbm>>)
    %add3A_979 = arith.constant 511 : i32
    %add3A_980 = arith.addi %mul3A_2, %add3A_979 : i32
    %dma_wait3A_981 = arith.constant 15 : i32
    %dma_wait3A_982 = arith.constant 0 : i32
    %dma_wait3A_983 = arith.constant 0 : i32
    %dma_wait3A_984 = tpu.memref_slice %arg6[%dma_wait3A_981, %dma_wait3A_982, %dma_wait3A_983] : memref<16x50x64xf32, #tpu.memory_space<vmem>> -> memref<1x50x64xf32, #tpu.memory_space<vmem>>
    %dma_wait3A_985 = tpu.memref_squeeze %dma_wait3A_984 : memref<1x50x64xf32, #tpu.memory_space<vmem>> -> memref<50x64xf32, #tpu.memory_space<vmem>>
    %dma_wait3A_986 = arith.constant 0 : i32
    %dma_wait3A_987 = arith.constant 0 : i32
    %dma_wait3A_988 = tpu.memref_slice %arg4[%add3A_980, %dma_wait3A_986, %dma_wait3A_987] : memref<16384x56x128xf32, #tpu.memory_space<hbm>> -> memref<1x50x64xf32, #tpu.memory_space<hbm>>
    %dma_wait3A_989 = tpu.memref_squeeze %dma_wait3A_988 : memref<1x50x64xf32, #tpu.memory_space<hbm>> -> memref<50x64xf32, #tpu.memory_space<hbm>>
    %dma_wait3A_990 = arith.constant 0 : i32
    %dma_wait3A_991 = arith.constant 0 : i32
    %dma_wait3A_992 = tpu.memref_slice %arg4[%add3A_980, %dma_wait3A_990, %dma_wait3A_991] : memref<16384x56x128xf32, #tpu.memory_space<hbm>> -> memref<1x50x64xf32, #tpu.memory_space<hbm>>
    %dma_wait3A_993 = tpu.memref_squeeze %dma_wait3A_992 : memref<1x50x64xf32, #tpu.memory_space<hbm>> -> memref<50x64xf32, #tpu.memory_space<hbm>>
    %dma_wait3A_994 = arith.constant 0 : i32
    %dma_wait3A_995 = arith.constant 0 : i32
    %dma_wait3A_996 = tpu.memref_slice %arg6[%dma_wait3A_981, %dma_wait3A_994, %dma_wait3A_995] : memref<16x50x64xf32, #tpu.memory_space<vmem>> -> memref<1x50x64xf32, #tpu.memory_space<vmem>>
    %dma_wait3A_997 = tpu.memref_squeeze %dma_wait3A_996 : memref<1x50x64xf32, #tpu.memory_space<vmem>> -> memref<50x64xf32, #tpu.memory_space<vmem>>
    tpu.wait_dma2 semaphore(%arg8 : memref<!tpu.dma_semaphore, #tpu.memory_space<semaphore_mem>>) src(%dma_wait3A_997 : memref<50x64xf32, #tpu.memory_space<vmem>>) dst(%dma_wait3A_993 : memref<50x64xf32, #tpu.memory_space<hbm>>)
    return
  }
}

</mosaic_0001>

<sc_bundles>
// kernel: kernel.3.cloned.1.call-start
scs
__scs_entry_jumppad:
0x0: {  	(pc) =	sbr.rel $0x88, $3  }
0x1: {  	(tag) =	ssettag $0x0;
	lr =	simm.s32 $0x1  }
0x2: {  	[smem:$0x3F9F] =	sst lr;
	_ =	strace $0xD0000000  }
0x3: {  	_ = 	snop  }
0x4: {  	_ = 	snop  }
0x5: {  	_ = 	snop  }
0x6: {  	_ = 	snop  }
0x7: {  	_ = 	snop  }
__scs_overlays_trampoline_lowered:
0x8: {  	[smem:$0x3FAE] =	sst s0  }
0x9: {  	[smem:$0x3FAF] =	sst s1  }
0xa: {  	[smem:$0x3FB0] =	sst s2  }
0xb: {  	[smem:$0x3FB1] =	sst s3  }
0xc: {  	[smem:$0x3FB2] =	sst s4  }
0xd: {  	[smem:$0x3FB3] =	sst s5  }
0xe: {  	[smem:$0x3FB4] =	sst s6  }
0xf: {  	[smem:$0x3FB5] =	sst s7  }
0x10: {  	[smem:$0x3FB6] =	sst s8  }
0x11: {  	[smem:$0x3FB7] =	sst s9;
	s0 =	simm.s32 @!p0 $0x0  }
0x12: {  	s1 =	sld [smem:$0x3F9D];
	s0 =	simm.s32 @p0 $0x1  }
0x13: {  	[smem:$0x3FB8] =	sst s0;
	s0 =	simm.s32 @!p1 $0x0  }
0x14: {  	s2 =	sld [smem:$0x3F9C];
	s0 =	simm.s32 @p1 $0x1  }
0x15: {  	[smem:$0x3FB9] =	sst s0;
	s0 =	simm.s32 @!p2 $0x0  }
0x16: {  	s3 =	sld [smem:$0x3FDB];
	s0 =	simm.s32 @p2 $0x1  }
0x17: {  	s4 =	simm.s32 $0x1BF5;
	[smem:$0x3FBB] =	sst s0  }
0x18: {  	s0 =	sld [smem:$0x3F9E];
	_ =	swait.ge [sflag:s4], $0x0  }
0x19: {  	s7 =	sld [smem:$0x3F9F]  }
0x1a: {  	s8 =	sadd.s32 $0xFFFFE003, lr  }
0x1b: {  	s9 =	sadd.s32 $0xFFFFFEF7, lr;
	s5 =	simm.s32 $0xFFFFFFFF;
	p2 =	slt.u32 s8, $0xFFFFF086  }
0x1c: {  	p1 =	slt.u32 s9, $0xF7A;
	s5 =	simm.s32 @!p2 $0x0  }
0x1d: {  	s5 =	simm.s32 @p1 $0x1;
	p0 =	seq.s32 s7, s2  }
0x1e: {  	s7 =	smul.u32 @!p0 $0xF7A, s2;
	p2 =	seq.s32 @!p0 s5, $0x0  }
0x1f: {  	s9 =	smul.u32 $0xF7A, s1;
	s8 =	simm.s32 @!p0 $0x1BF5;
	p2 =	por !p2, p0  }
0x20: {  	[sflag:s8] =	ssyncset.s32 @!p0 $0xFFFFF086;
	s6 =	sadd.s32 @!p0 s3, s7;
	s7 =	simm.s32 @!p0 $0x108  }
0x21: {  	s3 =	sadd.s32 s3, s9;
	s6 =	sadd.s32 @!p0 $0x88, s6;
	s7 =	simm.s32 @p2 $0x1082  }
0x22: {  	[simem:s7], [sflag:s8] =	dma.local @!p0 [hbm:s6], $0xF7A  }
0x23: {  	s9 =	sor.u32 $0xD0000000, s2;
	s6 =	simm.s32 $0x108;
	_ =	swait.ge @!p0 [sflag:s8], $0x0  }
0x24: {  	s3 =	sadd.s32 $0x88, s3;
	s6 =	simm.s32 @!p1 $0x1082;
	[sflag:s4] =	ssyncset.s32 $0xFFFFF086  }
0x25: {  	[simem:s6], [sflag:s4] =	dma.local [hbm:s3], $0xF7A  }
0x26: {  	[smem:$0x3F9F] =	sst s1;
	(tag) =	ssettag s2;
	_ =	strace s9  }
0x27: {  	s1 =	sld [smem:$0x3FAF]  }
0x28: {  	s2 =	sld [smem:$0x3FB0]  }
0x29: {  	s4 =	sld [smem:$0x3FB2]  }
0x2a: {  	p0 =	seq.s32 s5, $0x0;
	s5 =	sld [smem:$0x3FB3]  }
0x2b: {  	s6 =	sld [smem:$0x3FB4]  }
0x2c: {  	s7 =	sld [smem:$0x3FB5]  }
0x2d: {  	s3 =	simm.s32 $0x108;
	s8 =	sld [smem:$0x3FB6]  }
0x2e: {  	s3 =	simm.s32 @!p0 $0x1082;
	s9 =	sld [smem:$0x3FB7]  }
0x2f: {  	lr =	sadd.s32 s0, s3;
	s0 =	sld [smem:$0x3FAE]  }
0x30: {  	s3 =	sld [smem:$0x3FB1]  }
0x31: {  	[smem:$0x3FBA] =	sst s10  }
0x32: {  	s10 =	sld [smem:$0x3FB8];
	_ =	sdelay $0x3  }
0x33: {  	p0 =	seq.s32 s10, $0x1;
	s10 =	sld [smem:$0x3FBA];
	_ =	sdelay $0x3  }
0x34: {  	[smem:$0x3FBA] =	sst s10  }
0x35: {  	s10 =	sld [smem:$0x3FB9];
	_ =	sdelay $0x3  }
0x36: {  	p1 =	seq.s32 s10, $0x1;
	s10 =	sld [smem:$0x3FBA];
	_ =	sdelay $0x3  }
0x37: {  	[smem:$0x3FBA] =	sst s10  }
0x38: {  	s10 =	sld [smem:$0x3FBB]  }
0x39: {  	_ = 	snop;
	(pc) =	sbr.ind lr, $3  }
0x3a: {  	_ = 	snop  }
0x3b: {  	_ = 	snop  }
0x3c: {  	p2 =	seq.s32 s10, $0x1;
	s10 =	sld [smem:$0x3FBA]  }
0x3d: {  	_ =	shalt  }
0x3e: {  	_ =	shalt  }
0x3f: {  	_ =	shalt  }
0x40: {  	_ =	shalt  }
0x41: {  	_ =	shalt  }
0x42: {  	_ =	shalt  }
0x43: {  	_ =	shalt  }
0x44: {  	_ =	shalt  }
0x45: {  	_ =	shalt  }
0x46: {  	_ =	shalt  }
0x47: {  	_ =	shalt  }
0x48: {  	_ =	shalt  }
0x49: {  	_ =	shalt  }
0x4a: {  	_ =	shalt  }
0x4b: {  	_ =	shalt  }
0x4c: {  	_ =	shalt  }
0x4d: {  	_ =	shalt  }
0x4e: {  	_ =	shalt  }
0x4f: {  	_ =	shalt  }
0x50: {  	_ =	shalt  }
0x51: {  	_ =	shalt  }
0x52: {  	_ =	shalt  }
0x53: {  	_ =	shalt  }
0x54: {  	_ =	shalt  }
0x55: {  	_ =	shalt  }
0x56: {  	_ =	shalt  }
0x57: {  	_ =	shalt  }
0x58: {  	_ =	shalt  }
0x59: {  	_ =	shalt  }
0x5a: {  	_ =	shalt  }
0x5b: {  	_ =	shalt  }
0x5c: {  	_ =	shalt  }
0x5d: {  	_ =	shalt  }
0x5e: {  	_ =	shalt  }
0x5f: {  	_ =	shalt  }
0x60: {  	_ =	shalt  }
0x61: {  	_ =	shalt  }
0x62: {  	_ =	shalt  }
0x63: {  	_ =	shalt  }
0x64: {  	_ =	shalt  }
0x65: {  	_ =	shalt  }
0x66: {  	_ =	shalt  }
0x67: {  	_ =	shalt  }
0x68: {  	_ =	shalt  }
0x69: {  	_ =	shalt  }
0x6a: {  	_ =	shalt  }
0x6b: {  	_ =	shalt  }
0x6c: {  	_ =	shalt  }
0x6d: {  	_ =	shalt  }
0x6e: {  	_ =	shalt  }
0x6f: {  	_ =	shalt  }
0x70: {  	_ =	shalt  }
0x71: {  	_ =	shalt  }
0x72: {  	_ =	shalt  }
0x73: {  	_ =	shalt  }
0x74: {  	_ =	shalt  }
0x75: {  	_ =	shalt  }
0x76: {  	_ =	shalt  }
0x77: {  	_ =	shalt  }
0x78: {  	_ =	shalt  }
0x79: {  	_ =	shalt  }
0x7a: {  	_ =	shalt  }
0x7b: {  	_ =	shalt  }
0x7c: {  	_ =	shalt  }
0x7d: {  	_ =	shalt  }
0x7e: {  	_ =	shalt  }
0x7f: {  	_ =	shalt  }
0x80: {  	_ =	shalt  }
0x81: {  	_ =	shalt  }
0x82: {  	_ =	shalt  }
0x83: {  	_ =	shalt  }
0x84: {  	_ =	shalt  }
0x85: {  	_ =	shalt  }
0x86: {  	_ =	shalt  }
0x87: {  	_ =	shalt  }
.Lfunc_end0:
.L_simem_size_0:
called_computation.1_lowered:
.L_overlay_start_0:
0x88: {  	s2 =	sld [smem:$0x3FD9]  }
0x89: {  	s3 =	sld [smem:$0x3FFE];
	_ =	sdelay $0x1  }
0x8a: {  	s1 =	srdreg.scid  }
0x8b: {  	s0 =	sand.u32 $0x1, s1  }
0x8c: {  	s17 =	sshll.u32 s0, $0xA;
	s2 =	sadd.s32 s3, s2  }
0x8d: {  	s2 =	sadd.s32 s2, s17  }
0x8e: {  	[smem:$0x3FC6] =	sst s2  }
0x8f: {  	_ = 	snop  }
0x90: {  	s2 =	sld [smem:$0x3FD0];
	(tm) =	ssettm $0x1  }
0x91: {  	s18 =	sld [smem:$0x3FFB];
	_ =	sdelay $0x3  }
0x92: {  	_ =	strace s18  }
0x93: {  	s3 =	sld [smem:$0x3FFC];
	_ =	sdelay $0x3  }
0x94: {  	_ =	strace s3  }
0x95: {  	s3 =	sld [smem:$0x3FFD];
	_ =	sdelay $0x3  }
0x96: {  	_ =	strace s3  }
0x97: {  	_ =	strace $0x8FFFFFFF  }
0x98: {  	s19 =	sld [smem:$0x3FDB];
	_ =	sdelay $0x1  }
0x99: {  	s4 =	simm.s32 $_scs_section_size  }
0x9a: {  	s5 =	simm.s32 $_size__tile_overlayer_lowered;
	s6 =	simm.s32 $_tile_overlayer_lowered  }
0x9b: {  	s22 =	simm.s32 $0x1BFF;
	s21 =	sshll.u32 s6, $0x1;
	s3 =	sadd.s32 s4, s19  }
0x9c: {  	s7 =	simm.s32 $0x0;
	s20 =	sshll.u32 s5, $0x1;
	s5 =	sadd.s32 s21, s3  }
0x9d: {  	[timem:s7], [sflag:s22] =	dma.local [hbm:s5], s20  }
0x9e: {  	_ =	swait.ge [sflag:s22], s20  }
0x9f: {  	s4 =	ssub.s32 $0x0, s20;
	[sflag:s22] =	ssyncset.done $0x0  }
0xa0: {  	[sflag:s22] =	ssyncadd.s32 s4;
	_ =	sdelay $0x1  }
0xa1: {  	s23 =	simm.s32 $0x1B8B  }
0xa2: {  	_ =	swait.ge [sflag:s23], $0x1  }
0xa3: {  	[sflag:s23] =	ssyncset.done $0x0  }
0xa4: {  	s25 =	simm.s32 $0x1B8E;
	s24 =	sld [smem:$0x3FFE];
	[sflag:s23] =	ssyncadd.s32 $0xFFFFFFFF  }
0xa5: {  	s26 =	simm.s32 $execute0_lowered;
	[smem:$0x3FD2] =	sst s25  }
0xa6: {  	s5 =	sshll.u32 s26, $0x1;
	_ =	strace $0x80000046;
	[dreg:$0x1] =	wrdreg $0xFFFFFFFF  }
0xa7: {  	s28 =	simm.s32 $_size_execute0_lowered;
	s3 =	sadd.s32 s3, s5;
	[dreg:$0x0] =	wrdreg $0x0  }
0xa8: {  	s5 =	sshll.u32 s28, $0x1;
	[dreg:$0x2] =	wrdreg s3  }
0xa9: {  	[dreg:$0x3] =	wrdreg s5  }
0xaa: {  	[dreg:$0x4] =	wrdreg $0xC0  }
0xab: {  	_ =	task [dreg:s7], $0x5FFFF  }
0xac: {  	[dreg:$0x1] =	wrdreg $0xFFFFFFFF  }
0xad: {  	[dreg:$0x0] =	wrdreg $0x60  }
0xae: {  	[dreg:$0x2] =	wrdreg s24  }
0xaf: {  	[dreg:$0x3] =	wrdreg s2  }
0xb0: {  	[dreg:$0x4] =	wrdreg $0x9  }
0xb1: {  	_ =	task.clear_ibuf [dreg:s7], $0x5FFFF;
	_ =	strace $0x90000046  }
0xb2: {  	s29 =	simm.s32 $0x9;
	_ =	strace $0x80000048  }
0xb3: {  	_ =	swait.ge [sflag:s29], $0x1  }
0xb4: {  	[sflag:s29] =	ssyncadd.s32 $0xFFFFFFFF  }
0xb5: {  	_ =	strace $0x90000048  }
0xb6: {  	_ =	sfence  }
0xb7: {  	s30 =	sld [smem:$0x0];
	_ =	sdelay $0x2  }
0xb8: {  	s31 =	sshll.u32 s1, $0xD;
	s1 =	sshrl.u32 s1, $0x2  }
0xb9: {  	s3 =	sand.u32 $0x4000, s31;
	s1 =	sadd.s32 s1, s30  }
0xba: {  	s0 =	sor.u32 s3, s0;
	s1 =	sshll.u32 s1, $0x11  }
0xbb: {  	s0 =	sor.u32 s1, s0  }
0xbc: {  	s0 =	sadd.s32 $0x8F2B, s0  }
0xbd: {  	[sflag:s0] =	ssyncadd.remote.s32 $0x1  }
0xbe: {  	_ =	sfence.sel $0xFFFF  }
0xbf: {  	[dreg:$0x0] =	wrdreg $0xFFFFFFFF;
	(pc) =	sbr.abs _section_cstart, $3  }
0xc0: {  	[dreg:$0x1] =	wrdreg $0xFFFFFFFF  }
0xc1: {  	_ =	task.clear_ibuf [dreg:s7], $0x2FFFF;
	_ =	strace $0x9FFFFFFF  }
0xc2: {  	(tm) =	ssettm $0x7FFFFFFF  }
0xc3: {  	_ =	shalt  }
tec
execute0_lowered:
.L_overlay_start_1:
0x0: {  	(tag) =	ssettag $0x1  }
0x1: {  	s0 =	rddreg [dreg:$0x0]  }
0x2: {  	s1 =	rddreg [dreg:$0x1]  }
0x3: {  	s2 =	srdreg.scid;
	s3 =	simm.s32 $0x0;
	s9 =	stileid.u32  }
0x4: {  	s28 =	simm.s32 $0x7C80;
	s30 =	simm.s32 $0x8900;
	s2 =	sand.u32 $0x1, s2  }
0x5: {  	s31 =	simm.s32 $0xAE80;
	s10 =	sshll.u32 s9, $0xA;
	s4 =	sshll.u32 s2, $0x9  }
0x6: {  	s29 =	simm.s32 $0xBB00;
	s22 =	smul.u32 $0xE0000, s9;
	s5 =	sor.u32 s4, s10  }
0x7: {  	[smem:$0x7FF] =	sst s3;
	s3 =	sadd.s32 $0xF42E00, s0;
	s4 =	smul.u32 $0x380, s5  }
0x8: {  	s0 =	sadd.s32 $0xA00, s0;
	s9 =	simm.s32 $0xED00;
	s7 =	smul.u32 $0x7, s5  }
0x9: {  	_ =	strace $0x80000047;
	s6 =	ssub.s32 $0x2, s2;
	s2 =	smul.u32 $0x70000, s2  }
0xa: {  	s8 =	sshrl.u32 s6, $0x1;
	s4 =	sadd.s32 s0, s4;
	s1 =	sadd.s32 s1, s7  }
0xb: {  	s10 =	simm.s32 $0xF980;
	[dreg:$0x3] =	wrdreg s1;
	s11 =	sadd.s32 $0x380, s4  }
0xc: {  	s5 =	smul.u32 $0x1C00, s5;
	s12 =	sadd.s32 $0x700, s4;
	[dreg:$0x4] =	wrdreg s11  }
0xd: {  	s6 =	ssub.s32 s6, s8;
	s13 =	sadd.s32 $0xA80, s4;
	[dreg:$0x5] =	wrdreg s12  }
0xe: {  	s8 =	simm.s32 $0xE080;
	s15 =	sadd.s32 $0xE00, s4;
	[dreg:$0x6] =	wrdreg s13  }
0xf: {  	s14 =	sshrl.u32 s5, $0x3;
	s16 =	sadd.s32 $0x1180, s4;
	[dreg:$0x7] =	wrdreg s15  }
0x10: {  	s5 =	simm.s32 $0x40;
	s17 =	sadd.s32 $0x1500, s4;
	[dreg:$0x8] =	wrdreg s16  }
0x11: {  	s1 =	sadd.s32 s0, s14;
	s18 =	sadd.s32 $0x1880, s4;
	[dreg:$0x9] =	wrdreg s17  }
0x12: {  	s7 =	simm.s32 $0xD400;
	[dreg:$0xa] =	wrdreg s18;
	s19 =	sadd.s32 $0x6E400, s1  }
0x13: {  	s0 =	sadd.s32 s22, s0;
	s20 =	sadd.s32 $0x6E780, s1;
	[dreg:$0xb] =	wrdreg s19  }
0x14: {  	s14 =	simm.s32 $0x12B80;
	s21 =	sadd.s32 $0x6EB00, s1;
	[dreg:$0xc] =	wrdreg s20  }
0x15: {  	s23 =	sadd.s32 $0x6EE80, s1;
	s24 =	sadd.s32 $0x6F200, s1;
	[dreg:$0xd] =	wrdreg s21  }
0x16: {  	s25 =	sadd.s32 $0x6F580, s1;
	s26 =	sadd.s32 $0x6F900, s1;
	[dreg:$0xe] =	wrdreg s23  }
0x17: {  	s1 =	sadd.s32 $0x6FC80, s1;
	s0 =	sadd.s32 s2, s0;
	[dreg:$0xf] =	wrdreg s24  }
0x18: {  	s2 =	simm.s32 $0x1;
	s11 =	simm.s32 $0x10600;
	[dreg:$0x10] =	wrdreg s25  }
0x19: {  	s12 =	simm.s32 $0x11280;
	s13 =	simm.s32 $0x11F00;
	[dreg:$0x11] =	wrdreg s26  }
0x1a: {  	s15 =	simm.s32 $0x2;
	s16 =	simm.s32 $0x0;
	[dreg:$0x12] =	wrdreg s1  }
0x1b: {  	s21 =	smax.u32 s6, $0x1;
	s22 =	sadd.s32 $0x2A00, s0;
	s23 =	simm.s32 $0x3  }
0x1c: {  	s24 =	simm.s32 $0x32;
	s25 =	simm.s32 $0x7000;
	s0 =	simm.s32 $0x9580  }
0x1d: {  	s26 =	simm.s32 $0xA200;
	s1 =	simm.s32 $0xC780;
	s6 =	simm.s32 $0x80  }
.LBB2_1:
0x1e: {  	s17 =	simm.s32 $0x0;
	s18 =	rddreg [dreg:$0x3]  }
0x1f: {  	[tilespmem:s17], [sflag:$0x3] =	stream.linear.gather [hbm4b:s18+s17], $0x7000, $0x38;
	[tilespmem:$0x13800] =	vst v63  }
0x20: {  	_ =	swait.ge [sflag:s23], $0x7000  }
0x21: {  	[sflag:s23] =	ssyncset.done $0x0  }
0x22: {  	[sflag:s23] =	ssyncadd.s32 $0xFFFF9000  }
0x23: {  	[tilespmem:s25], [sflag:$0x1] =	stream.indirect.gather [hbm4b:s3+s24], $0x40, s17, s24, $0xb8;
	[tilespmem:$0x13800] =	vst v63  }
0x24: {  	s20 =	simm.s32 $0x38  }
0x25: {  	[tilespmem:s28], [sflag:$0x1] =	stream.indirect.gather [hbm4b:s3+s24], $0x40, s20, s24, $0xb8;
	[tilespmem:$0x13800] =	vst v63  }
0x26: {  	s18 =	simm.s32 $0x70  }
0x27: {  	[tilespmem:s30], [sflag:$0x1] =	stream.indirect.gather [hbm4b:s3+s24], $0x40, s18, s24, $0xb8;
	[tilespmem:$0x13800] =	vst v63  }
0x28: {  	s19 =	simm.s32 $0xA8  }
0x29: {  	[tilespmem:s0], [sflag:$0x1] =	stream.indirect.gather [hbm4b:s3+s24], $0x40, s19, s24, $0xb8;
	[tilespmem:$0x13800] =	vst v63  }
0x2a: {  	s20 =	simm.s32 $0xE0  }
0x2b: {  	[tilespmem:s26], [sflag:$0x1] =	stream.indirect.gather [hbm4b:s3+s24], $0x40, s20, s24, $0xb8;
	[tilespmem:$0x13800] =	vst v63  }
0x2c: {  	s18 =	simm.s32 $0x118  }
0x2d: {  	[tilespmem:s31], [sflag:$0x1] =	stream.indirect.gather [hbm4b:s3+s24], $0x40, s18, s24, $0xb8;
	[tilespmem:$0x13800] =	vst v63  }
0x2e: {  	s19 =	simm.s32 $0x150  }
0x2f: {  	[tilespmem:s29], [sflag:$0x1] =	stream.indirect.gather [hbm4b:s3+s24], $0x40, s19, s24, $0xb8;
	[tilespmem:$0x13800] =	vst v63  }
0x30: {  	s20 =	simm.s32 $0x188  }
0x31: {  	[tilespmem:s1], [sflag:$0x1] =	stream.indirect.gather [hbm4b:s3+s24], $0x40, s20, s24, $0xb8;
	[tilespmem:$0x13800] =	vst v63  }
0x32: {  	_ =	swait.ge [sflag:s2], $0xC80  }
0x33: {  	[sflag:s2] =	ssyncset.done $0x0  }
0x34: {  	[sflag:s2] =	ssyncadd.s32 $0xFFFFF380  }
0x35: {  	[hbm4b:s4+s5] =	stream.strided.scatter [tilespmem:s25], [sflag:$0x2], $0xC80, s6, s5, $0x38;
	[tilespmem:$0x13800] =	vst v63  }
0x36: {  	s18 =	simm.s32 $0x1C0  }
0x37: {  	[tilespmem:s7], [sflag:$0x1] =	stream.indirect.gather [hbm4b:s3+s24], $0x40, s18, s24, $0xb8;
	[tilespmem:$0x13800] =	vst v63  }
0x38: {  	_ =	swait.ge [sflag:s2], $0xC80  }
0x39: {  	[sflag:s2] =	ssyncset.done $0x0  }
0x3a: {  	s19 =	rddreg [dreg:$0x4];
	[sflag:s2] =	ssyncadd.s32 $0xFFFFF380  }
0x3b: {  	[hbm4b:s19+s5] =	stream.strided.scatter [tilespmem:s28], [sflag:$0x2], $0xC80, s6, s5, $0x38;
	[tilespmem:$0x13800] =	vst v63  }
0x3c: {  	s20 =	simm.s32 $0x1F8  }
0x3d: {  	[tilespmem:s8], [sflag:$0x1] =	stream.indirect.gather [hbm4b:s3+s24], $0x40, s20, s24, $0xb8;
	[tilespmem:$0x13800] =	vst v63  }
0x3e: {  	_ =	swait.ge [sflag:s2], $0xC80  }
0x3f: {  	[sflag:s2] =	ssyncset.done $0x0  }
0x40: {  	s18 =	rddreg [dreg:$0x5];
	[sflag:s2] =	ssyncadd.s32 $0xFFFFF380  }
0x41: {  	[hbm4b:s18+s5] =	stream.strided.scatter [tilespmem:s30], [sflag:$0x2], $0xC80, s6, s5, $0x38;
	[tilespmem:$0x13800] =	vst v63  }
0x42: {  	s19 =	simm.s32 $0x230  }
0x43: {  	[tilespmem:s9], [sflag:$0x1] =	stream.indirect.gather [hbm4b:s3+s24], $0x40, s19, s24, $0xb8;
	[tilespmem:$0x13800] =	vst v63  }
0x44: {  	_ =	swait.ge [sflag:s2], $0xC80  }
0x45: {  	[sflag:s2] =	ssyncset.done $0x0  }
0x46: {  	s20 =	rddreg [dreg:$0x6];
	[sflag:s2] =	ssyncadd.s32 $0xFFFFF380  }
0x47: {  	[hbm4b:s20+s5] =	stream.strided.scatter [tilespmem:s0], [sflag:$0x2], $0xC80, s6, s5, $0x38;
	[tilespmem:$0x13800] =	vst v63  }
0x48: {  	s18 =	simm.s32 $0x268  }
0x49: {  	[tilespmem:s10], [sflag:$0x1] =	stream.indirect.gather [hbm4b:s3+s24], $0x40, s18, s24, $0xb8;
	[tilespmem:$0x13800] =	vst v63  }
0x4a: {  	_ =	swait.ge [sflag:s2], $0xC80  }
0x4b: {  	[sflag:s2] =	ssyncset.done $0x0  }
0x4c: {  	s19 =	rddreg [dreg:$0x7];
	[sflag:s2] =	ssyncadd.s32 $0xFFFFF380  }
0x4d: {  	[hbm4b:s19+s5] =	stream.strided.scatter [tilespmem:s26], [sflag:$0x2], $0xC80, s6, s5, $0x38;
	[tilespmem:$0x13800] =	vst v63  }
0x4e: {  	s20 =	simm.s32 $0x2A0  }
0x4f: {  	[tilespmem:s11], [sflag:$0x1] =	stream.indirect.gather [hbm4b:s3+s24], $0x40, s20, s24, $0xb8;
	[tilespmem:$0x13800] =	vst v63  }
0x50: {  	_ =	swait.ge [sflag:s2], $0xC80  }
0x51: {  	[sflag:s2] =	ssyncset.done $0x0  }
0x52: {  	s18 =	rddreg [dreg:$0x8];
	[sflag:s2] =	ssyncadd.s32 $0xFFFFF380  }
0x53: {  	[hbm4b:s18+s5] =	stream.strided.scatter [tilespmem:s31], [sflag:$0x2], $0xC80, s6, s5, $0x38;
	[tilespmem:$0x13800] =	vst v63  }
0x54: {  	s19 =	simm.s32 $0x2D8  }
0x55: {  	[tilespmem:s12], [sflag:$0x1] =	stream.indirect.gather [hbm4b:s3+s24], $0x40, s19, s24, $0xb8;
	[tilespmem:$0x13800] =	vst v63  }
0x56: {  	_ =	swait.ge [sflag:s2], $0xC80  }
0x57: {  	[sflag:s2] =	ssyncset.done $0x0  }
0x58: {  	s20 =	rddreg [dreg:$0x9];
	[sflag:s2] =	ssyncadd.s32 $0xFFFFF380  }
0x59: {  	[hbm4b:s20+s5] =	stream.strided.scatter [tilespmem:s29], [sflag:$0x2], $0xC80, s6, s5, $0x38;
	[tilespmem:$0x13800] =	vst v63  }
0x5a: {  	s18 =	simm.s32 $0x310  }
0x5b: {  	[tilespmem:s13], [sflag:$0x1] =	stream.indirect.gather [hbm4b:s3+s24], $0x40, s18, s24, $0xb8;
	[tilespmem:$0x13800] =	vst v63  }
0x5c: {  	_ =	swait.ge [sflag:s2], $0xC80  }
0x5d: {  	[sflag:s2] =	ssyncset.done $0x0  }
0x5e: {  	s19 =	rddreg [dreg:$0xa];
	[sflag:s2] =	ssyncadd.s32 $0xFFFFF380  }
0x5f: {  	[hbm4b:s19+s5] =	stream.strided.scatter [tilespmem:s1], [sflag:$0x2], $0xC80, s6, s5, $0x38;
	[tilespmem:$0x13800] =	vst v63  }
0x60: {  	s20 =	simm.s32 $0x348  }
0x61: {  	[tilespmem:s14], [sflag:$0x1] =	stream.indirect.gather [hbm4b:s3+s24], $0x40, s20, s24, $0xb8;
	[tilespmem:$0x13800] =	vst v63  }
0x62: {  	_ =	swait.ge [sflag:s2], $0xC80  }
0x63: {  	[sflag:s2] =	ssyncset.done $0x0  }
0x64: {  	s18 =	sadd.s32 $0xFFFFF200, s22;
	[sflag:s2] =	ssyncadd.s32 $0xFFFFF380  }
0x65: {  	[hbm4b:s18+s5] =	stream.strided.scatter [tilespmem:s7], [sflag:$0x2], $0xC80, s6, s5, $0x38;
	[tilespmem:$0x13800] =	vst v63  }
0x66: {  	_ =	swait.ge [sflag:s15], $0xC80  }
0x67: {  	[sflag:s15] =	ssyncset.done $0x0  }
0x68: {  	s19 =	simm.s32 $0x380;
	[sflag:s15] =	ssyncadd.s32 $0xFFFFF380  }
0x69: {  	[tilespmem:s25], [sflag:$0x1] =	stream.indirect.gather [hbm4b:s3+s24], $0x40, s19, s24, $0xb8;
	[tilespmem:$0x13800] =	vst v63  }
0x6a: {  	_ =	swait.ge [sflag:s2], $0xC80  }
0x6b: {  	[sflag:s2] =	ssyncset.done $0x0  }
0x6c: {  	s20 =	sadd.s32 $0xFFFFF580, s22;
	[sflag:s2] =	ssyncadd.s32 $0xFFFFF380  }
0x6d: {  	[hbm4b:s20+s5] =	stream.strided.scatter [tilespmem:s8], [sflag:$0x2], $0xC80, s6, s5, $0x38;
	[tilespmem:$0x13800] =	vst v63  }
0x6e: {  	_ =	swait.ge [sflag:s15], $0xC80  }
0x6f: {  	[sflag:s15] =	ssyncset.done $0x0  }
0x70: {  	s18 =	simm.s32 $0x3B8;
	[sflag:s15] =	ssyncadd.s32 $0xFFFFF380  }
0x71: {  	[tilespmem:s28], [sflag:$0x1] =	stream.indirect.gather [hbm4b:s3+s24], $0x40, s18, s24, $0xb8;
	[tilespmem:$0x13800] =	vst v63  }
0x72: {  	_ =	swait.ge [sflag:s2], $0xC80  }
0x73: {  	[sflag:s2] =	ssyncset.done $0x0  }
0x74: {  	s19 =	sadd.s32 $0xFFFFF900, s22;
	[sflag:s2] =	ssyncadd.s32 $0xFFFFF380  }
0x75: {  	[hbm4b:s19+s5] =	stream.strided.scatter [tilespmem:s9], [sflag:$0x2], $0xC80, s6, s5, $0x38;
	[tilespmem:$0x13800] =	vst v63  }
0x76: {  	_ =	swait.ge [sflag:s15], $0xC80  }
0x77: {  	[sflag:s15] =	ssyncset.done $0x0  }
0x78: {  	s20 =	simm.s32 $0x3F0;
	[sflag:s15] =	ssyncadd.s32 $0xFFFFF380  }
0x79: {  	[tilespmem:s30], [sflag:$0x1] =	stream.indirect.gather [hbm4b:s3+s24], $0x40, s20, s24, $0xb8;
	[tilespmem:$0x13800] =	vst v63  }
0x7a: {  	_ =	swait.ge [sflag:s2], $0xC80  }
0x7b: {  	[sflag:s2] =	ssyncset.done $0x0  }
0x7c: {  	s18 =	sadd.s32 $0xFFFFFC80, s22;
	[sflag:s2] =	ssyncadd.s32 $0xFFFFF380  }
0x7d: {  	[hbm4b:s18+s5] =	stream.strided.scatter [tilespmem:s10], [sflag:$0x2], $0xC80, s6, s5, $0x38;
	[tilespmem:$0x13800] =	vst v63  }
0x7e: {  	_ =	swait.ge [sflag:s15], $0xC80  }
0x7f: {  	[sflag:s15] =	ssyncset.done $0x0  }
0x80: {  	s19 =	simm.s32 $0x428;
	[sflag:s15] =	ssyncadd.s32 $0xFFFFF380  }
0x81: {  	[tilespmem:s0], [sflag:$0x1] =	stream.indirect.gather [hbm4b:s3+s24], $0x40, s19, s24, $0xb8;
	[tilespmem:$0x13800] =	vst v63  }
0x82: {  	_ =	swait.ge [sflag:s2], $0xC80  }
0x83: {  	[sflag:s2] =	ssyncset.done $0x0  }
0x84: {  	[sflag:s2] =	ssyncadd.s32 $0xFFFFF380  }
0x85: {  	[hbm4b:s22+s5] =	stream.strided.scatter [tilespmem:s11], [sflag:$0x2], $0xC80, s6, s5, $0x38;
	[tilespmem:$0x13800] =	vst v63  }
0x86: {  	_ =	swait.ge [sflag:s15], $0xC80  }
0x87: {  	[sflag:s15] =	ssyncset.done $0x0  }
0x88: {  	s20 =	simm.s32 $0x460;
	[sflag:s15] =	ssyncadd.s32 $0xFFFFF380  }
0x89: {  	[tilespmem:s26], [sflag:$0x1] =	stream.indirect.gather [hbm4b:s3+s24], $0x40, s20, s24, $0xb8;
	[tilespmem:$0x13800] =	vst v63  }
0x8a: {  	_ =	swait.ge [sflag:s2], $0xC80  }
0x8b: {  	[sflag:s2] =	ssyncset.done $0x0  }
0x8c: {  	s18 =	sadd.s32 $0x380, s22;
	[sflag:s2] =	ssyncadd.s32 $0xFFFFF380  }
0x8d: {  	[hbm4b:s18+s5] =	stream.strided.scatter [tilespmem:s12], [sflag:$0x2], $0xC80, s6, s5, $0x38;
	[tilespmem:$0x13800] =	vst v63  }
0x8e: {  	_ =	swait.ge [sflag:s15], $0xC80  }
0x8f: {  	[sflag:s15] =	ssyncset.done $0x0  }
0x90: {  	s19 =	simm.s32 $0x498;
	[sflag:s15] =	ssyncadd.s32 $0xFFFFF380  }
0x91: {  	[tilespmem:s31], [sflag:$0x1] =	stream.indirect.gather [hbm4b:s3+s24], $0x40, s19, s24, $0xb8;
	[tilespmem:$0x13800] =	vst v63  }
0x92: {  	_ =	swait.ge [sflag:s2], $0xC80  }
0x93: {  	[sflag:s2] =	ssyncset.done $0x0  }
0x94: {  	s20 =	sadd.s32 $0x700, s22;
	[sflag:s2] =	ssyncadd.s32 $0xFFFFF380  }
0x95: {  	[hbm4b:s20+s5] =	stream.strided.scatter [tilespmem:s13], [sflag:$0x2], $0xC80, s6, s5, $0x38;
	[tilespmem:$0x13800] =	vst v63  }
0x96: {  	_ =	swait.ge [sflag:s15], $0xC80  }
0x97: {  	[sflag:s15] =	ssyncset.done $0x0  }
0x98: {  	s18 =	simm.s32 $0x4D0;
	[sflag:s15] =	ssyncadd.s32 $0xFFFFF380  }
0x99: {  	[tilespmem:s29], [sflag:$0x1] =	stream.indirect.gather [hbm4b:s3+s24], $0x40, s18, s24, $0xb8;
	[tilespmem:$0x13800] =	vst v63  }
0x9a: {  	_ =	swait.ge [sflag:s2], $0xC80  }
0x9b: {  	[sflag:s2] =	ssyncset.done $0x0  }
0x9c: {  	s19 =	sadd.s32 $0xA80, s22;
	[sflag:s2] =	ssyncadd.s32 $0xFFFFF380  }
0x9d: {  	[hbm4b:s19+s5] =	stream.strided.scatter [tilespmem:s14], [sflag:$0x2], $0xC80, s6, s5, $0x38;
	[tilespmem:$0x13800] =	vst v63  }
0x9e: {  	_ =	swait.ge [sflag:s15], $0xC80  }
0x9f: {  	[sflag:s15] =	ssyncset.done $0x0  }
0xa0: {  	s20 =	simm.s32 $0x508;
	[sflag:s15] =	ssyncadd.s32 $0xFFFFF380  }
0xa1: {  	[tilespmem:s1], [sflag:$0x1] =	stream.indirect.gather [hbm4b:s3+s24], $0x40, s20, s24, $0xb8;
	[tilespmem:$0x13800] =	vst v63  }
0xa2: {  	_ =	swait.ge [sflag:s2], $0xC80  }
0xa3: {  	[sflag:s2] =	ssyncset.done $0x0  }
0xa4: {  	s18 =	sadd.s32 $0xE00, s22;
	[sflag:s2] =	ssyncadd.s32 $0xFFFFF380  }
0xa5: {  	[hbm4b:s18+s5] =	stream.strided.scatter [tilespmem:s25], [sflag:$0x2], $0xC80, s6, s5, $0x38;
	[tilespmem:$0x13800] =	vst v63  }
0xa6: {  	_ =	swait.ge [sflag:s15], $0xC80  }
0xa7: {  	[sflag:s15] =	ssyncset.done $0x0  }
0xa8: {  	s19 =	simm.s32 $0x540;
	[sflag:s15] =	ssyncadd.s32 $0xFFFFF380  }
0xa9: {  	[tilespmem:s7], [sflag:$0x1] =	stream.indirect.gather [hbm4b:s3+s24], $0x40, s19, s24, $0xb8;
	[tilespmem:$0x13800] =	vst v63  }
0xaa: {  	_ =	swait.ge [sflag:s2], $0xC80  }
0xab: {  	[sflag:s2] =	ssyncset.done $0x0  }
0xac: {  	s20 =	sadd.s32 $0x1180, s22;
	[sflag:s2] =	ssyncadd.s32 $0xFFFFF380  }
0xad: {  	[hbm4b:s20+s5] =	stream.strided.scatter [tilespmem:s28], [sflag:$0x2], $0xC80, s6, s5, $0x38;
	[tilespmem:$0x13800] =	vst v63  }
0xae: {  	_ =	swait.ge [sflag:s15], $0xC80  }
0xaf: {  	[sflag:s15] =	ssyncset.done $0x0  }
0xb0: {  	s18 =	simm.s32 $0x578;
	[sflag:s15] =	ssyncadd.s32 $0xFFFFF380  }
0xb1: {  	[tilespmem:s8], [sflag:$0x1] =	stream.indirect.gather [hbm4b:s3+s24], $0x40, s18, s24, $0xb8;
	[tilespmem:$0x13800] =	vst v63  }
0xb2: {  	_ =	swait.ge [sflag:s2], $0xC80  }
0xb3: {  	[sflag:s2] =	ssyncset.done $0x0  }
0xb4: {  	s19 =	sadd.s32 $0x1500, s22;
	[sflag:s2] =	ssyncadd.s32 $0xFFFFF380  }
0xb5: {  	[hbm4b:s19+s5] =	stream.strided.scatter [tilespmem:s30], [sflag:$0x2], $0xC80, s6, s5, $0x38;
	[tilespmem:$0x13800] =	vst v63  }
0xb6: {  	_ =	swait.ge [sflag:s15], $0xC80  }
0xb7: {  	[sflag:s15] =	ssyncset.done $0x0  }
0xb8: {  	s20 =	simm.s32 $0x5B0;
	[sflag:s15] =	ssyncadd.s32 $0xFFFFF380  }
0xb9: {  	[tilespmem:s9], [sflag:$0x1] =	stream.indirect.gather [hbm4b:s3+s24], $0x40, s20, s24, $0xb8;
	[tilespmem:$0x13800] =	vst v63  }
0xba: {  	_ =	swait.ge [sflag:s2], $0xC80  }
0xbb: {  	[sflag:s2] =	ssyncset.done $0x0  }
0xbc: {  	s18 =	sadd.s32 $0x1880, s22;
	[sflag:s2] =	ssyncadd.s32 $0xFFFFF380  }
0xbd: {  	[hbm4b:s18+s5] =	stream.strided.scatter [tilespmem:s0], [sflag:$0x2], $0xC80, s6, s5, $0x38;
	[tilespmem:$0x13800] =	vst v63  }
0xbe: {  	_ =	swait.ge [sflag:s15], $0xC80  }
0xbf: {  	[sflag:s15] =	ssyncset.done $0x0  }
0xc0: {  	s19 =	simm.s32 $0x5E8;
	[sflag:s15] =	ssyncadd.s32 $0xFFFFF380  }
0xc1: {  	[tilespmem:s10], [sflag:$0x1] =	stream.indirect.gather [hbm4b:s3+s24], $0x40, s19, s24, $0xb8;
	[tilespmem:$0x13800] =	vst v63  }
0xc2: {  	_ =	swait.ge [sflag:s2], $0xC80  }
0xc3: {  	[sflag:s2] =	ssyncset.done $0x0  }
0xc4: {  	s20 =	sadd.s32 $0x1C00, s22;
	[sflag:s2] =	ssyncadd.s32 $0xFFFFF380  }
0xc5: {  	[hbm4b:s20+s5] =	stream.strided.scatter [tilespmem:s26], [sflag:$0x2], $0xC80, s6, s5, $0x38;
	[tilespmem:$0x13800] =	vst v63  }
0xc6: {  	_ =	swait.ge [sflag:s15], $0xC80  }
0xc7: {  	[sflag:s15] =	ssyncset.done $0x0  }
0xc8: {  	s18 =	simm.s32 $0x620;
	[sflag:s15] =	ssyncadd.s32 $0xFFFFF380  }
0xc9: {  	[tilespmem:s11], [sflag:$0x1] =	stream.indirect.gather [hbm4b:s3+s24], $0x40, s18, s24, $0xb8;
	[tilespmem:$0x13800] =	vst v63  }
0xca: {  	_ =	swait.ge [sflag:s2], $0xC80  }
0xcb: {  	[sflag:s2] =	ssyncset.done $0x0  }
0xcc: {  	s19 =	sadd.s32 $0x1F80, s22;
	[sflag:s2] =	ssyncadd.s32 $0xFFFFF380  }
0xcd: {  	[hbm4b:s19+s5] =	stream.strided.scatter [tilespmem:s31], [sflag:$0x2], $0xC80, s6, s5, $0x38;
	[tilespmem:$0x13800] =	vst v63  }
0xce: {  	_ =	swait.ge [sflag:s15], $0xC80  }
0xcf: {  	[sflag:s15] =	ssyncset.done $0x0  }
0xd0: {  	s20 =	simm.s32 $0x658;
	[sflag:s15] =	ssyncadd.s32 $0xFFFFF380  }
0xd1: {  	[tilespmem:s12], [sflag:$0x1] =	stream.indirect.gather [hbm4b:s3+s24], $0x40, s20, s24, $0xb8;
	[tilespmem:$0x13800] =	vst v63  }
0xd2: {  	_ =	swait.ge [sflag:s2], $0xC80  }
0xd3: {  	[sflag:s2] =	ssyncset.done $0x0  }
0xd4: {  	s18 =	sadd.s32 $0x2300, s22;
	[sflag:s2] =	ssyncadd.s32 $0xFFFFF380  }
0xd5: {  	[hbm4b:s18+s5] =	stream.strided.scatter [tilespmem:s29], [sflag:$0x2], $0xC80, s6, s5, $0x38;
	[tilespmem:$0x13800] =	vst v63  }
0xd6: {  	_ =	swait.ge [sflag:s15], $0xC80  }
0xd7: {  	[sflag:s15] =	ssyncset.done $0x0  }
0xd8: {  	s19 =	simm.s32 $0x690;
	[sflag:s15] =	ssyncadd.s32 $0xFFFFF380  }
0xd9: {  	[tilespmem:s13], [sflag:$0x1] =	stream.indirect.gather [hbm4b:s3+s24], $0x40, s19, s24, $0xb8;
	[tilespmem:$0x13800] =	vst v63  }
0xda: {  	_ =	swait.ge [sflag:s2], $0xC80  }
0xdb: {  	[sflag:s2] =	ssyncset.done $0x0  }
0xdc: {  	s20 =	sadd.s32 $0x2680, s22;
	[sflag:s2] =	ssyncadd.s32 $0xFFFFF380  }
0xdd: {  	[hbm4b:s20+s5] =	stream.strided.scatter [tilespmem:s1], [sflag:$0x2], $0xC80, s6, s5, $0x38;
	[tilespmem:$0x13800] =	vst v63  }
0xde: {  	_ =	swait.ge [sflag:s15], $0xC80  }
0xdf: {  	s17 =	simm.s32 $0xE00;
	[sflag:s15] =	ssyncset.done $0x0  }
0xe0: {  	s18 =	sadd.s32 $0x3800, s22;
	s19 =	simm.s32 $0x6C8;
	[sflag:s15] =	ssyncadd.s32 $0xFFFFF380  }
.LBB2_2:
0xe1: {  	[tilespmem:s14], [sflag:$0x1] =	stream.indirect.gather [hbm4b:s3+s24], $0x40, s19, s24, $0xb8;
	[tilespmem:$0x13800] =	vst v63  }
0xe2: {  	s19 =	smov.u32 s17  }
0xe3: {  	p0 =	sne.s32 s17, $0x1A400;
	s17 =	sadd.s32 $0xE00, s17;
	_ =	swait.ge [sflag:s2], $0xC80  }
0xe4: {  	[sflag:s2] =	ssyncset.done $0x0  }
0xe5: {  	s20 =	sadd.s32 $0xFFFFF200, s18;
	[sflag:s2] =	ssyncadd.s32 $0xFFFFF380  }
0xe6: {  	[hbm4b:s20+s5] =	stream.strided.scatter [tilespmem:s7], [sflag:$0x2], $0xC80, s6, s5, $0x38;
	[tilespmem:$0x13800] =	vst v63  }
0xe7: {  	_ =	swait.ge [sflag:s15], $0xC80  }
0xe8: {  	s19 =	sshra.s32 s19, $0x2;
	[sflag:s15] =	ssyncset.done $0x0  }
0xe9: {  	s20 =	sadd.s32 $0x380, s19;
	[sflag:s15] =	ssyncadd.s32 $0xFFFFF380  }
0xea: {  	[tilespmem:s25], [sflag:$0x1] =	stream.indirect.gather [hbm4b:s3+s24], $0x40, s20, s24, $0xb8;
	[tilespmem:$0x13800] =	vst v63  }
0xeb: {  	_ =	swait.ge [sflag:s2], $0xC80  }
0xec: {  	[sflag:s2] =	ssyncset.done $0x0  }
0xed: {  	s20 =	sadd.s32 $0xFFFFF580, s18;
	[sflag:s2] =	ssyncadd.s32 $0xFFFFF380  }
0xee: {  	[hbm4b:s20+s5] =	stream.strided.scatter [tilespmem:s8], [sflag:$0x2], $0xC80, s6, s5, $0x38;
	[tilespmem:$0x13800] =	vst v63  }
0xef: {  	_ =	swait.ge [sflag:s15], $0xC80  }
0xf0: {  	[sflag:s15] =	ssyncset.done $0x0  }
0xf1: {  	s20 =	sadd.s32 $0x3B8, s19;
	[sflag:s15] =	ssyncadd.s32 $0xFFFFF380  }
0xf2: {  	[tilespmem:s28], [sflag:$0x1] =	stream.indirect.gather [hbm4b:s3+s24], $0x40, s20, s24, $0xb8;
	[tilespmem:$0x13800] =	vst v63  }
0xf3: {  	_ =	swait.ge [sflag:s2], $0xC80  }
0xf4: {  	[sflag:s2] =	ssyncset.done $0x0  }
0xf5: {  	s20 =	sadd.s32 $0xFFFFF900, s18;
	[sflag:s2] =	ssyncadd.s32 $0xFFFFF380  }
0xf6: {  	[hbm4b:s20+s5] =	stream.strided.scatter [tilespmem:s9], [sflag:$0x2], $0xC80, s6, s5, $0x38;
	[tilespmem:$0x13800] =	vst v63  }
0xf7: {  	_ =	swait.ge [sflag:s15], $0xC80  }
0xf8: {  	[sflag:s15] =	ssyncset.done $0x0  }
0xf9: {  	s20 =	sadd.s32 $0x3F0, s19;
	[sflag:s15] =	ssyncadd.s32 $0xFFFFF380  }
0xfa: {  	[tilespmem:s30], [sflag:$0x1] =	stream.indirect.gather [hbm4b:s3+s24], $0x40, s20, s24, $0xb8;
	[tilespmem:$0x13800] =	vst v63  }
0xfb: {  	_ =	swait.ge [sflag:s2], $0xC80  }
0xfc: {  	[sflag:s2] =	ssyncset.done $0x0  }
0xfd: {  	s20 =	sadd.s32 $0xFFFFFC80, s18;
	[sflag:s2] =	ssyncadd.s32 $0xFFFFF380  }
0xfe: {  	[hbm4b:s20+s5] =	stream.strided.scatter [tilespmem:s10], [sflag:$0x2], $0xC80, s6, s5, $0x38;
	[tilespmem:$0x13800] =	vst v63  }
0xff: {  	_ =	swait.ge [sflag:s15], $0xC80  }
0x100: {  	[sflag:s15] =	ssyncset.done $0x0  }
0x101: {  	s20 =	sadd.s32 $0x428, s19;
	[sflag:s15] =	ssyncadd.s32 $0xFFFFF380  }
0x102: {  	[tilespmem:s0], [sflag:$0x1] =	stream.indirect.gather [hbm4b:s3+s24], $0x40, s20, s24, $0xb8;
	[tilespmem:$0x13800] =	vst v63  }
0x103: {  	_ =	swait.ge [sflag:s2], $0xC80  }
0x104: {  	[sflag:s2] =	ssyncset.done $0x0  }
0x105: {  	[sflag:s2] =	ssyncadd.s32 $0xFFFFF380  }
0x106: {  	[hbm4b:s18+s5] =	stream.strided.scatter [tilespmem:s11], [sflag:$0x2], $0xC80, s6, s5, $0x38;
	[tilespmem:$0x13800] =	vst v63  }
0x107: {  	_ =	swait.ge [sflag:s15], $0xC80  }
0x108: {  	[sflag:s15] =	ssyncset.done $0x0  }
0x109: {  	s20 =	sadd.s32 $0x460, s19;
	[sflag:s15] =	ssyncadd.s32 $0xFFFFF380  }
0x10a: {  	[tilespmem:s26], [sflag:$0x1] =	stream.indirect.gather [hbm4b:s3+s24], $0x40, s20, s24, $0xb8;
	[tilespmem:$0x13800] =	vst v63  }
0x10b: {  	_ =	swait.ge [sflag:s2], $0xC80  }
0x10c: {  	[sflag:s2] =	ssyncset.done $0x0  }
0x10d: {  	s20 =	sadd.s32 $0x380, s18;
	[sflag:s2] =	ssyncadd.s32 $0xFFFFF380  }
0x10e: {  	[hbm4b:s20+s5] =	stream.strided.scatter [tilespmem:s12], [sflag:$0x2], $0xC80, s6, s5, $0x38;
	[tilespmem:$0x13800] =	vst v63  }
0x10f: {  	_ =	swait.ge [sflag:s15], $0xC80  }
0x110: {  	[sflag:s15] =	ssyncset.done $0x0  }
0x111: {  	s20 =	sadd.s32 $0x498, s19;
	[sflag:s15] =	ssyncadd.s32 $0xFFFFF380  }
0x112: {  	[tilespmem:s31], [sflag:$0x1] =	stream.indirect.gather [hbm4b:s3+s24], $0x40, s20, s24, $0xb8;
	[tilespmem:$0x13800] =	vst v63  }
0x113: {  	_ =	swait.ge [sflag:s2], $0xC80  }
0x114: {  	[sflag:s2] =	ssyncset.done $0x0  }
0x115: {  	s20 =	sadd.s32 $0x700, s18;
	[sflag:s2] =	ssyncadd.s32 $0xFFFFF380  }
0x116: {  	[hbm4b:s20+s5] =	stream.strided.scatter [tilespmem:s13], [sflag:$0x2], $0xC80, s6, s5, $0x38;
	[tilespmem:$0x13800] =	vst v63  }
0x117: {  	_ =	swait.ge [sflag:s15], $0xC80  }
0x118: {  	[sflag:s15] =	ssyncset.done $0x0  }
0x119: {  	s20 =	sadd.s32 $0x4D0, s19;
	[sflag:s15] =	ssyncadd.s32 $0xFFFFF380  }
0x11a: {  	[tilespmem:s29], [sflag:$0x1] =	stream.indirect.gather [hbm4b:s3+s24], $0x40, s20, s24, $0xb8;
	[tilespmem:$0x13800] =	vst v63  }
0x11b: {  	_ =	swait.ge [sflag:s2], $0xC80  }
0x11c: {  	[sflag:s2] =	ssyncset.done $0x0  }
0x11d: {  	s20 =	sadd.s32 $0xA80, s18;
	[sflag:s2] =	ssyncadd.s32 $0xFFFFF380  }
0x11e: {  	[hbm4b:s20+s5] =	stream.strided.scatter [tilespmem:s14], [sflag:$0x2], $0xC80, s6, s5, $0x38;
	[tilespmem:$0x13800] =	vst v63  }
0x11f: {  	_ =	swait.ge [sflag:s15], $0xC80  }
0x120: {  	[sflag:s15] =	ssyncset.done $0x0  }
0x121: {  	s20 =	sadd.s32 $0x508, s19;
	[sflag:s15] =	ssyncadd.s32 $0xFFFFF380  }
0x122: {  	[tilespmem:s1], [sflag:$0x1] =	stream.indirect.gather [hbm4b:s3+s24], $0x40, s20, s24, $0xb8;
	[tilespmem:$0x13800] =	vst v63  }
0x123: {  	_ =	swait.ge [sflag:s2], $0xC80  }
0x124: {  	[sflag:s2] =	ssyncset.done $0x0  }
0x125: {  	s20 =	sadd.s32 $0xE00, s18;
	[sflag:s2] =	ssyncadd.s32 $0xFFFFF380  }
0x126: {  	[hbm4b:s20+s5] =	stream.strided.scatter [tilespmem:s25], [sflag:$0x2], $0xC80, s6, s5, $0x38;
	[tilespmem:$0x13800] =	vst v63  }
0x127: {  	_ =	swait.ge [sflag:s15], $0xC80  }
0x128: {  	[sflag:s15] =	ssyncset.done $0x0  }
0x129: {  	s20 =	sadd.s32 $0x540, s19;
	[sflag:s15] =	ssyncadd.s32 $0xFFFFF380  }
0x12a: {  	[tilespmem:s7], [sflag:$0x1] =	stream.indirect.gather [hbm4b:s3+s24], $0x40, s20, s24, $0xb8;
	[tilespmem:$0x13800] =	vst v63  }
0x12b: {  	_ =	swait.ge [sflag:s2], $0xC80  }
0x12c: {  	[sflag:s2] =	ssyncset.done $0x0  }
0x12d: {  	s20 =	sadd.s32 $0x1180, s18;
	[sflag:s2] =	ssyncadd.s32 $0xFFFFF380  }
0x12e: {  	[hbm4b:s20+s5] =	stream.strided.scatter [tilespmem:s28], [sflag:$0x2], $0xC80, s6, s5, $0x38;
	[tilespmem:$0x13800] =	vst v63  }
0x12f: {  	_ =	swait.ge [sflag:s15], $0xC80  }
0x130: {  	[sflag:s15] =	ssyncset.done $0x0  }
0x131: {  	s20 =	sadd.s32 $0x578, s19;
	[sflag:s15] =	ssyncadd.s32 $0xFFFFF380  }
0x132: {  	[tilespmem:s8], [sflag:$0x1] =	stream.indirect.gather [hbm4b:s3+s24], $0x40, s20, s24, $0xb8;
	[tilespmem:$0x13800] =	vst v63  }
0x133: {  	_ =	swait.ge [sflag:s2], $0xC80  }
0x134: {  	[sflag:s2] =	ssyncset.done $0x0  }
0x135: {  	s20 =	sadd.s32 $0x1500, s18;
	[sflag:s2] =	ssyncadd.s32 $0xFFFFF380  }
0x136: {  	[hbm4b:s20+s5] =	stream.strided.scatter [tilespmem:s30], [sflag:$0x2], $0xC80, s6, s5, $0x38;
	[tilespmem:$0x13800] =	vst v63  }
0x137: {  	_ =	swait.ge [sflag:s15], $0xC80  }
0x138: {  	[sflag:s15] =	ssyncset.done $0x0  }
0x139: {  	s20 =	sadd.s32 $0x5B0, s19;
	[sflag:s15] =	ssyncadd.s32 $0xFFFFF380  }
0x13a: {  	[tilespmem:s9], [sflag:$0x1] =	stream.indirect.gather [hbm4b:s3+s24], $0x40, s20, s24, $0xb8;
	[tilespmem:$0x13800] =	vst v63  }
0x13b: {  	_ =	swait.ge [sflag:s2], $0xC80  }
0x13c: {  	[sflag:s2] =	ssyncset.done $0x0  }
0x13d: {  	s20 =	sadd.s32 $0x1880, s18;
	[sflag:s2] =	ssyncadd.s32 $0xFFFFF380  }
0x13e: {  	[hbm4b:s20+s5] =	stream.strided.scatter [tilespmem:s0], [sflag:$0x2], $0xC80, s6, s5, $0x38;
	[tilespmem:$0x13800] =	vst v63  }
0x13f: {  	_ =	swait.ge [sflag:s15], $0xC80  }
0x140: {  	[sflag:s15] =	ssyncset.done $0x0  }
0x141: {  	s20 =	sadd.s32 $0x5E8, s19;
	[sflag:s15] =	ssyncadd.s32 $0xFFFFF380  }
0x142: {  	[tilespmem:s10], [sflag:$0x1] =	stream.indirect.gather [hbm4b:s3+s24], $0x40, s20, s24, $0xb8;
	[tilespmem:$0x13800] =	vst v63  }
0x143: {  	_ =	swait.ge [sflag:s2], $0xC80  }
0x144: {  	[sflag:s2] =	ssyncset.done $0x0  }
0x145: {  	s20 =	sadd.s32 $0x1C00, s18;
	[sflag:s2] =	ssyncadd.s32 $0xFFFFF380  }
0x146: {  	[hbm4b:s20+s5] =	stream.strided.scatter [tilespmem:s26], [sflag:$0x2], $0xC80, s6, s5, $0x38;
	[tilespmem:$0x13800] =	vst v63  }
0x147: {  	_ =	swait.ge [sflag:s15], $0xC80  }
0x148: {  	[sflag:s15] =	ssyncset.done $0x0  }
0x149: {  	s20 =	sadd.s32 $0x620, s19;
	[sflag:s15] =	ssyncadd.s32 $0xFFFFF380  }
0x14a: {  	[tilespmem:s11], [sflag:$0x1] =	stream.indirect.gather [hbm4b:s3+s24], $0x40, s20, s24, $0xb8;
	[tilespmem:$0x13800] =	vst v63  }
0x14b: {  	_ =	swait.ge [sflag:s2], $0xC80  }
0x14c: {  	[sflag:s2] =	ssyncset.done $0x0  }
0x14d: {  	s20 =	sadd.s32 $0x1F80, s18;
	[sflag:s2] =	ssyncadd.s32 $0xFFFFF380  }
0x14e: {  	[hbm4b:s20+s5] =	stream.strided.scatter [tilespmem:s31], [sflag:$0x2], $0xC80, s6, s5, $0x38;
	[tilespmem:$0x13800] =	vst v63  }
0x14f: {  	_ =	swait.ge [sflag:s15], $0xC80  }
0x150: {  	[sflag:s15] =	ssyncset.done $0x0  }
0x151: {  	s20 =	sadd.s32 $0x658, s19;
	[sflag:s15] =	ssyncadd.s32 $0xFFFFF380  }
0x152: {  	[tilespmem:s12], [sflag:$0x1] =	stream.indirect.gather [hbm4b:s3+s24], $0x40, s20, s24, $0xb8;
	[tilespmem:$0x13800] =	vst v63  }
0x153: {  	_ =	swait.ge [sflag:s2], $0xC80  }
0x154: {  	[sflag:s2] =	ssyncset.done $0x0  }
0x155: {  	s20 =	sadd.s32 $0x2300, s18;
	[sflag:s2] =	ssyncadd.s32 $0xFFFFF380  }
0x156: {  	[hbm4b:s20+s5] =	stream.strided.scatter [tilespmem:s29], [sflag:$0x2], $0xC80, s6, s5, $0x38;
	[tilespmem:$0x13800] =	vst v63  }
0x157: {  	_ =	swait.ge [sflag:s15], $0xC80  }
0x158: {  	[sflag:s15] =	ssyncset.done $0x0  }
0x159: {  	s20 =	sadd.s32 $0x690, s19;
	[sflag:s15] =	ssyncadd.s32 $0xFFFFF380  }
0x15a: {  	[tilespmem:s13], [sflag:$0x1] =	stream.indirect.gather [hbm4b:s3+s24], $0x40, s20, s24, $0xb8;
	[tilespmem:$0x13800] =	vst v63  }
0x15b: {  	_ =	swait.ge [sflag:s2], $0xC80  }
0x15c: {  	[sflag:s2] =	ssyncset.done $0x0  }
.Ltmp0:
0x15d: {  	s20 =	sadd.s32 $0x2680, s18;
	[sflag:s2] =	ssyncadd.s32 $0xFFFFF380;
	(pc) =	sbr.rel @p0 .LBB2_2-.Ltmp0, $4  }
0x15e: {  	[hbm4b:s20+s5] =	stream.strided.scatter [tilespmem:s1], [sflag:$0x2], $0xC80, s6, s5, $0x38;
	[tilespmem:$0x13800] =	vst v63  }
0x15f: {  	_ =	swait.ge [sflag:s15], $0xC80  }
0x160: {  	[sflag:s15] =	ssyncset.done $0x0  }
0x161: {  	s19 =	sadd.s32 $0x6C8, s19;
	s18 =	sadd.s32 $0x3800, s18;
	[sflag:s15] =	ssyncadd.s32 $0xFFFFF380  }
0x162: {  	[tilespmem:s14], [sflag:$0x1] =	stream.indirect.gather [hbm4b:s3+s24], $0x40, s19, s24, $0xb8;
	[tilespmem:$0x13800] =	vst v63  }
0x163: {  	_ =	swait.ge [sflag:s2], $0xC80  }
0x164: {  	[sflag:s2] =	ssyncset.done $0x0  }
0x165: {  	s17 =	rddreg [dreg:$0xb];
	[sflag:s2] =	ssyncadd.s32 $0xFFFFF380  }
0x166: {  	[hbm4b:s17+s5] =	stream.strided.scatter [tilespmem:s7], [sflag:$0x2], $0xC80, s6, s5, $0x38;
	[tilespmem:$0x13800] =	vst v63  }
0x167: {  	_ =	swait.ge [sflag:s2], $0xC80  }
0x168: {  	[sflag:s2] =	ssyncset.done $0x0  }
0x169: {  	s20 =	rddreg [dreg:$0xc];
	[sflag:s2] =	ssyncadd.s32 $0xFFFFF380  }
0x16a: {  	[hbm4b:s20+s5] =	stream.strided.scatter [tilespmem:s8], [sflag:$0x2], $0xC80, s6, s5, $0x38;
	[tilespmem:$0x13800] =	vst v63  }
0x16b: {  	_ =	swait.ge [sflag:s2], $0xC80  }
0x16c: {  	[sflag:s2] =	ssyncset.done $0x0  }
0x16d: {  	s18 =	rddreg [dreg:$0xd];
	[sflag:s2] =	ssyncadd.s32 $0xFFFFF380  }
0x16e: {  	[hbm4b:s18+s5] =	stream.strided.scatter [tilespmem:s9], [sflag:$0x2], $0xC80, s6, s5, $0x38;
	[tilespmem:$0x13800] =	vst v63  }
0x16f: {  	_ =	swait.ge [sflag:s2], $0xC80  }
0x170: {  	[sflag:s2] =	ssyncset.done $0x0  }
0x171: {  	s19 =	rddreg [dreg:$0xe];
	[sflag:s2] =	ssyncadd.s32 $0xFFFFF380  }
0x172: {  	[hbm4b:s19+s5] =	stream.strided.scatter [tilespmem:s10], [sflag:$0x2], $0xC80, s6, s5, $0x38;
	[tilespmem:$0x13800] =	vst v63  }
0x173: {  	_ =	swait.ge [sflag:s2], $0xC80  }
0x174: {  	[sflag:s2] =	ssyncset.done $0x0  }
0x175: {  	s20 =	rddreg [dreg:$0xf];
	[sflag:s2] =	ssyncadd.s32 $0xFFFFF380  }
0x176: {  	[hbm4b:s20+s5] =	stream.strided.scatter [tilespmem:s11], [sflag:$0x2], $0xC80, s6, s5, $0x38;
	[tilespmem:$0x13800] =	vst v63  }
0x177: {  	_ =	swait.ge [sflag:s2], $0xC80  }
0x178: {  	[sflag:s2] =	ssyncset.done $0x0  }
0x179: {  	s18 =	rddreg [dreg:$0x10];
	[sflag:s2] =	ssyncadd.s32 $0xFFFFF380  }
0x17a: {  	[hbm4b:s18+s5] =	stream.strided.scatter [tilespmem:s12], [sflag:$0x2], $0xC80, s6, s5, $0x38;
	[tilespmem:$0x13800] =	vst v63  }
0x17b: {  	_ =	swait.ge [sflag:s2], $0xC80  }
0x17c: {  	[sflag:s2] =	ssyncset.done $0x0  }
0x17d: {  	s19 =	rddreg [dreg:$0x11];
	[sflag:s2] =	ssyncadd.s32 $0xFFFFF380  }
0x17e: {  	[hbm4b:s19+s5] =	stream.strided.scatter [tilespmem:s13], [sflag:$0x2], $0xC80, s6, s5, $0x38;
	[tilespmem:$0x13800] =	vst v63  }
0x17f: {  	_ =	swait.ge [sflag:s2], $0xC80  }
0x180: {  	[sflag:s2] =	ssyncset.done $0x0  }
0x181: {  	s20 =	rddreg [dreg:$0x12];
	[sflag:s2] =	ssyncadd.s32 $0xFFFFF380  }
0x182: {  	[hbm4b:s20+s5] =	stream.strided.scatter [tilespmem:s14], [sflag:$0x2], $0xC80, s6, s5, $0x38;
	[tilespmem:$0x13800] =	vst v63  }
0x183: {  	_ =	swait.ge [sflag:s15], $0xC80  }
0x184: {  	[sflag:s15] =	ssyncset.done $0x0  }
0x185: {  	[sflag:s15] =	ssyncadd.s32 $0xFFFFF380  }
0x186: {  	_ =	swait.ge [sflag:s15], $0xC80  }
0x187: {  	[sflag:s15] =	ssyncset.done $0x0  }
0x188: {  	[sflag:s15] =	ssyncadd.s32 $0xFFFFF380  }
0x189: {  	_ =	swait.ge [sflag:s15], $0xC80  }
0x18a: {  	[sflag:s15] =	ssyncset.done $0x0  }
0x18b: {  	[sflag:s15] =	ssyncadd.s32 $0xFFFFF380  }
0x18c: {  	_ =	swait.ge [sflag:s15], $0xC80  }
0x18d: {  	[sflag:s15] =	ssyncset.done $0x0  }
0x18e: {  	[sflag:s15] =	ssyncadd.s32 $0xFFFFF380  }
0x18f: {  	_ =	swait.ge [sflag:s15], $0xC80  }
0x190: {  	[sflag:s15] =	ssyncset.done $0x0  }
0x191: {  	[sflag:s15] =	ssyncadd.s32 $0xFFFFF380  }
0x192: {  	_ =	swait.ge [sflag:s15], $0xC80  }
0x193: {  	[sflag:s15] =	ssyncset.done $0x0  }
0x194: {  	[sflag:s15] =	ssyncadd.s32 $0xFFFFF380  }
0x195: {  	_ =	swait.ge [sflag:s15], $0xC80  }
0x196: {  	[sflag:s15] =	ssyncset.done $0x0  }
0x197: {  	[sflag:s15] =	ssyncadd.s32 $0xFFFFF380  }
0x198: {  	_ =	swait.ge [sflag:s15], $0xC80  }
0x199: {  	[sflag:s15] =	ssyncset.done $0x0  }
0x19a: {  	[sflag:s15] =	ssyncadd.s32 $0xFFFFF380  }
0x19b: {  	_ =	swait.ge [sflag:s15], $0xC80  }
0x19c: {  	[sflag:s15] =	ssyncset.done $0x0  }
0x19d: {  	[sflag:s15] =	ssyncadd.s32 $0xFFFFF380  }
0x19e: {  	_ =	swait.ge [sflag:s15], $0xC80  }
0x19f: {  	[sflag:s15] =	ssyncset.done $0x0  }
0x1a0: {  	[sflag:s15] =	ssyncadd.s32 $0xFFFFF380  }
0x1a1: {  	_ =	swait.ge [sflag:s15], $0xC80  }
0x1a2: {  	[sflag:s15] =	ssyncset.done $0x0  }
0x1a3: {  	[sflag:s15] =	ssyncadd.s32 $0xFFFFF380  }
0x1a4: {  	_ =	swait.ge [sflag:s15], $0xC80  }
0x1a5: {  	[sflag:s15] =	ssyncset.done $0x0  }
0x1a6: {  	[sflag:s15] =	ssyncadd.s32 $0xFFFFF380  }
0x1a7: {  	_ =	swait.ge [sflag:s15], $0xC80  }
0x1a8: {  	[sflag:s15] =	ssyncset.done $0x0  }
0x1a9: {  	[sflag:s15] =	ssyncadd.s32 $0xFFFFF380  }
0x1aa: {  	_ =	swait.ge [sflag:s15], $0xC80  }
0x1ab: {  	[sflag:s15] =	ssyncset.done $0x0  }
0x1ac: {  	s16 =	sadd.s32 $0x1, s16;
	[sflag:s15] =	ssyncadd.s32 $0xFFFFF380  }
0x1ad: {  	p0 =	sne.s32 s16, s21;
	_ =	swait.ge [sflag:s15], $0xC80  }
.Ltmp1:
0x1ae: {  	[sflag:s15] =	ssyncset.done $0x0;
	(pc) =	sbr.rel @p0 .LBB2_1-.Ltmp1, $4  }
0x1af: {  	[sflag:s15] =	ssyncadd.s32 $0xFFFFF380  }
0x1b0: {  	_ =	swait.ge [sflag:s15], $0xC80  }
0x1b1: {  	[sflag:s15] =	ssyncset.done $0x0  }
0x1b2: {  	[sflag:s15] =	ssyncadd.s32 $0xFFFFF380  }
0x1b3: {  	_ =	sfence.sel $0x180000  }
0x1b4: {  	[bflag:$0x0] =	sbarrier.arrive $0xFFFF  }
0x1b5: {  	_ =	strace $0x90000047  }
0x1b6: {  	s0 =	stileid.u32;
	[bflag:$0x2] =	sbarrier.arrive $0xFFFF  }
0x1b7: {  	p0 =	sne.s32 s0, $0x0;
	s0 =	rddreg [dreg:$0x2]  }
0x1b8: {  	s0 =	sadd.s32 @!p0 $0x100000, s0  }
0x1b9: {  	[sflag:s0] =	ssyncadd.tile.s32 @!p0 $0x1;
	_ =	shalt  }
.Lfunc_end2:
_tile_overlayer_lowered:
.L_overlay_start_2:
0x1ba: {  	(tag) =	ssettag $0x2  }
0x1bb: {  	s0 =	rddreg [dreg:$0x0];
	s2 =	stileid.u32  }
0x1bc: {  	s1 =	rddreg [dreg:$0x1];
	p0 =	sne.s32 s2, $0x0  }
0x1bd: {  	s3 =	rddreg [dreg:$0x2];
	[bflag:$0x3] =	sbarrier.arrive $0xFFFF;
	s2 =	simm.s32 @!p0 $0x1C03  }
0x1be: {  	[timem:s3], [sflag:s2] =	dma.local @!p0 [hbm:s0], s1  }
0x1bf: {  	s0 =	simm.s32 @!p0 $0x3  }
0x1c0: {  	_ =	swait.ge @!p0 [sflag:s0], s1  }
0x1c1: {  	s1 =	ssub.s32 @!p0 $0x0, s1;
	[sflag:s0] =	ssyncset.done @!p0 $0x0  }
0x1c2: {  	[sflag:s0] =	ssyncadd.s32 @!p0 s1  }
0x1c3: {  	[bflag:$0x3] =	sbarrier.arrive $0xFFFF  }
0x1c4: {  	_ =	shalt  }

// kernel: sparse-core-data-format-call.cloned.1.call-start
scs
called_computation_lowered:
.L_overlay_start_0:
0x0: {  	s2 =	sld [smem:$0x3FD9]  }
0x1: {  	s3 =	sld [smem:$0x3FFE];
	_ =	sdelay $0x1  }
0x2: {  	s1 =	srdreg.scid  }
0x3: {  	s0 =	sand.u32 $0x1, s1  }
0x4: {  	s18 =	sshll.u32 s0, $0xA;
	s2 =	sadd.s32 s3, s2  }
0x5: {  	s2 =	sadd.s32 s2, s18  }
0x6: {  	[smem:$0x3FC6] =	sst s2  }
0x7: {  	_ = 	snop  }
0x8: {  	s2 =	sld [smem:$0x3FD0];
	(tm) =	ssettm $0x1  }
0x9: {  	s19 =	sld [smem:$0x3FFB];
	_ =	sdelay $0x3  }
0xa: {  	_ =	strace s19  }
0xb: {  	s3 =	sld [smem:$0x3FFC];
	_ =	sdelay $0x3  }
0xc: {  	_ =	strace s3  }
0xd: {  	s3 =	sld [smem:$0x3FFD];
	_ =	sdelay $0x3  }
0xe: {  	_ =	strace s3  }
0xf: {  	_ =	strace $0x8FFFFFFF  }
0x10: {  	s20 =	sld [smem:$0x3FDB];
	_ =	sdelay $0x1  }
0x11: {  	s4 =	simm.s32 $_scs_section_size  }
0x12: {  	s5 =	simm.s32 $_size__tile_overlayer_lowered;
	s6 =	simm.s32 $_tile_overlayer_lowered  }
0x13: {  	s23 =	simm.s32 $0x1BFF;
	s22 =	sshll.u32 s6, $0x1;
	s3 =	sadd.s32 s4, s20  }
0x14: {  	s7 =	simm.s32 $0x0;
	s21 =	sshll.u32 s5, $0x1;
	s5 =	sadd.s32 s22, s3  }
0x15: {  	[timem:s7], [sflag:s23] =	dma.local [hbm:s5], s21  }
0x16: {  	_ =	swait.ge [sflag:s23], s21  }
0x17: {  	s4 =	ssub.s32 $0x0, s21;
	[sflag:s23] =	ssyncset.done $0x0  }
0x18: {  	[sflag:s23] =	ssyncadd.s32 s4;
	_ =	sdelay $0x1  }
0x19: {  	s24 =	simm.s32 $0x1B8B  }
0x1a: {  	_ =	swait.ge [sflag:s24], $0x1  }
0x1b: {  	[sflag:s24] =	ssyncset.done $0x0  }
0x1c: {  	s26 =	simm.s32 $0x1B8E;
	s25 =	sld [smem:$0x3FFE];
	[sflag:s24] =	ssyncadd.s32 $0xFFFFFFFF  }
0x1d: {  	s27 =	simm.s32 $execute0_lowered;
	[smem:$0x3FD2] =	sst s26  }
0x1e: {  	s5 =	sshll.u32 s27, $0x1;
	_ =	strace $0x80000049;
	[dreg:$0x1] =	wrdreg $0xFFFFFFFF  }
0x1f: {  	s28 =	simm.s32 $_size_execute0_lowered;
	s3 =	sadd.s32 s3, s5;
	[dreg:$0x0] =	wrdreg $0x0  }
0x20: {  	s5 =	sshll.u32 s28, $0x1;
	[dreg:$0x2] =	wrdreg s3  }
0x21: {  	[dreg:$0x3] =	wrdreg s5  }
0x22: {  	[dreg:$0x4] =	wrdreg $0xC0  }
0x23: {  	_ =	task [dreg:s7], $0x5FFFF  }
0x24: {  	[dreg:$0x1] =	wrdreg $0xFFFFFFFF  }
0x25: {  	[dreg:$0x0] =	wrdreg $0x60  }
0x26: {  	[dreg:$0x2] =	wrdreg s25  }
0x27: {  	[dreg:$0x3] =	wrdreg s2  }
0x28: {  	[dreg:$0x4] =	wrdreg $0x9  }
0x29: {  	_ =	task.clear_ibuf [dreg:s7], $0x5FFFF;
	_ =	strace $0x90000049  }
0x2a: {  	s29 =	simm.s32 $0x9;
	_ =	strace $0x8000004B  }
0x2b: {  	_ =	swait.ge [sflag:s29], $0x1  }
0x2c: {  	[sflag:s29] =	ssyncadd.s32 $0xFFFFFFFF  }
0x2d: {  	_ =	strace $0x9000004B  }
0x2e: {  	_ =	sfence  }
0x2f: {  	s30 =	sld [smem:$0x0];
	_ =	sdelay $0x2  }
0x30: {  	s31 =	sshll.u32 s1, $0xD;
	s1 =	sshrl.u32 s1, $0x2  }
0x31: {  	s3 =	sand.u32 $0x4000, s31;
	s1 =	sadd.s32 s1, s30  }
0x32: {  	s0 =	sor.u32 s3, s0;
	s1 =	sshll.u32 s1, $0x11  }
0x33: {  	s0 =	sor.u32 s1, s0  }
0x34: {  	s0 =	sadd.s32 $0x8F2B, s0  }
0x35: {  	[sflag:s0] =	ssyncadd.remote.s32 $0x1  }
0x36: {  	_ =	sfence.sel $0xFFFF  }
0x37: {  	[dreg:$0x0] =	wrdreg $0xFFFFFFFF;
	(pc) =	sbr.abs _section_cstart, $3  }
0x38: {  	[dreg:$0x1] =	wrdreg $0xFFFFFFFF  }
0x39: {  	_ =	task.clear_ibuf [dreg:s7], $0x2FFFF;
	_ =	strace $0x9FFFFFFF  }
0x3a: {  	(tm) =	ssettm $0x7FFFFFFF  }
0x3b: {  	_ =	shalt  }
tec
execute0_lowered:
.L_overlay_start_1:
0x0: {  	(tag) =	ssettag $0x1  }
0x1: {  	s0 =	srdreg.scid  }
0x2: {  	s1 =	sshll.u32 s0, $0x4  }
0x3: {  	s0 =	stileid.u32;
	s1 =	sand.u32 $0x10, s1  }
0x4: {  	s1 =	sor.u32 s0, s1  }
0x5: {  	s6 =	rddreg [dreg:$0x0];
	s4 =	simm.s32 $0x1;
	s2 =	sshll.u32 s1, $0x7  }
0x6: {  	s7 =	simm.s32 $0x2;
	s12 =	simm.s32 $0x0;
	s1 =	ssub.s32 $0x4000, s2  }
0x7: {  	s8 =	simm.s32 $0x20000;
	s13 =	simm.s32 $0x0;
	s3 =	sand.u32 $0xF80, s1  }
0x8: {  	s9 =	simm.s32 $0x0;
	s5 =	sshrl.u32 s1, $0xC;
	p0 =	sne.s32 s3, $0x0  }
.Ltmp0:
0x9: {  	s1 =	rddreg [dreg:$0x2];
	s4 =	simm.s32 @!p0 $0x0;
	(pc) =	sbr.rel .LBB1_1-.Ltmp0, $4  }
0xa: {  	s11 =	simm.s32 $0x0;
	s3 =	rddreg [dreg:$0x1];
	s5 =	sadd.s32 s4, s5  }
0xb: {  	_ =	strace $0x8000004A;
	s4 =	simm.s32 $0x1;
	s5 =	smul.u32 $0x32, s5  }
0xc: {  	s6 =	sadd.s32 $0xA00, s6;
	s10 =	smov.u32 s2;
	[sflag:s4] =	ssyncpa.u1 $0x0  }
0xd: {  	p0 =	por $0x0, $0x0;
	[sflag:s7] =	ssyncpa.u1 $0x0;
	s7 =	sor.u32 $0x1, s5  }
.LBB1_4:
0xe: {  	s16 =	sshll.u32 s13, $0x3;
	s17 =	sand.u32 $0x78, s13  }
0xf: {  	s30 =	sand.u32 $0x1F800, s13;
	s12 =	sshll.u32 s12, $0x11;
	s16 =	sand.u32 $0x3C00, s16  }
0x10: {  	[tilespmem:s15+$0x810 ss:$0x81] =	vst.msk $0xffff, v2;
	s31 =	sand.u32 $0x7, s13;
	s16 =	sor.u32 s17, s16;
	s17 =	sadd.s32 s3, s30  }
0x11: {  	[tilespmem:s15+$0x1020 ss:$0x81] =	vst.msk $0xffff, v0;
	s13 =	sshll.u32 s31, $0x12;
	s12 =	sadd.s32 s12, s17;
	s16 =	sshrl.u32 s16, $0x3  }
0x12: {  	[tilespmem:s15+$0x0 ss:$0x81] =	vst.msk $0xffff, v1;
	s13 =	sor.u32 $0x400, s13;
	s12 =	sadd.s32 s16, s12  }
0x13: {  	[hbm4b:s12+s13] =	stream.strided.scatter [tilespmem:s14], [sflag:$0x2], $0x2000, s8, s13, $0x20;
	[tilespmem:$0x8080] =	vst v63  }
.LBB1_5:
0x14: {  	s14 =	sadd.s32 $0x1, s9  }
0x15: {  	s12 =	sadd.s32 $0x1000, s10;
	s16 =	smov.u32 s10;
	p2 =	sgt.s32 s14, $0x31  }
0x16: {  	s16 =	smov.u32 @p2 s12  }
0x17: {  	s14 =	simm.s32 @p2 $0x0;
	p2 =	sgt.s32 s16, $0x3FFF  }
0x18: {  	s16 =	smov.u32 @p2 s2;
	p2 =	sne.s32 s11, s7  }
.Ltmp1:
0x19: {  	p1 =	slt.u32 s11, $0x2;
	(pc) =	sbr.rel @!p2 .LBB1_6-.Ltmp1, $4  }
0x1a: {  	s15 =	simm.s32 @!p1 $0x2  }
0x1b: {  	s13 =	smov.u32 s10;
	p0 =	por !p0, !p0;
	_ =	swait.ge @!p1 [sflag:s15], $0x2000  }
0x1c: {  	s12 =	smov.u32 s9;
	[sflag:s15] =	ssyncset.done @!p1 $0x0;
	s9 =	smov.u32 s14  }
0x1d: {  	s11 =	sadd.s32 $0x1, s11;
	[sflag:s15] =	ssyncadd.s32 @!p1 $0xFFFFE000;
	s10 =	smov.u32 s16  }
.LBB1_1:
0x1e: {  	p1 =	sge.u32 s11, s5  }
0x1f: {  	s14 =	sand.u32 @!p1 $0x1FFFFFF, s9  }
0x20: {  	s15 =	smulhi.u32 @!p1 $0x4924925, s14;
	_ =	sdelay $0x1  }
0x21: {  	s15 =	smul.u32 @!p1 $0x38, s15  }
0x22: {  	s16 =	sxor.u32 @!p1 $0xFFFFFFFF, s11;
	s17 =	smul.u32 @!p1 $0x380, s10  }
0x23: {  	s31 =	sadd.s32 $0xFFFFFFFF, s11;
	s16 =	sshll.u32 @!p1 s16, $0xD;
	s14 =	ssub.s32 @!p1 s14, s15  }
0x24: {  	s15 =	sand.u32 @!p1 $0x2000, s16;
	s16 =	sadd.s32 @!p1 s6, s17;
	s14 =	sshll.u32 @!p1 s14, $0x4  }
0x25: {  	s17 =	simm.s32 @!p1 $0x1C00;
	s14 =	sadd.s32 @!p1 s14, s16;
	s16 =	simm.s32 @!p1 $0x40  }
0x26: {  	[tilespmem:s15], [sflag:$0x1] =	stream.strided.gather @!p1 [hbm4b:s14+s16], $0x2000, s17, s16, $0x38;
	[tilespmem:$0x8080] =	vst v63  }
0x27: {  	p1 =	sge.u32 s31, s5  }
.Ltmp2:
0x28: {  	_ = 	snop;
	(pc) =	sbr.rel @p1 .LBB1_5-.Ltmp2, $1  }
0x29: {  	_ =	sdelay $0x3  }
0x2a: {  	s14 =	simm.s32 $0x1  }
0x2b: {  	_ =	swait.ge [sflag:s4], $0x2000;
	s14 =	simm.s32 @!p0 $0x0  }
0x2c: {  	[sflag:s4] =	ssyncset.done $0x0;
	s15 =	sshll.u32 s14, $0xD  }
0x2d: {  	[sflag:s4] =	ssyncadd.s32 $0xFFFFE000;
	s18 =	sor.u32 $0x20, s15  }
0x2e: {  	s14 =	smul.u32 $0x8100, s14;
	v3 =	vld [tilespmem:s18+$0x10]  }
0x2f: {  	s30 =	sand.u32 $0x1, s11;
	v2 =	vld [tilespmem:s18+$0xFFFFFFF0]  }
0x30: {  	s15 =	smul.u32 $0x8100, s30;
	s14 =	sshrl.u32 s14, $0x2;
	v0 =	vld [tilespmem:s18+$0x0]  }
0x31: {  	v1 =	vld [tilespmem:s18+$0xFFFFFFE0];
	s16 =	sor.u32 $0x4000, s14  }
0x32: {  	s31 =	sshrl.u32 s15, $0x2;
	s15 =	sadd.s32 $0x0, s16  }
0x33: {  	s17 =	simm.s32 $0x4;
	s18 =	sadd.s32 $0x40, s18;
	s14 =	sor.u32 $0x4000, s31;
	[tilespmem:s15+$0x1830 ss:$0x81] =	vst.msk $0xffff, v3  }
.LBB1_3:
0x34: {  	v3 =	vld [tilespmem:s18+$0x10];
	p1 =	sne.s32 s17, $0x1FC;
	[tilespmem:s15+$0x810 ss:$0x81] =	vst.msk $0xffff, v2;
	s19 =	smov.u32 s17;
	s17 =	sadd.s32 $0x4, s17  }
.Ltmp3:
0x35: {  	v2 =	vld [tilespmem:s18+$0xFFFFFFF0];
	[tilespmem:s15+$0x1020 ss:$0x81] =	vst.msk $0xffff, v0;
	(pc) =	sbr.rel @p1 .LBB1_3-.Ltmp3, $4  }
0x36: {  	v0 =	vld [tilespmem:s18+$0x0];
	[tilespmem:s15+$0x0 ss:$0x81] =	vst.msk $0xffff, v1  }
0x37: {  	s15 =	sshra.s32 s19, $0x2;
	v1 =	vld [tilespmem:s18+$0xFFFFFFE0]  }
0x38: {  	s15 =	sadd.s32 s15, s16  }
0x39: {  	s18 =	sadd.s32 $0x40, s18;
	[tilespmem:s15+$0x1830 ss:$0x81] =	vst.msk $0xffff, v3  }
.Ltmp4:
0x3a: {  	_ = 	snop;
	(pc) =	sbr.rel .LBB1_4-.Ltmp4, $1  }
0x3b: {  	_ =	sdelay $0x3  }
.LBB1_6:
0x3c: {  	_ =	sfence.sel $0x180000  }
0x3d: {  	s2 =	simm.s32 $0x1;
	[bflag:$0x0] =	sbarrier.arrive $0xFFFF  }
0x3e: {  	s31 =	simm.s32 $0x2;
	[sflag:s2] =	ssyncpa.u1 $0x1  }
0x3f: {  	[sflag:s31] =	ssyncpa.u1 $0x1  }
0x40: {  	p0 =	sne.s32 s0, $0x0;
	_ =	strace $0x9000004A  }
0x41: {  	s0 =	sadd.s32 @!p0 $0x100000, s1;
	[bflag:$0x2] =	sbarrier.arrive $0xFFFF  }
0x42: {  	[sflag:s0] =	ssyncadd.tile.s32 @!p0 $0x1;
	_ =	shalt  }
.Lfunc_end1:
_tile_overlayer_lowered:
.L_overlay_start_2:
0x43: {  	(tag) =	ssettag $0x2  }
0x44: {  	s0 =	rddreg [dreg:$0x0];
	s2 =	stileid.u32  }
0x45: {  	s1 =	rddreg [dreg:$0x1];
	p0 =	sne.s32 s2, $0x0  }
0x46: {  	s3 =	rddreg [dreg:$0x2];
	[bflag:$0x3] =	sbarrier.arrive $0xFFFF;
	s2 =	simm.s32 @!p0 $0x1C01  }
0x47: {  	[timem:s3], [sflag:s2] =	dma.local @!p0 [hbm:s0], s1  }
0x48: {  	s0 =	simm.s32 @!p0 $0x1  }
0x49: {  	_ =	swait.ge @!p0 [sflag:s0], s1  }
0x4a: {  	s1 =	ssub.s32 @!p0 $0x0, s1;
	[sflag:s0] =	ssyncset.done @!p0 $0x0  }
0x4b: {  	[sflag:s0] =	ssyncadd.s32 @!p0 s1  }
0x4c: {  	[bflag:$0x3] =	sbarrier.arrive $0xFFFF  }
0x4d: {  	_ =	shalt  }

</sc_bundles>
